<compile_context>
chip_gen: v7x
topology: tpu7x:2x2x1
jax: 0.10.2.dev20260603
libtpu: 0.0.44.dev20260713+nightly
codegen_flags: <defaults>
</compile_context>

<pallas_src>
import functools

import jax
import jax.numpy as jnp
from jax import lax
from jax.experimental import pallas as pl
from jax.experimental.pallas import tpu as pltpu
from jax.experimental.pallas import tpu_sc as plsc

_NC, _NS = 2, 16
_NW = _NC * _NS
_B, _T, _C = 8, 2048, 512
_ROWS = _B * _T
_RPW = _ROWS // _NW
_R = 32
_NCHUNK = _RPW // _R
_NBUF = 7
_L = 16


def _make_sc_repeat():
    mesh = plsc.VectorSubcoreMesh(core_axis_name="c", subcore_axis_name="s")

    @functools.partial(
        pl.kernel,
        mesh=mesh,
        out_type=jax.ShapeDtypeStruct((2 * _ROWS, _C), jnp.float32),
        scratch_types=(
            [pltpu.VMEM((_R, _C), jnp.float32)] * _NBUF
            + [pltpu.VMEM((_R,), jnp.int32)] * (2 * _NBUF)
            + [pltpu.SemaphoreType.DMA] * (2 * _NBUF)
        ),
    )
    def sc_repeat(x_hbm, o_hbm, *scratch):
        bufs = scratch[:_NBUF]
        idx_e = scratch[_NBUF:2 * _NBUF]
        idx_o = scratch[2 * _NBUF:3 * _NBUF]
        rsems = scratch[3 * _NBUF:4 * _NBUF]
        wsems = scratch[4 * _NBUF:5 * _NBUF]
        w = lax.axis_index("s") * _NC + lax.axis_index("c")
        base = w * _RPW

        def fill_idx(i):
            r0 = base + i * _R
            for k in range(_R // _L):
                v = 2 * (lax.iota(jnp.int32, _L) + (r0 + k * _L))
                idx_e[i % _NBUF][pl.ds(k * _L, _L)] = v
                idx_o[i % _NBUF][pl.ds(k * _L, _L)] = v + 1

        def read(i):
            r0 = base + i * _R
            return pltpu.async_copy(
                x_hbm.at[pl.ds(r0, _R)], bufs[i % _NBUF], rsems[i % _NBUF])

        def scatter(i):
            return (
                pltpu.async_copy(bufs[i % _NBUF], o_hbm.at[idx_e[i % _NBUF]],
                                 wsems[i % _NBUF]),
                pltpu.async_copy(bufs[i % _NBUF], o_hbm.at[idx_o[i % _NBUF]],
                                 wsems[i % _NBUF]),
            )

        pending_w = [None] * _NCHUNK
        rds = [None] * _NCHUNK
        for i in range(min(_NBUF - 1, _NCHUNK)):
            fill_idx(i)
            rds[i] = read(i)
        for i in range(_NCHUNK):
            rds[i].wait()
            pending_w[i] = scatter(i)
            nxt = i + _NBUF - 1
            if nxt < _NCHUNK:
                if i >= 1:
                    for h in pending_w[i - 1]:
                        h.wait()
                fill_idx(nxt)
                rds[nxt] = read(nxt)
        for i in range(max(0, _NCHUNK - _NBUF), _NCHUNK):
            for h in pending_w[i]:
                h.wait()

    return sc_repeat


_sc_repeat = _make_sc_repeat()


def kernel(x, duration):
    del duration
    B, T, C = x.shape
    out = _sc_repeat(x.reshape(B * T, C))
    return out.reshape(B, 2 * T, C)

# --- scband reference (transcript-rebuilt; emitter-appended) ---
"""Pipeline reference for scband-length-regulator-369367188219 (READ-ONLY COPY).

The authoritative reference and input builder live on the scoring server;
editing this copy changes nothing except your own understanding.
"""

import jax, jax.numpy as jnp
import numpy as np


def setup_inputs(seed: int = 0) -> dict:
    key = jax.random.key(seed)
    k1, k2 = jax.random.split(key)
    x = jax.random.normal(k1, (8, 2048, 512), dtype=jnp.float32)
    duration = jax.random.randint(k2, (8, 2048), 0, 10, dtype=jnp.int64)
    return {"x": x, "duration": duration}


def reference(x, duration):
    # Faithful translation of LengthRegulator.call:
    # the module ignores `duration` and applies a fixed expansion_factor=2
    # repeat along the sequence (axis=1), i.e. tf.repeat(x, 2, axis=1).
    expansion_factor = 2
    x_expanded = jnp.repeat(x, expansion_factor, axis=1)
    return x_expanded

if __name__ == "__main__":
    import jax
    _d = setup_inputs()
    print(jax.jit(kernel)(*tuple(_d.values())))

</pallas_src>

<mosaic_0001>
#map = affine_map<(d0, d1) -> (0, 0)>
module attributes {stable_mosaic.version = 14 : i64} {
  func.func @sc_repeat(%arg0: i32, %arg1: i32, %arg2: memref<16384x512xf32, #tpu.memory_space<hbm>>, %arg3: memref<32768x512xf32, #tpu.memory_space<hbm>>, %arg4: memref<32x512xf32, #tpu.memory_space<vmem>>, %arg5: memref<32x512xf32, #tpu.memory_space<vmem>>, %arg6: memref<32x512xf32, #tpu.memory_space<vmem>>, %arg7: memref<32x512xf32, #tpu.memory_space<vmem>>, %arg8: memref<32x512xf32, #tpu.memory_space<vmem>>, %arg9: memref<32x512xf32, #tpu.memory_space<vmem>>, %arg10: memref<32x512xf32, #tpu.memory_space<vmem>>, %arg11: memref<32xi32, #tpu.memory_space<vmem>>, %arg12: memref<32xi32, #tpu.memory_space<vmem>>, %arg13: memref<32xi32, #tpu.memory_space<vmem>>, %arg14: memref<32xi32, #tpu.memory_space<vmem>>, %arg15: memref<32xi32, #tpu.memory_space<vmem>>, %arg16: memref<32xi32, #tpu.memory_space<vmem>>, %arg17: memref<32xi32, #tpu.memory_space<vmem>>, %arg18: memref<32xi32, #tpu.memory_space<vmem>>, %arg19: memref<32xi32, #tpu.memory_space<vmem>>, %arg20: memref<32xi32, #tpu.memory_space<vmem>>, %arg21: memref<32xi32, #tpu.memory_space<vmem>>, %arg22: memref<32xi32, #tpu.memory_space<vmem>>, %arg23: memref<32xi32, #tpu.memory_space<vmem>>, %arg24: memref<32xi32, #tpu.memory_space<vmem>>, %arg25: memref<!tpu.dma_semaphore, #tpu.memory_space<semaphore_mem>>, %arg26: memref<!tpu.dma_semaphore, #tpu.memory_space<semaphore_mem>>, %arg27: memref<!tpu.dma_semaphore, #tpu.memory_space<semaphore_mem>>, %arg28: memref<!tpu.dma_semaphore, #tpu.memory_space<semaphore_mem>>, %arg29: memref<!tpu.dma_semaphore, #tpu.memory_space<semaphore_mem>>, %arg30: memref<!tpu.dma_semaphore, #tpu.memory_space<semaphore_mem>>, %arg31: memref<!tpu.dma_semaphore, #tpu.memory_space<semaphore_mem>>, %arg32: memref<!tpu.dma_semaphore, #tpu.memory_space<semaphore_mem>>, %arg33: memref<!tpu.dma_semaphore, #tpu.memory_space<semaphore_mem>>, %arg34: memref<!tpu.dma_semaphore, #tpu.memory_space<semaphore_mem>>, %arg35: memref<!tpu.dma_semaphore, #tpu.memory_space<semaphore_mem>>, %arg36: memref<!tpu.dma_semaphore, #tpu.memory_space<semaphore_mem>>, %arg37: memref<!tpu.dma_semaphore, #tpu.memory_space<semaphore_mem>>, %arg38: memref<!tpu.dma_semaphore, #tpu.memory_space<semaphore_mem>>) attributes {dimension_semantics = [#tpu.dimension_semantics<core_parallel>, #tpu.dimension_semantics<subcore_parallel>], iteration_bounds = array<i64: 2, 16>, scalar_prefetch = 0 : i64, scratch_operands = 35 : i64, tpu.core_type = #tpu.core_type<sc_vector_subcore>, window_params = [{transform_indices = #map}, {transform_indices = #map}]} {
    %mul3A = arith.constant 2 : i32
    %mul3A_0 = arith.muli %arg1, %mul3A : i32
    %add3A = arith.addi %mul3A_0, %arg0 : i32
    %mul3A_1 = arith.constant 512 : i32
    %mul3A_2 = arith.muli %add3A, %mul3A_1 : i32
    %add3A_3 = arith.constant 0 : i32
    %add3A_4 = arith.addi %mul3A_2, %add3A_3 : i32
    %iota3A = tpu.iota {dimensions = array<i32: 0>} : vector<16xi32>
    %add3A_5 = arith.constant 0 : i32
    %add3A_6 = arith.addi %add3A_4, %add3A_5 : i32
    %add3A_7 = vector.broadcast %add3A_6 : i32 to vector<16xi32>
    %add3A_8 = arith.addi %iota3A, %add3A_7 : vector<16xi32>
    %mul3A_9 = arith.constant 2 : i32
    %mul3A_10 = vector.broadcast %mul3A_9 : i32 to vector<16xi32>
    %mul3A_11 = arith.muli %mul3A_10, %add3A_8 : vector<16xi32>
    %swap3A = arith.constant 0 : index
    %swap3A_12 = tpu.vector_load %arg11[%swap3A] {strides = array<i32>} : memref<32xi32, #tpu.memory_space<vmem>>, vector<16xi32>,
    %swap3A_13 = vector.shape_cast %swap3A_12 : vector<16xi32> to vector<16xi32>
    %swap3A_14 = vector.shape_cast %mul3A_11 : vector<16xi32> to vector<16xi32>
    tpu.vector_store %arg11[%swap3A], %swap3A_14 {strides = array<i32>} : memref<32xi32, #tpu.memory_space<vmem>>, vector<16xi32>,
    %add3A_15 = arith.constant 1 : i32
    %add3A_16 = vector.broadcast %add3A_15 : i32 to vector<16xi32>
    %add3A_17 = arith.addi %mul3A_11, %add3A_16 : vector<16xi32>
    %swap3A_18 = arith.constant 0 : index
    %swap3A_19 = tpu.vector_load %arg18[%swap3A_18] {strides = array<i32>} : memref<32xi32, #tpu.memory_space<vmem>>, vector<16xi32>,
    %swap3A_20 = vector.shape_cast %swap3A_19 : vector<16xi32> to vector<16xi32>
    %swap3A_21 = vector.shape_cast %add3A_17 : vector<16xi32> to vector<16xi32>
    tpu.vector_store %arg18[%swap3A_18], %swap3A_21 {strides = array<i32>} : memref<32xi32, #tpu.memory_space<vmem>>, vector<16xi32>,
    %iota3A_22 = tpu.iota {dimensions = array<i32: 0>} : vector<16xi32>
    %add3A_23 = arith.constant 16 : i32
    %add3A_24 = arith.addi %add3A_4, %add3A_23 : i32
    %add3A_25 = vector.broadcast %add3A_24 : i32 to vector<16xi32>
    %add3A_26 = arith.addi %iota3A_22, %add3A_25 : vector<16xi32>
    %mul3A_27 = arith.constant 2 : i32
    %mul3A_28 = vector.broadcast %mul3A_27 : i32 to vector<16xi32>
    %mul3A_29 = arith.muli %mul3A_28, %add3A_26 : vector<16xi32>
    %swap3A_30 = arith.constant 16 : index
    %swap3A_31 = tpu.vector_load %arg11[%swap3A_30] {strides = array<i32>} : memref<32xi32, #tpu.memory_space<vmem>>, vector<16xi32>,
    %swap3A_32 = vector.shape_cast %swap3A_31 : vector<16xi32> to vector<16xi32>
    %swap3A_33 = vector.shape_cast %mul3A_29 : vector<16xi32> to vector<16xi32>
    tpu.vector_store %arg11[%swap3A_30], %swap3A_33 {strides = array<i32>} : memref<32xi32, #tpu.memory_space<vmem>>, vector<16xi32>,
    %add3A_34 = arith.constant 1 : i32
    %add3A_35 = vector.broadcast %add3A_34 : i32 to vector<16xi32>
    %add3A_36 = arith.addi %mul3A_29, %add3A_35 : vector<16xi32>
    %swap3A_37 = arith.constant 16 : index
    %swap3A_38 = tpu.vector_load %arg18[%swap3A_37] {strides = array<i32>} : memref<32xi32, #tpu.memory_space<vmem>>, vector<16xi32>,
    %swap3A_39 = vector.shape_cast %swap3A_38 : vector<16xi32> to vector<16xi32>
    %swap3A_40 = vector.shape_cast %add3A_36 : vector<16xi32> to vector<16xi32>
    tpu.vector_store %arg18[%swap3A_37], %swap3A_40 {strides = array<i32>} : memref<32xi32, #tpu.memory_space<vmem>>, vector<16xi32>,
    %add3A_41 = arith.constant 0 : i32
    %add3A_42 = arith.addi %mul3A_2, %add3A_41 : i32
    %dma_start3A = arith.constant 0 : i32
    %dma_start3A_43 = tpu.memref_slice %arg2[%add3A_42, %dma_start3A] : memref<16384x512xf32, #tpu.memory_space<hbm>> -> memref<32x512xf32, #tpu.memory_space<hbm>>
    %dma_start3A_44 = arith.constant 0 : i32
    %dma_start3A_45 = tpu.memref_slice %arg2[%add3A_42, %dma_start3A_44] : memref<16384x512xf32, #tpu.memory_space<hbm>> -> memref<32x512xf32, #tpu.memory_space<hbm>>
    tpu.enqueue_dma source(%dma_start3A_45 : memref<32x512xf32, #tpu.memory_space<hbm>>) target(%arg4 : memref<32x512xf32, #tpu.memory_space<vmem>>) target_semaphore(%arg25 : memref<!tpu.dma_semaphore, #tpu.memory_space<semaphore_mem>>)
    %add3A_46 = arith.constant 32 : i32
    %add3A_47 = arith.addi %mul3A_2, %add3A_46 : i32
    %iota3A_48 = tpu.iota {dimensions = array<i32: 0>} : vector<16xi32>
    %add3A_49 = arith.constant 0 : i32
    %add3A_50 = arith.addi %add3A_47, %add3A_49 : i32
    %add3A_51 = vector.broadcast %add3A_50 : i32 to vector<16xi32>
    %add3A_52 = arith.addi %iota3A_48, %add3A_51 : vector<16xi32>
    %mul3A_53 = arith.constant 2 : i32
    %mul3A_54 = vector.broadcast %mul3A_53 : i32 to vector<16xi32>
    %mul3A_55 = arith.muli %mul3A_54, %add3A_52 : vector<16xi32>
    %swap3A_56 = arith.constant 0 : index
    %swap3A_57 = tpu.vector_load %arg12[%swap3A_56] {strides = array<i32>} : memref<32xi32, #tpu.memory_space<vmem>>, vector<16xi32>,
    %swap3A_58 = vector.shape_cast %swap3A_57 : vector<16xi32> to vector<16xi32>
    %swap3A_59 = vector.shape_cast %mul3A_55 : vector<16xi32> to vector<16xi32>
    tpu.vector_store %arg12[%swap3A_56], %swap3A_59 {strides = array<i32>} : memref<32xi32, #tpu.memory_space<vmem>>, vector<16xi32>,
    %add3A_60 = arith.constant 1 : i32
    %add3A_61 = vector.broadcast %add3A_60 : i32 to vector<16xi32>
    %add3A_62 = arith.addi %mul3A_55, %add3A_61 : vector<16xi32>
    %swap3A_63 = arith.constant 0 : index
    %swap3A_64 = tpu.vector_load %arg19[%swap3A_63] {strides = array<i32>} : memref<32xi32, #tpu.memory_space<vmem>>, vector<16xi32>,
    %swap3A_65 = vector.shape_cast %swap3A_64 : vector<16xi32> to vector<16xi32>
    %swap3A_66 = vector.shape_cast %add3A_62 : vector<16xi32> to vector<16xi32>
    tpu.vector_store %arg19[%swap3A_63], %swap3A_66 {strides = array<i32>} : memref<32xi32, #tpu.memory_space<vmem>>, vector<16xi32>,
    %iota3A_67 = tpu.iota {dimensions = array<i32: 0>} : vector<16xi32>
    %add3A_68 = arith.constant 16 : i32
    %add3A_69 = arith.addi %add3A_47, %add3A_68 : i32
    %add3A_70 = vector.broadcast %add3A_69 : i32 to vector<16xi32>
    %add3A_71 = arith.addi %iota3A_67, %add3A_70 : vector<16xi32>
    %mul3A_72 = arith.constant 2 : i32
    %mul3A_73 = vector.broadcast %mul3A_72 : i32 to vector<16xi32>
    %mul3A_74 = arith.muli %mul3A_73, %add3A_71 : vector<16xi32>
    %swap3A_75 = arith.constant 16 : index
    %swap3A_76 = tpu.vector_load %arg12[%swap3A_75] {strides = array<i32>} : memref<32xi32, #tpu.memory_space<vmem>>, vector<16xi32>,
    %swap3A_77 = vector.shape_cast %swap3A_76 : vector<16xi32> to vector<16xi32>
    %swap3A_78 = vector.shape_cast %mul3A_74 : vector<16xi32> to vector<16xi32>
    tpu.vector_store %arg12[%swap3A_75], %swap3A_78 {strides = array<i32>} : memref<32xi32, #tpu.memory_space<vmem>>, vector<16xi32>,
    %add3A_79 = arith.constant 1 : i32
    %add3A_80 = vector.broadcast %add3A_79 : i32 to vector<16xi32>
    %add3A_81 = arith.addi %mul3A_74, %add3A_80 : vector<16xi32>
    %swap3A_82 = arith.constant 16 : index
    %swap3A_83 = tpu.vector_load %arg19[%swap3A_82] {strides = array<i32>} : memref<32xi32, #tpu.memory_space<vmem>>, vector<16xi32>,
    %swap3A_84 = vector.shape_cast %swap3A_83 : vector<16xi32> to vector<16xi32>
    %swap3A_85 = vector.shape_cast %add3A_81 : vector<16xi32> to vector<16xi32>
    tpu.vector_store %arg19[%swap3A_82], %swap3A_85 {strides = array<i32>} : memref<32xi32, #tpu.memory_space<vmem>>, vector<16xi32>,
    %add3A_86 = arith.constant 32 : i32
    %add3A_87 = arith.addi %mul3A_2, %add3A_86 : i32
    %dma_start3A_88 = arith.constant 0 : i32
    %dma_start3A_89 = tpu.memref_slice %arg2[%add3A_87, %dma_start3A_88] : memref<16384x512xf32, #tpu.memory_space<hbm>> -> memref<32x512xf32, #tpu.memory_space<hbm>>
    %dma_start3A_90 = arith.constant 0 : i32
    %dma_start3A_91 = tpu.memref_slice %arg2[%add3A_87, %dma_start3A_90] : memref<16384x512xf32, #tpu.memory_space<hbm>> -> memref<32x512xf32, #tpu.memory_space<hbm>>
    tpu.enqueue_dma source(%dma_start3A_91 : memref<32x512xf32, #tpu.memory_space<hbm>>) target(%arg5 : memref<32x512xf32, #tpu.memory_space<vmem>>) target_semaphore(%arg26 : memref<!tpu.dma_semaphore, #tpu.memory_space<semaphore_mem>>)
    %add3A_92 = arith.constant 64 : i32
    %add3A_93 = arith.addi %mul3A_2, %add3A_92 : i32
    %iota3A_94 = tpu.iota {dimensions = array<i32: 0>} : vector<16xi32>
    %add3A_95 = arith.constant 0 : i32
    %add3A_96 = arith.addi %add3A_93, %add3A_95 : i32
    %add3A_97 = vector.broadcast %add3A_96 : i32 to vector<16xi32>
    %add3A_98 = arith.addi %iota3A_94, %add3A_97 : vector<16xi32>
    %mul3A_99 = arith.constant 2 : i32
    %mul3A_100 = vector.broadcast %mul3A_99 : i32 to vector<16xi32>
    %mul3A_101 = arith.muli %mul3A_100, %add3A_98 : vector<16xi32>
    %swap3A_102 = arith.constant 0 : index
    %swap3A_103 = tpu.vector_load %arg13[%swap3A_102] {strides = array<i32>} : memref<32xi32, #tpu.memory_space<vmem>>, vector<16xi32>,
    %swap3A_104 = vector.shape_cast %swap3A_103 : vector<16xi32> to vector<16xi32>
    %swap3A_105 = vector.shape_cast %mul3A_101 : vector<16xi32> to vector<16xi32>
    tpu.vector_store %arg13[%swap3A_102], %swap3A_105 {strides = array<i32>} : memref<32xi32, #tpu.memory_space<vmem>>, vector<16xi32>,
    %add3A_106 = arith.constant 1 : i32
    %add3A_107 = vector.broadcast %add3A_106 : i32 to vector<16xi32>
    %add3A_108 = arith.addi %mul3A_101, %add3A_107 : vector<16xi32>
    %swap3A_109 = arith.constant 0 : index
    %swap3A_110 = tpu.vector_load %arg20[%swap3A_109] {strides = array<i32>} : memref<32xi32, #tpu.memory_space<vmem>>, vector<16xi32>,
    %swap3A_111 = vector.shape_cast %swap3A_110 : vector<16xi32> to vector<16xi32>
    %swap3A_112 = vector.shape_cast %add3A_108 : vector<16xi32> to vector<16xi32>
    tpu.vector_store %arg20[%swap3A_109], %swap3A_112 {strides = array<i32>} : memref<32xi32, #tpu.memory_space<vmem>>, vector<16xi32>,
    %iota3A_113 = tpu.iota {dimensions = array<i32: 0>} : vector<16xi32>
    %add3A_114 = arith.constant 16 : i32
    %add3A_115 = arith.addi %add3A_93, %add3A_114 : i32
    %add3A_116 = vector.broadcast %add3A_115 : i32 to vector<16xi32>
    %add3A_117 = arith.addi %iota3A_113, %add3A_116 : vector<16xi32>
    %mul3A_118 = arith.constant 2 : i32
    %mul3A_119 = vector.broadcast %mul3A_118 : i32 to vector<16xi32>
    %mul3A_120 = arith.muli %mul3A_119, %add3A_117 : vector<16xi32>
    %swap3A_121 = arith.constant 16 : index
    %swap3A_122 = tpu.vector_load %arg13[%swap3A_121] {strides = array<i32>} : memref<32xi32, #tpu.memory_space<vmem>>, vector<16xi32>,
    %swap3A_123 = vector.shape_cast %swap3A_122 : vector<16xi32> to vector<16xi32>
    %swap3A_124 = vector.shape_cast %mul3A_120 : vector<16xi32> to vector<16xi32>
    tpu.vector_store %arg13[%swap3A_121], %swap3A_124 {strides = array<i32>} : memref<32xi32, #tpu.memory_space<vmem>>, vector<16xi32>,
    %add3A_125 = arith.constant 1 : i32
    %add3A_126 = vector.broadcast %add3A_125 : i32 to vector<16xi32>
    %add3A_127 = arith.addi %mul3A_120, %add3A_126 : vector<16xi32>
    %swap3A_128 = arith.constant 16 : index
    %swap3A_129 = tpu.vector_load %arg20[%swap3A_128] {strides = array<i32>} : memref<32xi32, #tpu.memory_space<vmem>>, vector<16xi32>,
    %swap3A_130 = vector.shape_cast %swap3A_129 : vector<16xi32> to vector<16xi32>
    %swap3A_131 = vector.shape_cast %add3A_127 : vector<16xi32> to vector<16xi32>
    tpu.vector_store %arg20[%swap3A_128], %swap3A_131 {strides = array<i32>} : memref<32xi32, #tpu.memory_space<vmem>>, vector<16xi32>,
    %add3A_132 = arith.constant 64 : i32
    %add3A_133 = arith.addi %mul3A_2, %add3A_132 : i32
    %dma_start3A_134 = arith.constant 0 : i32
    %dma_start3A_135 = tpu.memref_slice %arg2[%add3A_133, %dma_start3A_134] : memref<16384x512xf32, #tpu.memory_space<hbm>> -> memref<32x512xf32, #tpu.memory_space<hbm>>
    %dma_start3A_136 = arith.constant 0 : i32
    %dma_start3A_137 = tpu.memref_slice %arg2[%add3A_133, %dma_start3A_136] : memref<16384x512xf32, #tpu.memory_space<hbm>> -> memref<32x512xf32, #tpu.memory_space<hbm>>
    tpu.enqueue_dma source(%dma_start3A_137 : memref<32x512xf32, #tpu.memory_space<hbm>>) target(%arg6 : memref<32x512xf32, #tpu.memory_space<vmem>>) target_semaphore(%arg27 : memref<!tpu.dma_semaphore, #tpu.memory_space<semaphore_mem>>)
    %add3A_138 = arith.constant 96 : i32
    %add3A_139 = arith.addi %mul3A_2, %add3A_138 : i32
    %iota3A_140 = tpu.iota {dimensions = array<i32: 0>} : vector<16xi32>
    %add3A_141 = arith.constant 0 : i32
    %add3A_142 = arith.addi %add3A_139, %add3A_141 : i32
    %add3A_143 = vector.broadcast %add3A_142 : i32 to vector<16xi32>
    %add3A_144 = arith.addi %iota3A_140, %add3A_143 : vector<16xi32>
    %mul3A_145 = arith.constant 2 : i32
    %mul3A_146 = vector.broadcast %mul3A_145 : i32 to vector<16xi32>
    %mul3A_147 = arith.muli %mul3A_146, %add3A_144 : vector<16xi32>
    %swap3A_148 = arith.constant 0 : index
    %swap3A_149 = tpu.vector_load %arg14[%swap3A_148] {strides = array<i32>} : memref<32xi32, #tpu.memory_space<vmem>>, vector<16xi32>,
    %swap3A_150 = vector.shape_cast %swap3A_149 : vector<16xi32> to vector<16xi32>
    %swap3A_151 = vector.shape_cast %mul3A_147 : vector<16xi32> to vector<16xi32>
    tpu.vector_store %arg14[%swap3A_148], %swap3A_151 {strides = array<i32>} : memref<32xi32, #tpu.memory_space<vmem>>, vector<16xi32>,
    %add3A_152 = arith.constant 1 : i32
    %add3A_153 = vector.broadcast %add3A_152 : i32 to vector<16xi32>
    %add3A_154 = arith.addi %mul3A_147, %add3A_153 : vector<16xi32>
    %swap3A_155 = arith.constant 0 : index
    %swap3A_156 = tpu.vector_load %arg21[%swap3A_155] {strides = array<i32>} : memref<32xi32, #tpu.memory_space<vmem>>, vector<16xi32>,
    %swap3A_157 = vector.shape_cast %swap3A_156 : vector<16xi32> to vector<16xi32>
    %swap3A_158 = vector.shape_cast %add3A_154 : vector<16xi32> to vector<16xi32>
    tpu.vector_store %arg21[%swap3A_155], %swap3A_158 {strides = array<i32>} : memref<32xi32, #tpu.memory_space<vmem>>, vector<16xi32>,
    %iota3A_159 = tpu.iota {dimensions = array<i32: 0>} : vector<16xi32>
    %add3A_160 = arith.constant 16 : i32
    %add3A_161 = arith.addi %add3A_139, %add3A_160 : i32
    %add3A_162 = vector.broadcast %add3A_161 : i32 to vector<16xi32>
    %add3A_163 = arith.addi %iota3A_159, %add3A_162 : vector<16xi32>
    %mul3A_164 = arith.constant 2 : i32
    %mul3A_165 = vector.broadcast %mul3A_164 : i32 to vector<16xi32>
    %mul3A_166 = arith.muli %mul3A_165, %add3A_163 : vector<16xi32>
    %swap3A_167 = arith.constant 16 : index
    %swap3A_168 = tpu.vector_load %arg14[%swap3A_167] {strides = array<i32>} : memref<32xi32, #tpu.memory_space<vmem>>, vector<16xi32>,
    %swap3A_169 = vector.shape_cast %swap3A_168 : vector<16xi32> to vector<16xi32>
    %swap3A_170 = vector.shape_cast %mul3A_166 : vector<16xi32> to vector<16xi32>
    tpu.vector_store %arg14[%swap3A_167], %swap3A_170 {strides = array<i32>} : memref<32xi32, #tpu.memory_space<vmem>>, vector<16xi32>,
    %add3A_171 = arith.constant 1 : i32
    %add3A_172 = vector.broadcast %add3A_171 : i32 to vector<16xi32>
    %add3A_173 = arith.addi %mul3A_166, %add3A_172 : vector<16xi32>
    %swap3A_174 = arith.constant 16 : index
    %swap3A_175 = tpu.vector_load %arg21[%swap3A_174] {strides = array<i32>} : memref<32xi32, #tpu.memory_space<vmem>>, vector<16xi32>,
    %swap3A_176 = vector.shape_cast %swap3A_175 : vector<16xi32> to vector<16xi32>
    %swap3A_177 = vector.shape_cast %add3A_173 : vector<16xi32> to vector<16xi32>
    tpu.vector_store %arg21[%swap3A_174], %swap3A_177 {strides = array<i32>} : memref<32xi32, #tpu.memory_space<vmem>>, vector<16xi32>,
    %add3A_178 = arith.constant 96 : i32
    %add3A_179 = arith.addi %mul3A_2, %add3A_178 : i32
    %dma_start3A_180 = arith.constant 0 : i32
    %dma_start3A_181 = tpu.memref_slice %arg2[%add3A_179, %dma_start3A_180] : memref<16384x512xf32, #tpu.memory_space<hbm>> -> memref<32x512xf32, #tpu.memory_space<hbm>>
    %dma_start3A_182 = arith.constant 0 : i32
    %dma_start3A_183 = tpu.memref_slice %arg2[%add3A_179, %dma_start3A_182] : memref<16384x512xf32, #tpu.memory_space<hbm>> -> memref<32x512xf32, #tpu.memory_space<hbm>>
    tpu.enqueue_dma source(%dma_start3A_183 : memref<32x512xf32, #tpu.memory_space<hbm>>) target(%arg7 : memref<32x512xf32, #tpu.memory_space<vmem>>) target_semaphore(%arg28 : memref<!tpu.dma_semaphore, #tpu.memory_space<semaphore_mem>>)
    %add3A_184 = arith.constant 128 : i32
    %add3A_185 = arith.addi %mul3A_2, %add3A_184 : i32
    %iota3A_186 = tpu.iota {dimensions = array<i32: 0>} : vector<16xi32>
    %add3A_187 = arith.constant 0 : i32
    %add3A_188 = arith.addi %add3A_185, %add3A_187 : i32
    %add3A_189 = vector.broadcast %add3A_188 : i32 to vector<16xi32>
    %add3A_190 = arith.addi %iota3A_186, %add3A_189 : vector<16xi32>
    %mul3A_191 = arith.constant 2 : i32
    %mul3A_192 = vector.broadcast %mul3A_191 : i32 to vector<16xi32>
    %mul3A_193 = arith.muli %mul3A_192, %add3A_190 : vector<16xi32>
    %swap3A_194 = arith.constant 0 : index
    %swap3A_195 = tpu.vector_load %arg15[%swap3A_194] {strides = array<i32>} : memref<32xi32, #tpu.memory_space<vmem>>, vector<16xi32>,
    %swap3A_196 = vector.shape_cast %swap3A_195 : vector<16xi32> to vector<16xi32>
    %swap3A_197 = vector.shape_cast %mul3A_193 : vector<16xi32> to vector<16xi32>
    tpu.vector_store %arg15[%swap3A_194], %swap3A_197 {strides = array<i32>} : memref<32xi32, #tpu.memory_space<vmem>>, vector<16xi32>,
    %add3A_198 = arith.constant 1 : i32
    %add3A_199 = vector.broadcast %add3A_198 : i32 to vector<16xi32>
    %add3A_200 = arith.addi %mul3A_193, %add3A_199 : vector<16xi32>
    %swap3A_201 = arith.constant 0 : index
    %swap3A_202 = tpu.vector_load %arg22[%swap3A_201] {strides = array<i32>} : memref<32xi32, #tpu.memory_space<vmem>>, vector<16xi32>,
    %swap3A_203 = vector.shape_cast %swap3A_202 : vector<16xi32> to vector<16xi32>
    %swap3A_204 = vector.shape_cast %add3A_200 : vector<16xi32> to vector<16xi32>
    tpu.vector_store %arg22[%swap3A_201], %swap3A_204 {strides = array<i32>} : memref<32xi32, #tpu.memory_space<vmem>>, vector<16xi32>,
    %iota3A_205 = tpu.iota {dimensions = array<i32: 0>} : vector<16xi32>
    %add3A_206 = arith.constant 16 : i32
    %add3A_207 = arith.addi %add3A_185, %add3A_206 : i32
    %add3A_208 = vector.broadcast %add3A_207 : i32 to vector<16xi32>
    %add3A_209 = arith.addi %iota3A_205, %add3A_208 : vector<16xi32>
    %mul3A_210 = arith.constant 2 : i32
    %mul3A_211 = vector.broadcast %mul3A_210 : i32 to vector<16xi32>
    %mul3A_212 = arith.muli %mul3A_211, %add3A_209 : vector<16xi32>
    %swap3A_213 = arith.constant 16 : index
    %swap3A_214 = tpu.vector_load %arg15[%swap3A_213] {strides = array<i32>} : memref<32xi32, #tpu.memory_space<vmem>>, vector<16xi32>,
    %swap3A_215 = vector.shape_cast %swap3A_214 : vector<16xi32> to vector<16xi32>
    %swap3A_216 = vector.shape_cast %mul3A_212 : vector<16xi32> to vector<16xi32>
    tpu.vector_store %arg15[%swap3A_213], %swap3A_216 {strides = array<i32>} : memref<32xi32, #tpu.memory_space<vmem>>, vector<16xi32>,
    %add3A_217 = arith.constant 1 : i32
    %add3A_218 = vector.broadcast %add3A_217 : i32 to vector<16xi32>
    %add3A_219 = arith.addi %mul3A_212, %add3A_218 : vector<16xi32>
    %swap3A_220 = arith.constant 16 : index
    %swap3A_221 = tpu.vector_load %arg22[%swap3A_220] {strides = array<i32>} : memref<32xi32, #tpu.memory_space<vmem>>, vector<16xi32>,
    %swap3A_222 = vector.shape_cast %swap3A_221 : vector<16xi32> to vector<16xi32>
    %swap3A_223 = vector.shape_cast %add3A_219 : vector<16xi32> to vector<16xi32>
    tpu.vector_store %arg22[%swap3A_220], %swap3A_223 {strides = array<i32>} : memref<32xi32, #tpu.memory_space<vmem>>, vector<16xi32>,
    %add3A_224 = arith.constant 128 : i32
    %add3A_225 = arith.addi %mul3A_2, %add3A_224 : i32
    %dma_start3A_226 = arith.constant 0 : i32
    %dma_start3A_227 = tpu.memref_slice %arg2[%add3A_225, %dma_start3A_226] : memref<16384x512xf32, #tpu.memory_space<hbm>> -> memref<32x512xf32, #tpu.memory_space<hbm>>
    %dma_start3A_228 = arith.constant 0 : i32
    %dma_start3A_229 = tpu.memref_slice %arg2[%add3A_225, %dma_start3A_228] : memref<16384x512xf32, #tpu.memory_space<hbm>> -> memref<32x512xf32, #tpu.memory_space<hbm>>
    tpu.enqueue_dma source(%dma_start3A_229 : memref<32x512xf32, #tpu.memory_space<hbm>>) target(%arg8 : memref<32x512xf32, #tpu.memory_space<vmem>>) target_semaphore(%arg29 : memref<!tpu.dma_semaphore, #tpu.memory_space<semaphore_mem>>)
    %add3A_230 = arith.constant 160 : i32
    %add3A_231 = arith.addi %mul3A_2, %add3A_230 : i32
    %iota3A_232 = tpu.iota {dimensions = array<i32: 0>} : vector<16xi32>
    %add3A_233 = arith.constant 0 : i32
    %add3A_234 = arith.addi %add3A_231, %add3A_233 : i32
    %add3A_235 = vector.broadcast %add3A_234 : i32 to vector<16xi32>
    %add3A_236 = arith.addi %iota3A_232, %add3A_235 : vector<16xi32>
    %mul3A_237 = arith.constant 2 : i32
    %mul3A_238 = vector.broadcast %mul3A_237 : i32 to vector<16xi32>
    %mul3A_239 = arith.muli %mul3A_238, %add3A_236 : vector<16xi32>
    %swap3A_240 = arith.constant 0 : index
    %swap3A_241 = tpu.vector_load %arg16[%swap3A_240] {strides = array<i32>} : memref<32xi32, #tpu.memory_space<vmem>>, vector<16xi32>,
    %swap3A_242 = vector.shape_cast %swap3A_241 : vector<16xi32> to vector<16xi32>
    %swap3A_243 = vector.shape_cast %mul3A_239 : vector<16xi32> to vector<16xi32>
    tpu.vector_store %arg16[%swap3A_240], %swap3A_243 {strides = array<i32>} : memref<32xi32, #tpu.memory_space<vmem>>, vector<16xi32>,
    %add3A_244 = arith.constant 1 : i32
    %add3A_245 = vector.broadcast %add3A_244 : i32 to vector<16xi32>
    %add3A_246 = arith.addi %mul3A_239, %add3A_245 : vector<16xi32>
    %swap3A_247 = arith.constant 0 : index
    %swap3A_248 = tpu.vector_load %arg23[%swap3A_247] {strides = array<i32>} : memref<32xi32, #tpu.memory_space<vmem>>, vector<16xi32>,
    %swap3A_249 = vector.shape_cast %swap3A_248 : vector<16xi32> to vector<16xi32>
    %swap3A_250 = vector.shape_cast %add3A_246 : vector<16xi32> to vector<16xi32>
    tpu.vector_store %arg23[%swap3A_247], %swap3A_250 {strides = array<i32>} : memref<32xi32, #tpu.memory_space<vmem>>, vector<16xi32>,
    %iota3A_251 = tpu.iota {dimensions = array<i32: 0>} : vector<16xi32>
    %add3A_252 = arith.constant 16 : i32
    %add3A_253 = arith.addi %add3A_231, %add3A_252 : i32
    %add3A_254 = vector.broadcast %add3A_253 : i32 to vector<16xi32>
    %add3A_255 = arith.addi %iota3A_251, %add3A_254 : vector<16xi32>
    %mul3A_256 = arith.constant 2 : i32
    %mul3A_257 = vector.broadcast %mul3A_256 : i32 to vector<16xi32>
    %mul3A_258 = arith.muli %mul3A_257, %add3A_255 : vector<16xi32>
    %swap3A_259 = arith.constant 16 : index
    %swap3A_260 = tpu.vector_load %arg16[%swap3A_259] {strides = array<i32>} : memref<32xi32, #tpu.memory_space<vmem>>, vector<16xi32>,
    %swap3A_261 = vector.shape_cast %swap3A_260 : vector<16xi32> to vector<16xi32>
    %swap3A_262 = vector.shape_cast %mul3A_258 : vector<16xi32> to vector<16xi32>
    tpu.vector_store %arg16[%swap3A_259], %swap3A_262 {strides = array<i32>} : memref<32xi32, #tpu.memory_space<vmem>>, vector<16xi32>,
    %add3A_263 = arith.constant 1 : i32
    %add3A_264 = vector.broadcast %add3A_263 : i32 to vector<16xi32>
    %add3A_265 = arith.addi %mul3A_258, %add3A_264 : vector<16xi32>
    %swap3A_266 = arith.constant 16 : index
    %swap3A_267 = tpu.vector_load %arg23[%swap3A_266] {strides = array<i32>} : memref<32xi32, #tpu.memory_space<vmem>>, vector<16xi32>,
    %swap3A_268 = vector.shape_cast %swap3A_267 : vector<16xi32> to vector<16xi32>
    %swap3A_269 = vector.shape_cast %add3A_265 : vector<16xi32> to vector<16xi32>
    tpu.vector_store %arg23[%swap3A_266], %swap3A_269 {strides = array<i32>} : memref<32xi32, #tpu.memory_space<vmem>>, vector<16xi32>,
    %add3A_270 = arith.constant 160 : i32
    %add3A_271 = arith.addi %mul3A_2, %add3A_270 : i32
    %dma_start3A_272 = arith.constant 0 : i32
    %dma_start3A_273 = tpu.memref_slice %arg2[%add3A_271, %dma_start3A_272] : memref<16384x512xf32, #tpu.memory_space<hbm>> -> memref<32x512xf32, #tpu.memory_space<hbm>>
    %dma_start3A_274 = arith.constant 0 : i32
    %dma_start3A_275 = tpu.memref_slice %arg2[%add3A_271, %dma_start3A_274] : memref<16384x512xf32, #tpu.memory_space<hbm>> -> memref<32x512xf32, #tpu.memory_space<hbm>>
    tpu.enqueue_dma source(%dma_start3A_275 : memref<32x512xf32, #tpu.memory_space<hbm>>) target(%arg9 : memref<32x512xf32, #tpu.memory_space<vmem>>) target_semaphore(%arg30 : memref<!tpu.dma_semaphore, #tpu.memory_space<semaphore_mem>>)
    %dma_wait3A = arith.constant 0 : i32
    %dma_wait3A_276 = tpu.memref_slice %arg2[%add3A_42, %dma_wait3A] : memref<16384x512xf32, #tpu.memory_space<hbm>> -> memref<32x512xf32, #tpu.memory_space<hbm>>
    %dma_wait3A_277 = arith.constant 0 : i32
    %dma_wait3A_278 = tpu.memref_slice %arg2[%add3A_42, %dma_wait3A_277] : memref<16384x512xf32, #tpu.memory_space<hbm>> -> memref<32x512xf32, #tpu.memory_space<hbm>>
    tpu.wait_dma2 semaphore(%arg25 : memref<!tpu.dma_semaphore, #tpu.memory_space<semaphore_mem>>) src(%dma_wait3A_278 : memref<32x512xf32, #tpu.memory_space<hbm>>) dst(%arg4 : memref<32x512xf32, #tpu.memory_space<vmem>>)
    %dma_start3A_279 = arith.constant 0 : i32
    %dma_start3A_280 = arith.constant 0 : i32
    %dma_start3A_281 = tpu.memref_slice %arg3[%dma_start3A_279, %dma_start3A_280] : memref<32768x512xf32, #tpu.memory_space<hbm>> -> memref<32768x512xf32, #tpu.memory_space<hbm>>
    tpu.enqueue_indirect_dma source(%arg4 : memref<32x512xf32, #tpu.memory_space<vmem>>) target(%dma_start3A_281 : memref<32768x512xf32, #tpu.memory_space<hbm>>) offsets(%arg11 : memref<32xi32, #tpu.memory_space<vmem>>) semaphore(%arg32 : memref<!tpu.dma_semaphore, #tpu.memory_space<semaphore_mem>>)
    %dma_start3A_282 = arith.constant 0 : i32
    %dma_start3A_283 = arith.constant 0 : i32
    %dma_start3A_284 = tpu.memref_slice %arg3[%dma_start3A_282, %dma_start3A_283] : memref<32768x512xf32, #tpu.memory_space<hbm>> -> memref<32768x512xf32, #tpu.memory_space<hbm>>
    tpu.enqueue_indirect_dma source(%arg4 : memref<32x512xf32, #tpu.memory_space<vmem>>) target(%dma_start3A_284 : memref<32768x512xf32, #tpu.memory_space<hbm>>) offsets(%arg18 : memref<32xi32, #tpu.memory_space<vmem>>) semaphore(%arg32 : memref<!tpu.dma_semaphore, #tpu.memory_space<semaphore_mem>>)
    %add3A_285 = arith.constant 192 : i32
    %add3A_286 = arith.addi %mul3A_2, %add3A_285 : i32
    %iota3A_287 = tpu.iota {dimensions = array<i32: 0>} : vector<16xi32>
    %add3A_288 = arith.constant 0 : i32
    %add3A_289 = arith.addi %add3A_286, %add3A_288 : i32
    %add3A_290 = vector.broadcast %add3A_289 : i32 to vector<16xi32>
    %add3A_291 = arith.addi %iota3A_287, %add3A_290 : vector<16xi32>
    %mul3A_292 = arith.constant 2 : i32
    %mul3A_293 = vector.broadcast %mul3A_292 : i32 to vector<16xi32>
    %mul3A_294 = arith.muli %mul3A_293, %add3A_291 : vector<16xi32>
    %swap3A_295 = arith.constant 0 : index
    %swap3A_296 = tpu.vector_load %arg17[%swap3A_295] {strides = array<i32>} : memref<32xi32, #tpu.memory_space<vmem>>, vector<16xi32>,
    %swap3A_297 = vector.shape_cast %swap3A_296 : vector<16xi32> to vector<16xi32>
    %swap3A_298 = vector.shape_cast %mul3A_294 : vector<16xi32> to vector<16xi32>
    tpu.vector_store %arg17[%swap3A_295], %swap3A_298 {strides = array<i32>} : memref<32xi32, #tpu.memory_space<vmem>>, vector<16xi32>,
    %add3A_299 = arith.constant 1 : i32
    %add3A_300 = vector.broadcast %add3A_299 : i32 to vector<16xi32>
    %add3A_301 = arith.addi %mul3A_294, %add3A_300 : vector<16xi32>
    %swap3A_302 = arith.constant 0 : index
    %swap3A_303 = tpu.vector_load %arg24[%swap3A_302] {strides = array<i32>} : memref<32xi32, #tpu.memory_space<vmem>>, vector<16xi32>,
    %swap3A_304 = vector.shape_cast %swap3A_303 : vector<16xi32> to vector<16xi32>
    %swap3A_305 = vector.shape_cast %add3A_301 : vector<16xi32> to vector<16xi32>
    tpu.vector_store %arg24[%swap3A_302], %swap3A_305 {strides = array<i32>} : memref<32xi32, #tpu.memory_space<vmem>>, vector<16xi32>,
    %iota3A_306 = tpu.iota {dimensions = array<i32: 0>} : vector<16xi32>
    %add3A_307 = arith.constant 16 : i32
    %add3A_308 = arith.addi %add3A_286, %add3A_307 : i32
    %add3A_309 = vector.broadcast %add3A_308 : i32 to vector<16xi32>
    %add3A_310 = arith.addi %iota3A_306, %add3A_309 : vector<16xi32>
    %mul3A_311 = arith.constant 2 : i32
    %mul3A_312 = vector.broadcast %mul3A_311 : i32 to vector<16xi32>
    %mul3A_313 = arith.muli %mul3A_312, %add3A_310 : vector<16xi32>
    %swap3A_314 = arith.constant 16 : index
    %swap3A_315 = tpu.vector_load %arg17[%swap3A_314] {strides = array<i32>} : memref<32xi32, #tpu.memory_space<vmem>>, vector<16xi32>,
    %swap3A_316 = vector.shape_cast %swap3A_315 : vector<16xi32> to vector<16xi32>
    %swap3A_317 = vector.shape_cast %mul3A_313 : vector<16xi32> to vector<16xi32>
    tpu.vector_store %arg17[%swap3A_314], %swap3A_317 {strides = array<i32>} : memref<32xi32, #tpu.memory_space<vmem>>, vector<16xi32>,
    %add3A_318 = arith.constant 1 : i32
    %add3A_319 = vector.broadcast %add3A_318 : i32 to vector<16xi32>
    %add3A_320 = arith.addi %mul3A_313, %add3A_319 : vector<16xi32>
    %swap3A_321 = arith.constant 16 : index
    %swap3A_322 = tpu.vector_load %arg24[%swap3A_321] {strides = array<i32>} : memref<32xi32, #tpu.memory_space<vmem>>, vector<16xi32>,
    %swap3A_323 = vector.shape_cast %swap3A_322 : vector<16xi32> to vector<16xi32>
    %swap3A_324 = vector.shape_cast %add3A_320 : vector<16xi32> to vector<16xi32>
    tpu.vector_store %arg24[%swap3A_321], %swap3A_324 {strides = array<i32>} : memref<32xi32, #tpu.memory_space<vmem>>, vector<16xi32>,
    %add3A_325 = arith.constant 192 : i32
    %add3A_326 = arith.addi %mul3A_2, %add3A_325 : i32
    %dma_start3A_327 = arith.constant 0 : i32
    %dma_start3A_328 = tpu.memref_slice %arg2[%add3A_326, %dma_start3A_327] : memref<16384x512xf32, #tpu.memory_space<hbm>> -> memref<32x512xf32, #tpu.memory_space<hbm>>
    %dma_start3A_329 = arith.constant 0 : i32
    %dma_start3A_330 = tpu.memref_slice %arg2[%add3A_326, %dma_start3A_329] : memref<16384x512xf32, #tpu.memory_space<hbm>> -> memref<32x512xf32, #tpu.memory_space<hbm>>
    tpu.enqueue_dma source(%dma_start3A_330 : memref<32x512xf32, #tpu.memory_space<hbm>>) target(%arg10 : memref<32x512xf32, #tpu.memory_space<vmem>>) target_semaphore(%arg31 : memref<!tpu.dma_semaphore, #tpu.memory_space<semaphore_mem>>)
    %dma_wait3A_331 = arith.constant 0 : i32
    %dma_wait3A_332 = tpu.memref_slice %arg2[%add3A_87, %dma_wait3A_331] : memref<16384x512xf32, #tpu.memory_space<hbm>> -> memref<32x512xf32, #tpu.memory_space<hbm>>
    %dma_wait3A_333 = arith.constant 0 : i32
    %dma_wait3A_334 = tpu.memref_slice %arg2[%add3A_87, %dma_wait3A_333] : memref<16384x512xf32, #tpu.memory_space<hbm>> -> memref<32x512xf32, #tpu.memory_space<hbm>>
    tpu.wait_dma2 semaphore(%arg26 : memref<!tpu.dma_semaphore, #tpu.memory_space<semaphore_mem>>) src(%dma_wait3A_334 : memref<32x512xf32, #tpu.memory_space<hbm>>) dst(%arg5 : memref<32x512xf32, #tpu.memory_space<vmem>>)
    %dma_start3A_335 = arith.constant 0 : i32
    %dma_start3A_336 = arith.constant 0 : i32
    %dma_start3A_337 = tpu.memref_slice %arg3[%dma_start3A_335, %dma_start3A_336] : memref<32768x512xf32, #tpu.memory_space<hbm>> -> memref<32768x512xf32, #tpu.memory_space<hbm>>
    tpu.enqueue_indirect_dma source(%arg5 : memref<32x512xf32, #tpu.memory_space<vmem>>) target(%dma_start3A_337 : memref<32768x512xf32, #tpu.memory_space<hbm>>) offsets(%arg12 : memref<32xi32, #tpu.memory_space<vmem>>) semaphore(%arg33 : memref<!tpu.dma_semaphore, #tpu.memory_space<semaphore_mem>>)
    %dma_start3A_338 = arith.constant 0 : i32
    %dma_start3A_339 = arith.constant 0 : i32
    %dma_start3A_340 = tpu.memref_slice %arg3[%dma_start3A_338, %dma_start3A_339] : memref<32768x512xf32, #tpu.memory_space<hbm>> -> memref<32768x512xf32, #tpu.memory_space<hbm>>
    tpu.enqueue_indirect_dma source(%arg5 : memref<32x512xf32, #tpu.memory_space<vmem>>) target(%dma_start3A_340 : memref<32768x512xf32, #tpu.memory_space<hbm>>) offsets(%arg19 : memref<32xi32, #tpu.memory_space<vmem>>) semaphore(%arg33 : memref<!tpu.dma_semaphore, #tpu.memory_space<semaphore_mem>>)
    %dma_wait3A_341 = arith.constant 0 : i32
    %dma_wait3A_342 = arith.constant 0 : i32
    %dma_wait3A_343 = tpu.memref_slice %arg3[%dma_wait3A_341, %dma_wait3A_342] : memref<32768x512xf32, #tpu.memory_space<hbm>> -> memref<32768x512xf32, #tpu.memory_space<hbm>>
    tpu.wait_indirect_dma semaphore(%arg32 : memref<!tpu.dma_semaphore, #tpu.memory_space<semaphore_mem>>) src(%arg4 : memref<32x512xf32, #tpu.memory_space<vmem>>) dst(%dma_wait3A_343 : memref<32768x512xf32, #tpu.memory_space<hbm>>)
    %dma_wait3A_344 = arith.constant 0 : i32
    %dma_wait3A_345 = arith.constant 0 : i32
    %dma_wait3A_346 = tpu.memref_slice %arg3[%dma_wait3A_344, %dma_wait3A_345] : memref<32768x512xf32, #tpu.memory_space<hbm>> -> memref<32768x512xf32, #tpu.memory_space<hbm>>
    tpu.wait_indirect_dma semaphore(%arg32 : memref<!tpu.dma_semaphore, #tpu.memory_space<semaphore_mem>>) src(%arg4 : memref<32x512xf32, #tpu.memory_space<vmem>>) dst(%dma_wait3A_346 : memref<32768x512xf32, #tpu.memory_space<hbm>>)
    %add3A_347 = arith.constant 224 : i32
    %add3A_348 = arith.addi %mul3A_2, %add3A_347 : i32
    %iota3A_349 = tpu.iota {dimensions = array<i32: 0>} : vector<16xi32>
    %add3A_350 = arith.constant 0 : i32
    %add3A_351 = arith.addi %add3A_348, %add3A_350 : i32
    %add3A_352 = vector.broadcast %add3A_351 : i32 to vector<16xi32>
    %add3A_353 = arith.addi %iota3A_349, %add3A_352 : vector<16xi32>
    %mul3A_354 = arith.constant 2 : i32
    %mul3A_355 = vector.broadcast %mul3A_354 : i32 to vector<16xi32>
    %mul3A_356 = arith.muli %mul3A_355, %add3A_353 : vector<16xi32>
    %swap3A_357 = arith.constant 0 : index
    %swap3A_358 = tpu.vector_load %arg11[%swap3A_357] {strides = array<i32>} : memref<32xi32, #tpu.memory_space<vmem>>, vector<16xi32>,
    %swap3A_359 = vector.shape_cast %swap3A_358 : vector<16xi32> to vector<16xi32>
    %swap3A_360 = vector.shape_cast %mul3A_356 : vector<16xi32> to vector<16xi32>
    tpu.vector_store %arg11[%swap3A_357], %swap3A_360 {strides = array<i32>} : memref<32xi32, #tpu.memory_space<vmem>>, vector<16xi32>,
    %add3A_361 = arith.constant 1 : i32
    %add3A_362 = vector.broadcast %add3A_361 : i32 to vector<16xi32>
    %add3A_363 = arith.addi %mul3A_356, %add3A_362 : vector<16xi32>
    %swap3A_364 = arith.constant 0 : index
    %swap3A_365 = tpu.vector_load %arg18[%swap3A_364] {strides = array<i32>} : memref<32xi32, #tpu.memory_space<vmem>>, vector<16xi32>,
    %swap3A_366 = vector.shape_cast %swap3A_365 : vector<16xi32> to vector<16xi32>
    %swap3A_367 = vector.shape_cast %add3A_363 : vector<16xi32> to vector<16xi32>
    tpu.vector_store %arg18[%swap3A_364], %swap3A_367 {strides = array<i32>} : memref<32xi32, #tpu.memory_space<vmem>>, vector<16xi32>,
    %iota3A_368 = tpu.iota {dimensions = array<i32: 0>} : vector<16xi32>
    %add3A_369 = arith.constant 16 : i32
    %add3A_370 = arith.addi %add3A_348, %add3A_369 : i32
    %add3A_371 = vector.broadcast %add3A_370 : i32 to vector<16xi32>
    %add3A_372 = arith.addi %iota3A_368, %add3A_371 : vector<16xi32>
    %mul3A_373 = arith.constant 2 : i32
    %mul3A_374 = vector.broadcast %mul3A_373 : i32 to vector<16xi32>
    %mul3A_375 = arith.muli %mul3A_374, %add3A_372 : vector<16xi32>
    %swap3A_376 = arith.constant 16 : index
    %swap3A_377 = tpu.vector_load %arg11[%swap3A_376] {strides = array<i32>} : memref<32xi32, #tpu.memory_space<vmem>>, vector<16xi32>,
    %swap3A_378 = vector.shape_cast %swap3A_377 : vector<16xi32> to vector<16xi32>
    %swap3A_379 = vector.shape_cast %mul3A_375 : vector<16xi32> to vector<16xi32>
    tpu.vector_store %arg11[%swap3A_376], %swap3A_379 {strides = array<i32>} : memref<32xi32, #tpu.memory_space<vmem>>, vector<16xi32>,
    %add3A_380 = arith.constant 1 : i32
    %add3A_381 = vector.broadcast %add3A_380 : i32 to vector<16xi32>
    %add3A_382 = arith.addi %mul3A_375, %add3A_381 : vector<16xi32>
    %swap3A_383 = arith.constant 16 : index
    %swap3A_384 = tpu.vector_load %arg18[%swap3A_383] {strides = array<i32>} : memref<32xi32, #tpu.memory_space<vmem>>, vector<16xi32>,
    %swap3A_385 = vector.shape_cast %swap3A_384 : vector<16xi32> to vector<16xi32>
    %swap3A_386 = vector.shape_cast %add3A_382 : vector<16xi32> to vector<16xi32>
    tpu.vector_store %arg18[%swap3A_383], %swap3A_386 {strides = array<i32>} : memref<32xi32, #tpu.memory_space<vmem>>, vector<16xi32>,
    %add3A_387 = arith.constant 224 : i32
    %add3A_388 = arith.addi %mul3A_2, %add3A_387 : i32
    %dma_start3A_389 = arith.constant 0 : i32
    %dma_start3A_390 = tpu.memref_slice %arg2[%add3A_388, %dma_start3A_389] : memref<16384x512xf32, #tpu.memory_space<hbm>> -> memref<32x512xf32, #tpu.memory_space<hbm>>
    %dma_start3A_391 = arith.constant 0 : i32
    %dma_start3A_392 = tpu.memref_slice %arg2[%add3A_388, %dma_start3A_391] : memref<16384x512xf32, #tpu.memory_space<hbm>> -> memref<32x512xf32, #tpu.memory_space<hbm>>
    tpu.enqueue_dma source(%dma_start3A_392 : memref<32x512xf32, #tpu.memory_space<hbm>>) target(%arg4 : memref<32x512xf32, #tpu.memory_space<vmem>>) target_semaphore(%arg25 : memref<!tpu.dma_semaphore, #tpu.memory_space<semaphore_mem>>)
    %dma_wait3A_393 = arith.constant 0 : i32
    %dma_wait3A_394 = tpu.memref_slice %arg2[%add3A_133, %dma_wait3A_393] : memref<16384x512xf32, #tpu.memory_space<hbm>> -> memref<32x512xf32, #tpu.memory_space<hbm>>
    %dma_wait3A_395 = arith.constant 0 : i32
    %dma_wait3A_396 = tpu.memref_slice %arg2[%add3A_133, %dma_wait3A_395] : memref<16384x512xf32, #tpu.memory_space<hbm>> -> memref<32x512xf32, #tpu.memory_space<hbm>>
    tpu.wait_dma2 semaphore(%arg27 : memref<!tpu.dma_semaphore, #tpu.memory_space<semaphore_mem>>) src(%dma_wait3A_396 : memref<32x512xf32, #tpu.memory_space<hbm>>) dst(%arg6 : memref<32x512xf32, #tpu.memory_space<vmem>>)
    %dma_start3A_397 = arith.constant 0 : i32
    %dma_start3A_398 = arith.constant 0 : i32
    %dma_start3A_399 = tpu.memref_slice %arg3[%dma_start3A_397, %dma_start3A_398] : memref<32768x512xf32, #tpu.memory_space<hbm>> -> memref<32768x512xf32, #tpu.memory_space<hbm>>
    tpu.enqueue_indirect_dma source(%arg6 : memref<32x512xf32, #tpu.memory_space<vmem>>) target(%dma_start3A_399 : memref<32768x512xf32, #tpu.memory_space<hbm>>) offsets(%arg13 : memref<32xi32, #tpu.memory_space<vmem>>) semaphore(%arg34 : memref<!tpu.dma_semaphore, #tpu.memory_space<semaphore_mem>>)
    %dma_start3A_400 = arith.constant 0 : i32
    %dma_start3A_401 = arith.constant 0 : i32
    %dma_start3A_402 = tpu.memref_slice %arg3[%dma_start3A_400, %dma_start3A_401] : memref<32768x512xf32, #tpu.memory_space<hbm>> -> memref<32768x512xf32, #tpu.memory_space<hbm>>
    tpu.enqueue_indirect_dma source(%arg6 : memref<32x512xf32, #tpu.memory_space<vmem>>) target(%dma_start3A_402 : memref<32768x512xf32, #tpu.memory_space<hbm>>) offsets(%arg20 : memref<32xi32, #tpu.memory_space<vmem>>) semaphore(%arg34 : memref<!tpu.dma_semaphore, #tpu.memory_space<semaphore_mem>>)
    %dma_wait3A_403 = arith.constant 0 : i32
    %dma_wait3A_404 = arith.constant 0 : i32
    %dma_wait3A_405 = tpu.memref_slice %arg3[%dma_wait3A_403, %dma_wait3A_404] : memref<32768x512xf32, #tpu.memory_space<hbm>> -> memref<32768x512xf32, #tpu.memory_space<hbm>>
    tpu.wait_indirect_dma semaphore(%arg33 : memref<!tpu.dma_semaphore, #tpu.memory_space<semaphore_mem>>) src(%arg5 : memref<32x512xf32, #tpu.memory_space<vmem>>) dst(%dma_wait3A_405 : memref<32768x512xf32, #tpu.memory_space<hbm>>)
    %dma_wait3A_406 = arith.constant 0 : i32
    %dma_wait3A_407 = arith.constant 0 : i32
    %dma_wait3A_408 = tpu.memref_slice %arg3[%dma_wait3A_406, %dma_wait3A_407] : memref<32768x512xf32, #tpu.memory_space<hbm>> -> memref<32768x512xf32, #tpu.memory_space<hbm>>
    tpu.wait_indirect_dma semaphore(%arg33 : memref<!tpu.dma_semaphore, #tpu.memory_space<semaphore_mem>>) src(%arg5 : memref<32x512xf32, #tpu.memory_space<vmem>>) dst(%dma_wait3A_408 : memref<32768x512xf32, #tpu.memory_space<hbm>>)
    %add3A_409 = arith.constant 256 : i32
    %add3A_410 = arith.addi %mul3A_2, %add3A_409 : i32
    %iota3A_411 = tpu.iota {dimensions = array<i32: 0>} : vector<16xi32>
    %add3A_412 = arith.constant 0 : i32
    %add3A_413 = arith.addi %add3A_410, %add3A_412 : i32
    %add3A_414 = vector.broadcast %add3A_413 : i32 to vector<16xi32>
    %add3A_415 = arith.addi %iota3A_411, %add3A_414 : vector<16xi32>
    %mul3A_416 = arith.constant 2 : i32
    %mul3A_417 = vector.broadcast %mul3A_416 : i32 to vector<16xi32>
    %mul3A_418 = arith.muli %mul3A_417, %add3A_415 : vector<16xi32>
    %swap3A_419 = arith.constant 0 : index
    %swap3A_420 = tpu.vector_load %arg12[%swap3A_419] {strides = array<i32>} : memref<32xi32, #tpu.memory_space<vmem>>, vector<16xi32>,
    %swap3A_421 = vector.shape_cast %swap3A_420 : vector<16xi32> to vector<16xi32>
    %swap3A_422 = vector.shape_cast %mul3A_418 : vector<16xi32> to vector<16xi32>
    tpu.vector_store %arg12[%swap3A_419], %swap3A_422 {strides = array<i32>} : memref<32xi32, #tpu.memory_space<vmem>>, vector<16xi32>,
    %add3A_423 = arith.constant 1 : i32
    %add3A_424 = vector.broadcast %add3A_423 : i32 to vector<16xi32>
    %add3A_425 = arith.addi %mul3A_418, %add3A_424 : vector<16xi32>
    %swap3A_426 = arith.constant 0 : index
    %swap3A_427 = tpu.vector_load %arg19[%swap3A_426] {strides = array<i32>} : memref<32xi32, #tpu.memory_space<vmem>>, vector<16xi32>,
    %swap3A_428 = vector.shape_cast %swap3A_427 : vector<16xi32> to vector<16xi32>
    %swap3A_429 = vector.shape_cast %add3A_425 : vector<16xi32> to vector<16xi32>
    tpu.vector_store %arg19[%swap3A_426], %swap3A_429 {strides = array<i32>} : memref<32xi32, #tpu.memory_space<vmem>>, vector<16xi32>,
    %iota3A_430 = tpu.iota {dimensions = array<i32: 0>} : vector<16xi32>
    %add3A_431 = arith.constant 16 : i32
    %add3A_432 = arith.addi %add3A_410, %add3A_431 : i32
    %add3A_433 = vector.broadcast %add3A_432 : i32 to vector<16xi32>
    %add3A_434 = arith.addi %iota3A_430, %add3A_433 : vector<16xi32>
    %mul3A_435 = arith.constant 2 : i32
    %mul3A_436 = vector.broadcast %mul3A_435 : i32 to vector<16xi32>
    %mul3A_437 = arith.muli %mul3A_436, %add3A_434 : vector<16xi32>
    %swap3A_438 = arith.constant 16 : index
    %swap3A_439 = tpu.vector_load %arg12[%swap3A_438] {strides = array<i32>} : memref<32xi32, #tpu.memory_space<vmem>>, vector<16xi32>,
    %swap3A_440 = vector.shape_cast %swap3A_439 : vector<16xi32> to vector<16xi32>
    %swap3A_441 = vector.shape_cast %mul3A_437 : vector<16xi32> to vector<16xi32>
    tpu.vector_store %arg12[%swap3A_438], %swap3A_441 {strides = array<i32>} : memref<32xi32, #tpu.memory_space<vmem>>, vector<16xi32>,
    %add3A_442 = arith.constant 1 : i32
    %add3A_443 = vector.broadcast %add3A_442 : i32 to vector<16xi32>
    %add3A_444 = arith.addi %mul3A_437, %add3A_443 : vector<16xi32>
    %swap3A_445 = arith.constant 16 : index
    %swap3A_446 = tpu.vector_load %arg19[%swap3A_445] {strides = array<i32>} : memref<32xi32, #tpu.memory_space<vmem>>, vector<16xi32>,
    %swap3A_447 = vector.shape_cast %swap3A_446 : vector<16xi32> to vector<16xi32>
    %swap3A_448 = vector.shape_cast %add3A_444 : vector<16xi32> to vector<16xi32>
    tpu.vector_store %arg19[%swap3A_445], %swap3A_448 {strides = array<i32>} : memref<32xi32, #tpu.memory_space<vmem>>, vector<16xi32>,
    %add3A_449 = arith.constant 256 : i32
    %add3A_450 = arith.addi %mul3A_2, %add3A_449 : i32
    %dma_start3A_451 = arith.constant 0 : i32
    %dma_start3A_452 = tpu.memref_slice %arg2[%add3A_450, %dma_start3A_451] : memref<16384x512xf32, #tpu.memory_space<hbm>> -> memref<32x512xf32, #tpu.memory_space<hbm>>
    %dma_start3A_453 = arith.constant 0 : i32
    %dma_start3A_454 = tpu.memref_slice %arg2[%add3A_450, %dma_start3A_453] : memref<16384x512xf32, #tpu.memory_space<hbm>> -> memref<32x512xf32, #tpu.memory_space<hbm>>
    tpu.enqueue_dma source(%dma_start3A_454 : memref<32x512xf32, #tpu.memory_space<hbm>>) target(%arg5 : memref<32x512xf32, #tpu.memory_space<vmem>>) target_semaphore(%arg26 : memref<!tpu.dma_semaphore, #tpu.memory_space<semaphore_mem>>)
    %dma_wait3A_455 = arith.constant 0 : i32
    %dma_wait3A_456 = tpu.memref_slice %arg2[%add3A_179, %dma_wait3A_455] : memref<16384x512xf32, #tpu.memory_space<hbm>> -> memref<32x512xf32, #tpu.memory_space<hbm>>
    %dma_wait3A_457 = arith.constant 0 : i32
    %dma_wait3A_458 = tpu.memref_slice %arg2[%add3A_179, %dma_wait3A_457] : memref<16384x512xf32, #tpu.memory_space<hbm>> -> memref<32x512xf32, #tpu.memory_space<hbm>>
    tpu.wait_dma2 semaphore(%arg28 : memref<!tpu.dma_semaphore, #tpu.memory_space<semaphore_mem>>) src(%dma_wait3A_458 : memref<32x512xf32, #tpu.memory_space<hbm>>) dst(%arg7 : memref<32x512xf32, #tpu.memory_space<vmem>>)
    %dma_start3A_459 = arith.constant 0 : i32
    %dma_start3A_460 = arith.constant 0 : i32
    %dma_start3A_461 = tpu.memref_slice %arg3[%dma_start3A_459, %dma_start3A_460] : memref<32768x512xf32, #tpu.memory_space<hbm>> -> memref<32768x512xf32, #tpu.memory_space<hbm>>
    tpu.enqueue_indirect_dma source(%arg7 : memref<32x512xf32, #tpu.memory_space<vmem>>) target(%dma_start3A_461 : memref<32768x512xf32, #tpu.memory_space<hbm>>) offsets(%arg14 : memref<32xi32, #tpu.memory_space<vmem>>) semaphore(%arg35 : memref<!tpu.dma_semaphore, #tpu.memory_space<semaphore_mem>>)
    %dma_start3A_462 = arith.constant 0 : i32
    %dma_start3A_463 = arith.constant 0 : i32
    %dma_start3A_464 = tpu.memref_slice %arg3[%dma_start3A_462, %dma_start3A_463] : memref<32768x512xf32, #tpu.memory_space<hbm>> -> memref<32768x512xf32, #tpu.memory_space<hbm>>
    tpu.enqueue_indirect_dma source(%arg7 : memref<32x512xf32, #tpu.memory_space<vmem>>) target(%dma_start3A_464 : memref<32768x512xf32, #tpu.memory_space<hbm>>) offsets(%arg21 : memref<32xi32, #tpu.memory_space<vmem>>) semaphore(%arg35 : memref<!tpu.dma_semaphore, #tpu.memory_space<semaphore_mem>>)
    %dma_wait3A_465 = arith.constant 0 : i32
    %dma_wait3A_466 = arith.constant 0 : i32
    %dma_wait3A_467 = tpu.memref_slice %arg3[%dma_wait3A_465, %dma_wait3A_466] : memref<32768x512xf32, #tpu.memory_space<hbm>> -> memref<32768x512xf32, #tpu.memory_space<hbm>>
    tpu.wait_indirect_dma semaphore(%arg34 : memref<!tpu.dma_semaphore, #tpu.memory_space<semaphore_mem>>) src(%arg6 : memref<32x512xf32, #tpu.memory_space<vmem>>) dst(%dma_wait3A_467 : memref<32768x512xf32, #tpu.memory_space<hbm>>)
    %dma_wait3A_468 = arith.constant 0 : i32
    %dma_wait3A_469 = arith.constant 0 : i32
    %dma_wait3A_470 = tpu.memref_slice %arg3[%dma_wait3A_468, %dma_wait3A_469] : memref<32768x512xf32, #tpu.memory_space<hbm>> -> memref<32768x512xf32, #tpu.memory_space<hbm>>
    tpu.wait_indirect_dma semaphore(%arg34 : memref<!tpu.dma_semaphore, #tpu.memory_space<semaphore_mem>>) src(%arg6 : memref<32x512xf32, #tpu.memory_space<vmem>>) dst(%dma_wait3A_470 : memref<32768x512xf32, #tpu.memory_space<hbm>>)
    %add3A_471 = arith.constant 288 : i32
    %add3A_472 = arith.addi %mul3A_2, %add3A_471 : i32
    %iota3A_473 = tpu.iota {dimensions = array<i32: 0>} : vector<16xi32>
    %add3A_474 = arith.constant 0 : i32
    %add3A_475 = arith.addi %add3A_472, %add3A_474 : i32
    %add3A_476 = vector.broadcast %add3A_475 : i32 to vector<16xi32>
    %add3A_477 = arith.addi %iota3A_473, %add3A_476 : vector<16xi32>
    %mul3A_478 = arith.constant 2 : i32
    %mul3A_479 = vector.broadcast %mul3A_478 : i32 to vector<16xi32>
    %mul3A_480 = arith.muli %mul3A_479, %add3A_477 : vector<16xi32>
    %swap3A_481 = arith.constant 0 : index
    %swap3A_482 = tpu.vector_load %arg13[%swap3A_481] {strides = array<i32>} : memref<32xi32, #tpu.memory_space<vmem>>, vector<16xi32>,
    %swap3A_483 = vector.shape_cast %swap3A_482 : vector<16xi32> to vector<16xi32>
    %swap3A_484 = vector.shape_cast %mul3A_480 : vector<16xi32> to vector<16xi32>
    tpu.vector_store %arg13[%swap3A_481], %swap3A_484 {strides = array<i32>} : memref<32xi32, #tpu.memory_space<vmem>>, vector<16xi32>,
    %add3A_485 = arith.constant 1 : i32
    %add3A_486 = vector.broadcast %add3A_485 : i32 to vector<16xi32>
    %add3A_487 = arith.addi %mul3A_480, %add3A_486 : vector<16xi32>
    %swap3A_488 = arith.constant 0 : index
    %swap3A_489 = tpu.vector_load %arg20[%swap3A_488] {strides = array<i32>} : memref<32xi32, #tpu.memory_space<vmem>>, vector<16xi32>,
    %swap3A_490 = vector.shape_cast %swap3A_489 : vector<16xi32> to vector<16xi32>
    %swap3A_491 = vector.shape_cast %add3A_487 : vector<16xi32> to vector<16xi32>
    tpu.vector_store %arg20[%swap3A_488], %swap3A_491 {strides = array<i32>} : memref<32xi32, #tpu.memory_space<vmem>>, vector<16xi32>,
    %iota3A_492 = tpu.iota {dimensions = array<i32: 0>} : vector<16xi32>
    %add3A_493 = arith.constant 16 : i32
    %add3A_494 = arith.addi %add3A_472, %add3A_493 : i32
    %add3A_495 = vector.broadcast %add3A_494 : i32 to vector<16xi32>
    %add3A_496 = arith.addi %iota3A_492, %add3A_495 : vector<16xi32>
    %mul3A_497 = arith.constant 2 : i32
    %mul3A_498 = vector.broadcast %mul3A_497 : i32 to vector<16xi32>
    %mul3A_499 = arith.muli %mul3A_498, %add3A_496 : vector<16xi32>
    %swap3A_500 = arith.constant 16 : index
    %swap3A_501 = tpu.vector_load %arg13[%swap3A_500] {strides = array<i32>} : memref<32xi32, #tpu.memory_space<vmem>>, vector<16xi32>,
    %swap3A_502 = vector.shape_cast %swap3A_501 : vector<16xi32> to vector<16xi32>
    %swap3A_503 = vector.shape_cast %mul3A_499 : vector<16xi32> to vector<16xi32>
    tpu.vector_store %arg13[%swap3A_500], %swap3A_503 {strides = array<i32>} : memref<32xi32, #tpu.memory_space<vmem>>, vector<16xi32>,
    %add3A_504 = arith.constant 1 : i32
    %add3A_505 = vector.broadcast %add3A_504 : i32 to vector<16xi32>
    %add3A_506 = arith.addi %mul3A_499, %add3A_505 : vector<16xi32>
    %swap3A_507 = arith.constant 16 : index
    %swap3A_508 = tpu.vector_load %arg20[%swap3A_507] {strides = array<i32>} : memref<32xi32, #tpu.memory_space<vmem>>, vector<16xi32>,
    %swap3A_509 = vector.shape_cast %swap3A_508 : vector<16xi32> to vector<16xi32>
    %swap3A_510 = vector.shape_cast %add3A_506 : vector<16xi32> to vector<16xi32>
    tpu.vector_store %arg20[%swap3A_507], %swap3A_510 {strides = array<i32>} : memref<32xi32, #tpu.memory_space<vmem>>, vector<16xi32>,
    %add3A_511 = arith.constant 288 : i32
    %add3A_512 = arith.addi %mul3A_2, %add3A_511 : i32
    %dma_start3A_513 = arith.constant 0 : i32
    %dma_start3A_514 = tpu.memref_slice %arg2[%add3A_512, %dma_start3A_513] : memref<16384x512xf32, #tpu.memory_space<hbm>> -> memref<32x512xf32, #tpu.memory_space<hbm>>
    %dma_start3A_515 = arith.constant 0 : i32
    %dma_start3A_516 = tpu.memref_slice %arg2[%add3A_512, %dma_start3A_515] : memref<16384x512xf32, #tpu.memory_space<hbm>> -> memref<32x512xf32, #tpu.memory_space<hbm>>
    tpu.enqueue_dma source(%dma_start3A_516 : memref<32x512xf32, #tpu.memory_space<hbm>>) target(%arg6 : memref<32x512xf32, #tpu.memory_space<vmem>>) target_semaphore(%arg27 : memref<!tpu.dma_semaphore, #tpu.memory_space<semaphore_mem>>)
    %dma_wait3A_517 = arith.constant 0 : i32
    %dma_wait3A_518 = tpu.memref_slice %arg2[%add3A_225, %dma_wait3A_517] : memref<16384x512xf32, #tpu.memory_space<hbm>> -> memref<32x512xf32, #tpu.memory_space<hbm>>
    %dma_wait3A_519 = arith.constant 0 : i32
    %dma_wait3A_520 = tpu.memref_slice %arg2[%add3A_225, %dma_wait3A_519] : memref<16384x512xf32, #tpu.memory_space<hbm>> -> memref<32x512xf32, #tpu.memory_space<hbm>>
    tpu.wait_dma2 semaphore(%arg29 : memref<!tpu.dma_semaphore, #tpu.memory_space<semaphore_mem>>) src(%dma_wait3A_520 : memref<32x512xf32, #tpu.memory_space<hbm>>) dst(%arg8 : memref<32x512xf32, #tpu.memory_space<vmem>>)
    %dma_start3A_521 = arith.constant 0 : i32
    %dma_start3A_522 = arith.constant 0 : i32
    %dma_start3A_523 = tpu.memref_slice %arg3[%dma_start3A_521, %dma_start3A_522] : memref<32768x512xf32, #tpu.memory_space<hbm>> -> memref<32768x512xf32, #tpu.memory_space<hbm>>
    tpu.enqueue_indirect_dma source(%arg8 : memref<32x512xf32, #tpu.memory_space<vmem>>) target(%dma_start3A_523 : memref<32768x512xf32, #tpu.memory_space<hbm>>) offsets(%arg15 : memref<32xi32, #tpu.memory_space<vmem>>) semaphore(%arg36 : memref<!tpu.dma_semaphore, #tpu.memory_space<semaphore_mem>>)
    %dma_start3A_524 = arith.constant 0 : i32
    %dma_start3A_525 = arith.constant 0 : i32
    %dma_start3A_526 = tpu.memref_slice %arg3[%dma_start3A_524, %dma_start3A_525] : memref<32768x512xf32, #tpu.memory_space<hbm>> -> memref<32768x512xf32, #tpu.memory_space<hbm>>
    tpu.enqueue_indirect_dma source(%arg8 : memref<32x512xf32, #tpu.memory_space<vmem>>) target(%dma_start3A_526 : memref<32768x512xf32, #tpu.memory_space<hbm>>) offsets(%arg22 : memref<32xi32, #tpu.memory_space<vmem>>) semaphore(%arg36 : memref<!tpu.dma_semaphore, #tpu.memory_space<semaphore_mem>>)
    %dma_wait3A_527 = arith.constant 0 : i32
    %dma_wait3A_528 = arith.constant 0 : i32
    %dma_wait3A_529 = tpu.memref_slice %arg3[%dma_wait3A_527, %dma_wait3A_528] : memref<32768x512xf32, #tpu.memory_space<hbm>> -> memref<32768x512xf32, #tpu.memory_space<hbm>>
    tpu.wait_indirect_dma semaphore(%arg35 : memref<!tpu.dma_semaphore, #tpu.memory_space<semaphore_mem>>) src(%arg7 : memref<32x512xf32, #tpu.memory_space<vmem>>) dst(%dma_wait3A_529 : memref<32768x512xf32, #tpu.memory_space<hbm>>)
    %dma_wait3A_530 = arith.constant 0 : i32
    %dma_wait3A_531 = arith.constant 0 : i32
    %dma_wait3A_532 = tpu.memref_slice %arg3[%dma_wait3A_530, %dma_wait3A_531] : memref<32768x512xf32, #tpu.memory_space<hbm>> -> memref<32768x512xf32, #tpu.memory_space<hbm>>
    tpu.wait_indirect_dma semaphore(%arg35 : memref<!tpu.dma_semaphore, #tpu.memory_space<semaphore_mem>>) src(%arg7 : memref<32x512xf32, #tpu.memory_space<vmem>>) dst(%dma_wait3A_532 : memref<32768x512xf32, #tpu.memory_space<hbm>>)
    %add3A_533 = arith.constant 320 : i32
    %add3A_534 = arith.addi %mul3A_2, %add3A_533 : i32
    %iota3A_535 = tpu.iota {dimensions = array<i32: 0>} : vector<16xi32>
    %add3A_536 = arith.constant 0 : i32
    %add3A_537 = arith.addi %add3A_534, %add3A_536 : i32
    %add3A_538 = vector.broadcast %add3A_537 : i32 to vector<16xi32>
    %add3A_539 = arith.addi %iota3A_535, %add3A_538 : vector<16xi32>
    %mul3A_540 = arith.constant 2 : i32
    %mul3A_541 = vector.broadcast %mul3A_540 : i32 to vector<16xi32>
    %mul3A_542 = arith.muli %mul3A_541, %add3A_539 : vector<16xi32>
    %swap3A_543 = arith.constant 0 : index
    %swap3A_544 = tpu.vector_load %arg14[%swap3A_543] {strides = array<i32>} : memref<32xi32, #tpu.memory_space<vmem>>, vector<16xi32>,
    %swap3A_545 = vector.shape_cast %swap3A_544 : vector<16xi32> to vector<16xi32>
    %swap3A_546 = vector.shape_cast %mul3A_542 : vector<16xi32> to vector<16xi32>
    tpu.vector_store %arg14[%swap3A_543], %swap3A_546 {strides = array<i32>} : memref<32xi32, #tpu.memory_space<vmem>>, vector<16xi32>,
    %add3A_547 = arith.constant 1 : i32
    %add3A_548 = vector.broadcast %add3A_547 : i32 to vector<16xi32>
    %add3A_549 = arith.addi %mul3A_542, %add3A_548 : vector<16xi32>
    %swap3A_550 = arith.constant 0 : index
    %swap3A_551 = tpu.vector_load %arg21[%swap3A_550] {strides = array<i32>} : memref<32xi32, #tpu.memory_space<vmem>>, vector<16xi32>,
    %swap3A_552 = vector.shape_cast %swap3A_551 : vector<16xi32> to vector<16xi32>
    %swap3A_553 = vector.shape_cast %add3A_549 : vector<16xi32> to vector<16xi32>
    tpu.vector_store %arg21[%swap3A_550], %swap3A_553 {strides = array<i32>} : memref<32xi32, #tpu.memory_space<vmem>>, vector<16xi32>,
    %iota3A_554 = tpu.iota {dimensions = array<i32: 0>} : vector<16xi32>
    %add3A_555 = arith.constant 16 : i32
    %add3A_556 = arith.addi %add3A_534, %add3A_555 : i32
    %add3A_557 = vector.broadcast %add3A_556 : i32 to vector<16xi32>
    %add3A_558 = arith.addi %iota3A_554, %add3A_557 : vector<16xi32>
    %mul3A_559 = arith.constant 2 : i32
    %mul3A_560 = vector.broadcast %mul3A_559 : i32 to vector<16xi32>
    %mul3A_561 = arith.muli %mul3A_560, %add3A_558 : vector<16xi32>
    %swap3A_562 = arith.constant 16 : index
    %swap3A_563 = tpu.vector_load %arg14[%swap3A_562] {strides = array<i32>} : memref<32xi32, #tpu.memory_space<vmem>>, vector<16xi32>,
    %swap3A_564 = vector.shape_cast %swap3A_563 : vector<16xi32> to vector<16xi32>
    %swap3A_565 = vector.shape_cast %mul3A_561 : vector<16xi32> to vector<16xi32>
    tpu.vector_store %arg14[%swap3A_562], %swap3A_565 {strides = array<i32>} : memref<32xi32, #tpu.memory_space<vmem>>, vector<16xi32>,
    %add3A_566 = arith.constant 1 : i32
    %add3A_567 = vector.broadcast %add3A_566 : i32 to vector<16xi32>
    %add3A_568 = arith.addi %mul3A_561, %add3A_567 : vector<16xi32>
    %swap3A_569 = arith.constant 16 : index
    %swap3A_570 = tpu.vector_load %arg21[%swap3A_569] {strides = array<i32>} : memref<32xi32, #tpu.memory_space<vmem>>, vector<16xi32>,
    %swap3A_571 = vector.shape_cast %swap3A_570 : vector<16xi32> to vector<16xi32>
    %swap3A_572 = vector.shape_cast %add3A_568 : vector<16xi32> to vector<16xi32>
    tpu.vector_store %arg21[%swap3A_569], %swap3A_572 {strides = array<i32>} : memref<32xi32, #tpu.memory_space<vmem>>, vector<16xi32>,
    %add3A_573 = arith.constant 320 : i32
    %add3A_574 = arith.addi %mul3A_2, %add3A_573 : i32
    %dma_start3A_575 = arith.constant 0 : i32
    %dma_start3A_576 = tpu.memref_slice %arg2[%add3A_574, %dma_start3A_575] : memref<16384x512xf32, #tpu.memory_space<hbm>> -> memref<32x512xf32, #tpu.memory_space<hbm>>
    %dma_start3A_577 = arith.constant 0 : i32
    %dma_start3A_578 = tpu.memref_slice %arg2[%add3A_574, %dma_start3A_577] : memref<16384x512xf32, #tpu.memory_space<hbm>> -> memref<32x512xf32, #tpu.memory_space<hbm>>
    tpu.enqueue_dma source(%dma_start3A_578 : memref<32x512xf32, #tpu.memory_space<hbm>>) target(%arg7 : memref<32x512xf32, #tpu.memory_space<vmem>>) target_semaphore(%arg28 : memref<!tpu.dma_semaphore, #tpu.memory_space<semaphore_mem>>)
    %dma_wait3A_579 = arith.constant 0 : i32
    %dma_wait3A_580 = tpu.memref_slice %arg2[%add3A_271, %dma_wait3A_579] : memref<16384x512xf32, #tpu.memory_space<hbm>> -> memref<32x512xf32, #tpu.memory_space<hbm>>
    %dma_wait3A_581 = arith.constant 0 : i32
    %dma_wait3A_582 = tpu.memref_slice %arg2[%add3A_271, %dma_wait3A_581] : memref<16384x512xf32, #tpu.memory_space<hbm>> -> memref<32x512xf32, #tpu.memory_space<hbm>>
    tpu.wait_dma2 semaphore(%arg30 : memref<!tpu.dma_semaphore, #tpu.memory_space<semaphore_mem>>) src(%dma_wait3A_582 : memref<32x512xf32, #tpu.memory_space<hbm>>) dst(%arg9 : memref<32x512xf32, #tpu.memory_space<vmem>>)
    %dma_start3A_583 = arith.constant 0 : i32
    %dma_start3A_584 = arith.constant 0 : i32
    %dma_start3A_585 = tpu.memref_slice %arg3[%dma_start3A_583, %dma_start3A_584] : memref<32768x512xf32, #tpu.memory_space<hbm>> -> memref<32768x512xf32, #tpu.memory_space<hbm>>
    tpu.enqueue_indirect_dma source(%arg9 : memref<32x512xf32, #tpu.memory_space<vmem>>) target(%dma_start3A_585 : memref<32768x512xf32, #tpu.memory_space<hbm>>) offsets(%arg16 : memref<32xi32, #tpu.memory_space<vmem>>) semaphore(%arg37 : memref<!tpu.dma_semaphore, #tpu.memory_space<semaphore_mem>>)
    %dma_start3A_586 = arith.constant 0 : i32
    %dma_start3A_587 = arith.constant 0 : i32
    %dma_start3A_588 = tpu.memref_slice %arg3[%dma_start3A_586, %dma_start3A_587] : memref<32768x512xf32, #tpu.memory_space<hbm>> -> memref<32768x512xf32, #tpu.memory_space<hbm>>
    tpu.enqueue_indirect_dma source(%arg9 : memref<32x512xf32, #tpu.memory_space<vmem>>) target(%dma_start3A_588 : memref<32768x512xf32, #tpu.memory_space<hbm>>) offsets(%arg23 : memref<32xi32, #tpu.memory_space<vmem>>) semaphore(%arg37 : memref<!tpu.dma_semaphore, #tpu.memory_space<semaphore_mem>>)
    %dma_wait3A_589 = arith.constant 0 : i32
    %dma_wait3A_590 = arith.constant 0 : i32
    %dma_wait3A_591 = tpu.memref_slice %arg3[%dma_wait3A_589, %dma_wait3A_590] : memref<32768x512xf32, #tpu.memory_space<hbm>> -> memref<32768x512xf32, #tpu.memory_space<hbm>>
    tpu.wait_indirect_dma semaphore(%arg36 : memref<!tpu.dma_semaphore, #tpu.memory_space<semaphore_mem>>) src(%arg8 : memref<32x512xf32, #tpu.memory_space<vmem>>) dst(%dma_wait3A_591 : memref<32768x512xf32, #tpu.memory_space<hbm>>)
    %dma_wait3A_592 = arith.constant 0 : i32
    %dma_wait3A_593 = arith.constant 0 : i32
    %dma_wait3A_594 = tpu.memref_slice %arg3[%dma_wait3A_592, %dma_wait3A_593] : memref<32768x512xf32, #tpu.memory_space<hbm>> -> memref<32768x512xf32, #tpu.memory_space<hbm>>
    tpu.wait_indirect_dma semaphore(%arg36 : memref<!tpu.dma_semaphore, #tpu.memory_space<semaphore_mem>>) src(%arg8 : memref<32x512xf32, #tpu.memory_space<vmem>>) dst(%dma_wait3A_594 : memref<32768x512xf32, #tpu.memory_space<hbm>>)
    %add3A_595 = arith.constant 352 : i32
    %add3A_596 = arith.addi %mul3A_2, %add3A_595 : i32
    %iota3A_597 = tpu.iota {dimensions = array<i32: 0>} : vector<16xi32>
    %add3A_598 = arith.constant 0 : i32
    %add3A_599 = arith.addi %add3A_596, %add3A_598 : i32
    %add3A_600 = vector.broadcast %add3A_599 : i32 to vector<16xi32>
    %add3A_601 = arith.addi %iota3A_597, %add3A_600 : vector<16xi32>
    %mul3A_602 = arith.constant 2 : i32
    %mul3A_603 = vector.broadcast %mul3A_602 : i32 to vector<16xi32>
    %mul3A_604 = arith.muli %mul3A_603, %add3A_601 : vector<16xi32>
    %swap3A_605 = arith.constant 0 : index
    %swap3A_606 = tpu.vector_load %arg15[%swap3A_605] {strides = array<i32>} : memref<32xi32, #tpu.memory_space<vmem>>, vector<16xi32>,
    %swap3A_607 = vector.shape_cast %swap3A_606 : vector<16xi32> to vector<16xi32>
    %swap3A_608 = vector.shape_cast %mul3A_604 : vector<16xi32> to vector<16xi32>
    tpu.vector_store %arg15[%swap3A_605], %swap3A_608 {strides = array<i32>} : memref<32xi32, #tpu.memory_space<vmem>>, vector<16xi32>,
    %add3A_609 = arith.constant 1 : i32
    %add3A_610 = vector.broadcast %add3A_609 : i32 to vector<16xi32>
    %add3A_611 = arith.addi %mul3A_604, %add3A_610 : vector<16xi32>
    %swap3A_612 = arith.constant 0 : index
    %swap3A_613 = tpu.vector_load %arg22[%swap3A_612] {strides = array<i32>} : memref<32xi32, #tpu.memory_space<vmem>>, vector<16xi32>,
    %swap3A_614 = vector.shape_cast %swap3A_613 : vector<16xi32> to vector<16xi32>
    %swap3A_615 = vector.shape_cast %add3A_611 : vector<16xi32> to vector<16xi32>
    tpu.vector_store %arg22[%swap3A_612], %swap3A_615 {strides = array<i32>} : memref<32xi32, #tpu.memory_space<vmem>>, vector<16xi32>,
    %iota3A_616 = tpu.iota {dimensions = array<i32: 0>} : vector<16xi32>
    %add3A_617 = arith.constant 16 : i32
    %add3A_618 = arith.addi %add3A_596, %add3A_617 : i32
    %add3A_619 = vector.broadcast %add3A_618 : i32 to vector<16xi32>
    %add3A_620 = arith.addi %iota3A_616, %add3A_619 : vector<16xi32>
    %mul3A_621 = arith.constant 2 : i32
    %mul3A_622 = vector.broadcast %mul3A_621 : i32 to vector<16xi32>
    %mul3A_623 = arith.muli %mul3A_622, %add3A_620 : vector<16xi32>
    %swap3A_624 = arith.constant 16 : index
    %swap3A_625 = tpu.vector_load %arg15[%swap3A_624] {strides = array<i32>} : memref<32xi32, #tpu.memory_space<vmem>>, vector<16xi32>,
    %swap3A_626 = vector.shape_cast %swap3A_625 : vector<16xi32> to vector<16xi32>
    %swap3A_627 = vector.shape_cast %mul3A_623 : vector<16xi32> to vector<16xi32>
    tpu.vector_store %arg15[%swap3A_624], %swap3A_627 {strides = array<i32>} : memref<32xi32, #tpu.memory_space<vmem>>, vector<16xi32>,
    %add3A_628 = arith.constant 1 : i32
    %add3A_629 = vector.broadcast %add3A_628 : i32 to vector<16xi32>
    %add3A_630 = arith.addi %mul3A_623, %add3A_629 : vector<16xi32>
    %swap3A_631 = arith.constant 16 : index
    %swap3A_632 = tpu.vector_load %arg22[%swap3A_631] {strides = array<i32>} : memref<32xi32, #tpu.memory_space<vmem>>, vector<16xi32>,
    %swap3A_633 = vector.shape_cast %swap3A_632 : vector<16xi32> to vector<16xi32>
    %swap3A_634 = vector.shape_cast %add3A_630 : vector<16xi32> to vector<16xi32>
    tpu.vector_store %arg22[%swap3A_631], %swap3A_634 {strides = array<i32>} : memref<32xi32, #tpu.memory_space<vmem>>, vector<16xi32>,
    %add3A_635 = arith.constant 352 : i32
    %add3A_636 = arith.addi %mul3A_2, %add3A_635 : i32
    %dma_start3A_637 = arith.constant 0 : i32
    %dma_start3A_638 = tpu.memref_slice %arg2[%add3A_636, %dma_start3A_637] : memref<16384x512xf32, #tpu.memory_space<hbm>> -> memref<32x512xf32, #tpu.memory_space<hbm>>
    %dma_start3A_639 = arith.constant 0 : i32
    %dma_start3A_640 = tpu.memref_slice %arg2[%add3A_636, %dma_start3A_639] : memref<16384x512xf32, #tpu.memory_space<hbm>> -> memref<32x512xf32, #tpu.memory_space<hbm>>
    tpu.enqueue_dma source(%dma_start3A_640 : memref<32x512xf32, #tpu.memory_space<hbm>>) target(%arg8 : memref<32x512xf32, #tpu.memory_space<vmem>>) target_semaphore(%arg29 : memref<!tpu.dma_semaphore, #tpu.memory_space<semaphore_mem>>)
    %dma_wait3A_641 = arith.constant 0 : i32
    %dma_wait3A_642 = tpu.memref_slice %arg2[%add3A_326, %dma_wait3A_641] : memref<16384x512xf32, #tpu.memory_space<hbm>> -> memref<32x512xf32, #tpu.memory_space<hbm>>
    %dma_wait3A_643 = arith.constant 0 : i32
    %dma_wait3A_644 = tpu.memref_slice %arg2[%add3A_326, %dma_wait3A_643] : memref<16384x512xf32, #tpu.memory_space<hbm>> -> memref<32x512xf32, #tpu.memory_space<hbm>>
    tpu.wait_dma2 semaphore(%arg31 : memref<!tpu.dma_semaphore, #tpu.memory_space<semaphore_mem>>) src(%dma_wait3A_644 : memref<32x512xf32, #tpu.memory_space<hbm>>) dst(%arg10 : memref<32x512xf32, #tpu.memory_space<vmem>>)
    %dma_start3A_645 = arith.constant 0 : i32
    %dma_start3A_646 = arith.constant 0 : i32
    %dma_start3A_647 = tpu.memref_slice %arg3[%dma_start3A_645, %dma_start3A_646] : memref<32768x512xf32, #tpu.memory_space<hbm>> -> memref<32768x512xf32, #tpu.memory_space<hbm>>
    tpu.enqueue_indirect_dma source(%arg10 : memref<32x512xf32, #tpu.memory_space<vmem>>) target(%dma_start3A_647 : memref<32768x512xf32, #tpu.memory_space<hbm>>) offsets(%arg17 : memref<32xi32, #tpu.memory_space<vmem>>) semaphore(%arg38 : memref<!tpu.dma_semaphore, #tpu.memory_space<semaphore_mem>>)
    %dma_start3A_648 = arith.constant 0 : i32
    %dma_start3A_649 = arith.constant 0 : i32
    %dma_start3A_650 = tpu.memref_slice %arg3[%dma_start3A_648, %dma_start3A_649] : memref<32768x512xf32, #tpu.memory_space<hbm>> -> memref<32768x512xf32, #tpu.memory_space<hbm>>
    tpu.enqueue_indirect_dma source(%arg10 : memref<32x512xf32, #tpu.memory_space<vmem>>) target(%dma_start3A_650 : memref<32768x512xf32, #tpu.memory_space<hbm>>) offsets(%arg24 : memref<32xi32, #tpu.memory_space<vmem>>) semaphore(%arg38 : memref<!tpu.dma_semaphore, #tpu.memory_space<semaphore_mem>>)
    %dma_wait3A_651 = arith.constant 0 : i32
    %dma_wait3A_652 = arith.constant 0 : i32
    %dma_wait3A_653 = tpu.memref_slice %arg3[%dma_wait3A_651, %dma_wait3A_652] : memref<32768x512xf32, #tpu.memory_space<hbm>> -> memref<32768x512xf32, #tpu.memory_space<hbm>>
    tpu.wait_indirect_dma semaphore(%arg37 : memref<!tpu.dma_semaphore, #tpu.memory_space<semaphore_mem>>) src(%arg9 : memref<32x512xf32, #tpu.memory_space<vmem>>) dst(%dma_wait3A_653 : memref<32768x512xf32, #tpu.memory_space<hbm>>)
    %dma_wait3A_654 = arith.constant 0 : i32
    %dma_wait3A_655 = arith.constant 0 : i32
    %dma_wait3A_656 = tpu.memref_slice %arg3[%dma_wait3A_654, %dma_wait3A_655] : memref<32768x512xf32, #tpu.memory_space<hbm>> -> memref<32768x512xf32, #tpu.memory_space<hbm>>
    tpu.wait_indirect_dma semaphore(%arg37 : memref<!tpu.dma_semaphore, #tpu.memory_space<semaphore_mem>>) src(%arg9 : memref<32x512xf32, #tpu.memory_space<vmem>>) dst(%dma_wait3A_656 : memref<32768x512xf32, #tpu.memory_space<hbm>>)
    %add3A_657 = arith.constant 384 : i32
    %add3A_658 = arith.addi %mul3A_2, %add3A_657 : i32
    %iota3A_659 = tpu.iota {dimensions = array<i32: 0>} : vector<16xi32>
    %add3A_660 = arith.constant 0 : i32
    %add3A_661 = arith.addi %add3A_658, %add3A_660 : i32
    %add3A_662 = vector.broadcast %add3A_661 : i32 to vector<16xi32>
    %add3A_663 = arith.addi %iota3A_659, %add3A_662 : vector<16xi32>
    %mul3A_664 = arith.constant 2 : i32
    %mul3A_665 = vector.broadcast %mul3A_664 : i32 to vector<16xi32>
    %mul3A_666 = arith.muli %mul3A_665, %add3A_663 : vector<16xi32>
    %swap3A_667 = arith.constant 0 : index
    %swap3A_668 = tpu.vector_load %arg16[%swap3A_667] {strides = array<i32>} : memref<32xi32, #tpu.memory_space<vmem>>, vector<16xi32>,
    %swap3A_669 = vector.shape_cast %swap3A_668 : vector<16xi32> to vector<16xi32>
    %swap3A_670 = vector.shape_cast %mul3A_666 : vector<16xi32> to vector<16xi32>
    tpu.vector_store %arg16[%swap3A_667], %swap3A_670 {strides = array<i32>} : memref<32xi32, #tpu.memory_space<vmem>>, vector<16xi32>,
    %add3A_671 = arith.constant 1 : i32
    %add3A_672 = vector.broadcast %add3A_671 : i32 to vector<16xi32>
    %add3A_673 = arith.addi %mul3A_666, %add3A_672 : vector<16xi32>
    %swap3A_674 = arith.constant 0 : index
    %swap3A_675 = tpu.vector_load %arg23[%swap3A_674] {strides = array<i32>} : memref<32xi32, #tpu.memory_space<vmem>>, vector<16xi32>,
    %swap3A_676 = vector.shape_cast %swap3A_675 : vector<16xi32> to vector<16xi32>
    %swap3A_677 = vector.shape_cast %add3A_673 : vector<16xi32> to vector<16xi32>
    tpu.vector_store %arg23[%swap3A_674], %swap3A_677 {strides = array<i32>} : memref<32xi32, #tpu.memory_space<vmem>>, vector<16xi32>,
    %iota3A_678 = tpu.iota {dimensions = array<i32: 0>} : vector<16xi32>
    %add3A_679 = arith.constant 16 : i32
    %add3A_680 = arith.addi %add3A_658, %add3A_679 : i32
    %add3A_681 = vector.broadcast %add3A_680 : i32 to vector<16xi32>
    %add3A_682 = arith.addi %iota3A_678, %add3A_681 : vector<16xi32>
    %mul3A_683 = arith.constant 2 : i32
    %mul3A_684 = vector.broadcast %mul3A_683 : i32 to vector<16xi32>
    %mul3A_685 = arith.muli %mul3A_684, %add3A_682 : vector<16xi32>
    %swap3A_686 = arith.constant 16 : index
    %swap3A_687 = tpu.vector_load %arg16[%swap3A_686] {strides = array<i32>} : memref<32xi32, #tpu.memory_space<vmem>>, vector<16xi32>,
    %swap3A_688 = vector.shape_cast %swap3A_687 : vector<16xi32> to vector<16xi32>
    %swap3A_689 = vector.shape_cast %mul3A_685 : vector<16xi32> to vector<16xi32>
    tpu.vector_store %arg16[%swap3A_686], %swap3A_689 {strides = array<i32>} : memref<32xi32, #tpu.memory_space<vmem>>, vector<16xi32>,
    %add3A_690 = arith.constant 1 : i32
    %add3A_691 = vector.broadcast %add3A_690 : i32 to vector<16xi32>
    %add3A_692 = arith.addi %mul3A_685, %add3A_691 : vector<16xi32>
    %swap3A_693 = arith.constant 16 : index
    %swap3A_694 = tpu.vector_load %arg23[%swap3A_693] {strides = array<i32>} : memref<32xi32, #tpu.memory_space<vmem>>, vector<16xi32>,
    %swap3A_695 = vector.shape_cast %swap3A_694 : vector<16xi32> to vector<16xi32>
    %swap3A_696 = vector.shape_cast %add3A_692 : vector<16xi32> to vector<16xi32>
    tpu.vector_store %arg23[%swap3A_693], %swap3A_696 {strides = array<i32>} : memref<32xi32, #tpu.memory_space<vmem>>, vector<16xi32>,
    %add3A_697 = arith.constant 384 : i32
    %add3A_698 = arith.addi %mul3A_2, %add3A_697 : i32
    %dma_start3A_699 = arith.constant 0 : i32
    %dma_start3A_700 = tpu.memref_slice %arg2[%add3A_698, %dma_start3A_699] : memref<16384x512xf32, #tpu.memory_space<hbm>> -> memref<32x512xf32, #tpu.memory_space<hbm>>
    %dma_start3A_701 = arith.constant 0 : i32
    %dma_start3A_702 = tpu.memref_slice %arg2[%add3A_698, %dma_start3A_701] : memref<16384x512xf32, #tpu.memory_space<hbm>> -> memref<32x512xf32, #tpu.memory_space<hbm>>
    tpu.enqueue_dma source(%dma_start3A_702 : memref<32x512xf32, #tpu.memory_space<hbm>>) target(%arg9 : memref<32x512xf32, #tpu.memory_space<vmem>>) target_semaphore(%arg30 : memref<!tpu.dma_semaphore, #tpu.memory_space<semaphore_mem>>)
    %dma_wait3A_703 = arith.constant 0 : i32
    %dma_wait3A_704 = tpu.memref_slice %arg2[%add3A_388, %dma_wait3A_703] : memref<16384x512xf32, #tpu.memory_space<hbm>> -> memref<32x512xf32, #tpu.memory_space<hbm>>
    %dma_wait3A_705 = arith.constant 0 : i32
    %dma_wait3A_706 = tpu.memref_slice %arg2[%add3A_388, %dma_wait3A_705] : memref<16384x512xf32, #tpu.memory_space<hbm>> -> memref<32x512xf32, #tpu.memory_space<hbm>>
    tpu.wait_dma2 semaphore(%arg25 : memref<!tpu.dma_semaphore, #tpu.memory_space<semaphore_mem>>) src(%dma_wait3A_706 : memref<32x512xf32, #tpu.memory_space<hbm>>) dst(%arg4 : memref<32x512xf32, #tpu.memory_space<vmem>>)
    %dma_start3A_707 = arith.constant 0 : i32
    %dma_start3A_708 = arith.constant 0 : i32
    %dma_start3A_709 = tpu.memref_slice %arg3[%dma_start3A_707, %dma_start3A_708] : memref<32768x512xf32, #tpu.memory_space<hbm>> -> memref<32768x512xf32, #tpu.memory_space<hbm>>
    tpu.enqueue_indirect_dma source(%arg4 : memref<32x512xf32, #tpu.memory_space<vmem>>) target(%dma_start3A_709 : memref<32768x512xf32, #tpu.memory_space<hbm>>) offsets(%arg11 : memref<32xi32, #tpu.memory_space<vmem>>) semaphore(%arg32 : memref<!tpu.dma_semaphore, #tpu.memory_space<semaphore_mem>>)
    %dma_start3A_710 = arith.constant 0 : i32
    %dma_start3A_711 = arith.constant 0 : i32
    %dma_start3A_712 = tpu.memref_slice %arg3[%dma_start3A_710, %dma_start3A_711] : memref<32768x512xf32, #tpu.memory_space<hbm>> -> memref<32768x512xf32, #tpu.memory_space<hbm>>
    tpu.enqueue_indirect_dma source(%arg4 : memref<32x512xf32, #tpu.memory_space<vmem>>) target(%dma_start3A_712 : memref<32768x512xf32, #tpu.memory_space<hbm>>) offsets(%arg18 : memref<32xi32, #tpu.memory_space<vmem>>) semaphore(%arg32 : memref<!tpu.dma_semaphore, #tpu.memory_space<semaphore_mem>>)
    %dma_wait3A_713 = arith.constant 0 : i32
    %dma_wait3A_714 = arith.constant 0 : i32
    %dma_wait3A_715 = tpu.memref_slice %arg3[%dma_wait3A_713, %dma_wait3A_714] : memref<32768x512xf32, #tpu.memory_space<hbm>> -> memref<32768x512xf32, #tpu.memory_space<hbm>>
    tpu.wait_indirect_dma semaphore(%arg38 : memref<!tpu.dma_semaphore, #tpu.memory_space<semaphore_mem>>) src(%arg10 : memref<32x512xf32, #tpu.memory_space<vmem>>) dst(%dma_wait3A_715 : memref<32768x512xf32, #tpu.memory_space<hbm>>)
    %dma_wait3A_716 = arith.constant 0 : i32
    %dma_wait3A_717 = arith.constant 0 : i32
    %dma_wait3A_718 = tpu.memref_slice %arg3[%dma_wait3A_716, %dma_wait3A_717] : memref<32768x512xf32, #tpu.memory_space<hbm>> -> memref<32768x512xf32, #tpu.memory_space<hbm>>
    tpu.wait_indirect_dma semaphore(%arg38 : memref<!tpu.dma_semaphore, #tpu.memory_space<semaphore_mem>>) src(%arg10 : memref<32x512xf32, #tpu.memory_space<vmem>>) dst(%dma_wait3A_718 : memref<32768x512xf32, #tpu.memory_space<hbm>>)
    %add3A_719 = arith.constant 416 : i32
    %add3A_720 = arith.addi %mul3A_2, %add3A_719 : i32
    %iota3A_721 = tpu.iota {dimensions = array<i32: 0>} : vector<16xi32>
    %add3A_722 = arith.constant 0 : i32
    %add3A_723 = arith.addi %add3A_720, %add3A_722 : i32
    %add3A_724 = vector.broadcast %add3A_723 : i32 to vector<16xi32>
    %add3A_725 = arith.addi %iota3A_721, %add3A_724 : vector<16xi32>
    %mul3A_726 = arith.constant 2 : i32
    %mul3A_727 = vector.broadcast %mul3A_726 : i32 to vector<16xi32>
    %mul3A_728 = arith.muli %mul3A_727, %add3A_725 : vector<16xi32>
    %swap3A_729 = arith.constant 0 : index
    %swap3A_730 = tpu.vector_load %arg17[%swap3A_729] {strides = array<i32>} : memref<32xi32, #tpu.memory_space<vmem>>, vector<16xi32>,
    %swap3A_731 = vector.shape_cast %swap3A_730 : vector<16xi32> to vector<16xi32>
    %swap3A_732 = vector.shape_cast %mul3A_728 : vector<16xi32> to vector<16xi32>
    tpu.vector_store %arg17[%swap3A_729], %swap3A_732 {strides = array<i32>} : memref<32xi32, #tpu.memory_space<vmem>>, vector<16xi32>,
    %add3A_733 = arith.constant 1 : i32
    %add3A_734 = vector.broadcast %add3A_733 : i32 to vector<16xi32>
    %add3A_735 = arith.addi %mul3A_728, %add3A_734 : vector<16xi32>
    %swap3A_736 = arith.constant 0 : index
    %swap3A_737 = tpu.vector_load %arg24[%swap3A_736] {strides = array<i32>} : memref<32xi32, #tpu.memory_space<vmem>>, vector<16xi32>,
    %swap3A_738 = vector.shape_cast %swap3A_737 : vector<16xi32> to vector<16xi32>
    %swap3A_739 = vector.shape_cast %add3A_735 : vector<16xi32> to vector<16xi32>
    tpu.vector_store %arg24[%swap3A_736], %swap3A_739 {strides = array<i32>} : memref<32xi32, #tpu.memory_space<vmem>>, vector<16xi32>,
    %iota3A_740 = tpu.iota {dimensions = array<i32: 0>} : vector<16xi32>
    %add3A_741 = arith.constant 16 : i32
    %add3A_742 = arith.addi %add3A_720, %add3A_741 : i32
    %add3A_743 = vector.broadcast %add3A_742 : i32 to vector<16xi32>
    %add3A_744 = arith.addi %iota3A_740, %add3A_743 : vector<16xi32>
    %mul3A_745 = arith.constant 2 : i32
    %mul3A_746 = vector.broadcast %mul3A_745 : i32 to vector<16xi32>
    %mul3A_747 = arith.muli %mul3A_746, %add3A_744 : vector<16xi32>
    %swap3A_748 = arith.constant 16 : index
    %swap3A_749 = tpu.vector_load %arg17[%swap3A_748] {strides = array<i32>} : memref<32xi32, #tpu.memory_space<vmem>>, vector<16xi32>,
    %swap3A_750 = vector.shape_cast %swap3A_749 : vector<16xi32> to vector<16xi32>
    %swap3A_751 = vector.shape_cast %mul3A_747 : vector<16xi32> to vector<16xi32>
    tpu.vector_store %arg17[%swap3A_748], %swap3A_751 {strides = array<i32>} : memref<32xi32, #tpu.memory_space<vmem>>, vector<16xi32>,
    %add3A_752 = arith.constant 1 : i32
    %add3A_753 = vector.broadcast %add3A_752 : i32 to vector<16xi32>
    %add3A_754 = arith.addi %mul3A_747, %add3A_753 : vector<16xi32>
    %swap3A_755 = arith.constant 16 : index
    %swap3A_756 = tpu.vector_load %arg24[%swap3A_755] {strides = array<i32>} : memref<32xi32, #tpu.memory_space<vmem>>, vector<16xi32>,
    %swap3A_757 = vector.shape_cast %swap3A_756 : vector<16xi32> to vector<16xi32>
    %swap3A_758 = vector.shape_cast %add3A_754 : vector<16xi32> to vector<16xi32>
    tpu.vector_store %arg24[%swap3A_755], %swap3A_758 {strides = array<i32>} : memref<32xi32, #tpu.memory_space<vmem>>, vector<16xi32>,
    %add3A_759 = arith.constant 416 : i32
    %add3A_760 = arith.addi %mul3A_2, %add3A_759 : i32
    %dma_start3A_761 = arith.constant 0 : i32
    %dma_start3A_762 = tpu.memref_slice %arg2[%add3A_760, %dma_start3A_761] : memref<16384x512xf32, #tpu.memory_space<hbm>> -> memref<32x512xf32, #tpu.memory_space<hbm>>
    %dma_start3A_763 = arith.constant 0 : i32
    %dma_start3A_764 = tpu.memref_slice %arg2[%add3A_760, %dma_start3A_763] : memref<16384x512xf32, #tpu.memory_space<hbm>> -> memref<32x512xf32, #tpu.memory_space<hbm>>
    tpu.enqueue_dma source(%dma_start3A_764 : memref<32x512xf32, #tpu.memory_space<hbm>>) target(%arg10 : memref<32x512xf32, #tpu.memory_space<vmem>>) target_semaphore(%arg31 : memref<!tpu.dma_semaphore, #tpu.memory_space<semaphore_mem>>)
    %dma_wait3A_765 = arith.constant 0 : i32
    %dma_wait3A_766 = tpu.memref_slice %arg2[%add3A_450, %dma_wait3A_765] : memref<16384x512xf32, #tpu.memory_space<hbm>> -> memref<32x512xf32, #tpu.memory_space<hbm>>
    %dma_wait3A_767 = arith.constant 0 : i32
    %dma_wait3A_768 = tpu.memref_slice %arg2[%add3A_450, %dma_wait3A_767] : memref<16384x512xf32, #tpu.memory_space<hbm>> -> memref<32x512xf32, #tpu.memory_space<hbm>>
    tpu.wait_dma2 semaphore(%arg26 : memref<!tpu.dma_semaphore, #tpu.memory_space<semaphore_mem>>) src(%dma_wait3A_768 : memref<32x512xf32, #tpu.memory_space<hbm>>) dst(%arg5 : memref<32x512xf32, #tpu.memory_space<vmem>>)
    %dma_start3A_769 = arith.constant 0 : i32
    %dma_start3A_770 = arith.constant 0 : i32
    %dma_start3A_771 = tpu.memref_slice %arg3[%dma_start3A_769, %dma_start3A_770] : memref<32768x512xf32, #tpu.memory_space<hbm>> -> memref<32768x512xf32, #tpu.memory_space<hbm>>
    tpu.enqueue_indirect_dma source(%arg5 : memref<32x512xf32, #tpu.memory_space<vmem>>) target(%dma_start3A_771 : memref<32768x512xf32, #tpu.memory_space<hbm>>) offsets(%arg12 : memref<32xi32, #tpu.memory_space<vmem>>) semaphore(%arg33 : memref<!tpu.dma_semaphore, #tpu.memory_space<semaphore_mem>>)
    %dma_start3A_772 = arith.constant 0 : i32
    %dma_start3A_773 = arith.constant 0 : i32
    %dma_start3A_774 = tpu.memref_slice %arg3[%dma_start3A_772, %dma_start3A_773] : memref<32768x512xf32, #tpu.memory_space<hbm>> -> memref<32768x512xf32, #tpu.memory_space<hbm>>
    tpu.enqueue_indirect_dma source(%arg5 : memref<32x512xf32, #tpu.memory_space<vmem>>) target(%dma_start3A_774 : memref<32768x512xf32, #tpu.memory_space<hbm>>) offsets(%arg19 : memref<32xi32, #tpu.memory_space<vmem>>) semaphore(%arg33 : memref<!tpu.dma_semaphore, #tpu.memory_space<semaphore_mem>>)
    %dma_wait3A_775 = arith.constant 0 : i32
    %dma_wait3A_776 = arith.constant 0 : i32
    %dma_wait3A_777 = tpu.memref_slice %arg3[%dma_wait3A_775, %dma_wait3A_776] : memref<32768x512xf32, #tpu.memory_space<hbm>> -> memref<32768x512xf32, #tpu.memory_space<hbm>>
    tpu.wait_indirect_dma semaphore(%arg32 : memref<!tpu.dma_semaphore, #tpu.memory_space<semaphore_mem>>) src(%arg4 : memref<32x512xf32, #tpu.memory_space<vmem>>) dst(%dma_wait3A_777 : memref<32768x512xf32, #tpu.memory_space<hbm>>)
    %dma_wait3A_778 = arith.constant 0 : i32
    %dma_wait3A_779 = arith.constant 0 : i32
    %dma_wait3A_780 = tpu.memref_slice %arg3[%dma_wait3A_778, %dma_wait3A_779] : memref<32768x512xf32, #tpu.memory_space<hbm>> -> memref<32768x512xf32, #tpu.memory_space<hbm>>
    tpu.wait_indirect_dma semaphore(%arg32 : memref<!tpu.dma_semaphore, #tpu.memory_space<semaphore_mem>>) src(%arg4 : memref<32x512xf32, #tpu.memory_space<vmem>>) dst(%dma_wait3A_780 : memref<32768x512xf32, #tpu.memory_space<hbm>>)
    %add3A_781 = arith.constant 448 : i32
    %add3A_782 = arith.addi %mul3A_2, %add3A_781 : i32
    %iota3A_783 = tpu.iota {dimensions = array<i32: 0>} : vector<16xi32>
    %add3A_784 = arith.constant 0 : i32
    %add3A_785 = arith.addi %add3A_782, %add3A_784 : i32
    %add3A_786 = vector.broadcast %add3A_785 : i32 to vector<16xi32>
    %add3A_787 = arith.addi %iota3A_783, %add3A_786 : vector<16xi32>
    %mul3A_788 = arith.constant 2 : i32
    %mul3A_789 = vector.broadcast %mul3A_788 : i32 to vector<16xi32>
    %mul3A_790 = arith.muli %mul3A_789, %add3A_787 : vector<16xi32>
    %swap3A_791 = arith.constant 0 : index
    %swap3A_792 = tpu.vector_load %arg11[%swap3A_791] {strides = array<i32>} : memref<32xi32, #tpu.memory_space<vmem>>, vector<16xi32>,
    %swap3A_793 = vector.shape_cast %swap3A_792 : vector<16xi32> to vector<16xi32>
    %swap3A_794 = vector.shape_cast %mul3A_790 : vector<16xi32> to vector<16xi32>
    tpu.vector_store %arg11[%swap3A_791], %swap3A_794 {strides = array<i32>} : memref<32xi32, #tpu.memory_space<vmem>>, vector<16xi32>,
    %add3A_795 = arith.constant 1 : i32
    %add3A_796 = vector.broadcast %add3A_795 : i32 to vector<16xi32>
    %add3A_797 = arith.addi %mul3A_790, %add3A_796 : vector<16xi32>
    %swap3A_798 = arith.constant 0 : index
    %swap3A_799 = tpu.vector_load %arg18[%swap3A_798] {strides = array<i32>} : memref<32xi32, #tpu.memory_space<vmem>>, vector<16xi32>,
    %swap3A_800 = vector.shape_cast %swap3A_799 : vector<16xi32> to vector<16xi32>
    %swap3A_801 = vector.shape_cast %add3A_797 : vector<16xi32> to vector<16xi32>
    tpu.vector_store %arg18[%swap3A_798], %swap3A_801 {strides = array<i32>} : memref<32xi32, #tpu.memory_space<vmem>>, vector<16xi32>,
    %iota3A_802 = tpu.iota {dimensions = array<i32: 0>} : vector<16xi32>
    %add3A_803 = arith.constant 16 : i32
    %add3A_804 = arith.addi %add3A_782, %add3A_803 : i32
    %add3A_805 = vector.broadcast %add3A_804 : i32 to vector<16xi32>
    %add3A_806 = arith.addi %iota3A_802, %add3A_805 : vector<16xi32>
    %mul3A_807 = arith.constant 2 : i32
    %mul3A_808 = vector.broadcast %mul3A_807 : i32 to vector<16xi32>
    %mul3A_809 = arith.muli %mul3A_808, %add3A_806 : vector<16xi32>
    %swap3A_810 = arith.constant 16 : index
    %swap3A_811 = tpu.vector_load %arg11[%swap3A_810] {strides = array<i32>} : memref<32xi32, #tpu.memory_space<vmem>>, vector<16xi32>,
    %swap3A_812 = vector.shape_cast %swap3A_811 : vector<16xi32> to vector<16xi32>
    %swap3A_813 = vector.shape_cast %mul3A_809 : vector<16xi32> to vector<16xi32>
    tpu.vector_store %arg11[%swap3A_810], %swap3A_813 {strides = array<i32>} : memref<32xi32, #tpu.memory_space<vmem>>, vector<16xi32>,
    %add3A_814 = arith.constant 1 : i32
    %add3A_815 = vector.broadcast %add3A_814 : i32 to vector<16xi32>
    %add3A_816 = arith.addi %mul3A_809, %add3A_815 : vector<16xi32>
    %swap3A_817 = arith.constant 16 : index
    %swap3A_818 = tpu.vector_load %arg18[%swap3A_817] {strides = array<i32>} : memref<32xi32, #tpu.memory_space<vmem>>, vector<16xi32>,
    %swap3A_819 = vector.shape_cast %swap3A_818 : vector<16xi32> to vector<16xi32>
    %swap3A_820 = vector.shape_cast %add3A_816 : vector<16xi32> to vector<16xi32>
    tpu.vector_store %arg18[%swap3A_817], %swap3A_820 {strides = array<i32>} : memref<32xi32, #tpu.memory_space<vmem>>, vector<16xi32>,
    %add3A_821 = arith.constant 448 : i32
    %add3A_822 = arith.addi %mul3A_2, %add3A_821 : i32
    %dma_start3A_823 = arith.constant 0 : i32
    %dma_start3A_824 = tpu.memref_slice %arg2[%add3A_822, %dma_start3A_823] : memref<16384x512xf32, #tpu.memory_space<hbm>> -> memref<32x512xf32, #tpu.memory_space<hbm>>
    %dma_start3A_825 = arith.constant 0 : i32
    %dma_start3A_826 = tpu.memref_slice %arg2[%add3A_822, %dma_start3A_825] : memref<16384x512xf32, #tpu.memory_space<hbm>> -> memref<32x512xf32, #tpu.memory_space<hbm>>
    tpu.enqueue_dma source(%dma_start3A_826 : memref<32x512xf32, #tpu.memory_space<hbm>>) target(%arg4 : memref<32x512xf32, #tpu.memory_space<vmem>>) target_semaphore(%arg25 : memref<!tpu.dma_semaphore, #tpu.memory_space<semaphore_mem>>)
    %dma_wait3A_827 = arith.constant 0 : i32
    %dma_wait3A_828 = tpu.memref_slice %arg2[%add3A_512, %dma_wait3A_827] : memref<16384x512xf32, #tpu.memory_space<hbm>> -> memref<32x512xf32, #tpu.memory_space<hbm>>
    %dma_wait3A_829 = arith.constant 0 : i32
    %dma_wait3A_830 = tpu.memref_slice %arg2[%add3A_512, %dma_wait3A_829] : memref<16384x512xf32, #tpu.memory_space<hbm>> -> memref<32x512xf32, #tpu.memory_space<hbm>>
    tpu.wait_dma2 semaphore(%arg27 : memref<!tpu.dma_semaphore, #tpu.memory_space<semaphore_mem>>) src(%dma_wait3A_830 : memref<32x512xf32, #tpu.memory_space<hbm>>) dst(%arg6 : memref<32x512xf32, #tpu.memory_space<vmem>>)
    %dma_start3A_831 = arith.constant 0 : i32
    %dma_start3A_832 = arith.constant 0 : i32
    %dma_start3A_833 = tpu.memref_slice %arg3[%dma_start3A_831, %dma_start3A_832] : memref<32768x512xf32, #tpu.memory_space<hbm>> -> memref<32768x512xf32, #tpu.memory_space<hbm>>
    tpu.enqueue_indirect_dma source(%arg6 : memref<32x512xf32, #tpu.memory_space<vmem>>) target(%dma_start3A_833 : memref<32768x512xf32, #tpu.memory_space<hbm>>) offsets(%arg13 : memref<32xi32, #tpu.memory_space<vmem>>) semaphore(%arg34 : memref<!tpu.dma_semaphore, #tpu.memory_space<semaphore_mem>>)
    %dma_start3A_834 = arith.constant 0 : i32
    %dma_start3A_835 = arith.constant 0 : i32
    %dma_start3A_836 = tpu.memref_slice %arg3[%dma_start3A_834, %dma_start3A_835] : memref<32768x512xf32, #tpu.memory_space<hbm>> -> memref<32768x512xf32, #tpu.memory_space<hbm>>
    tpu.enqueue_indirect_dma source(%arg6 : memref<32x512xf32, #tpu.memory_space<vmem>>) target(%dma_start3A_836 : memref<32768x512xf32, #tpu.memory_space<hbm>>) offsets(%arg20 : memref<32xi32, #tpu.memory_space<vmem>>) semaphore(%arg34 : memref<!tpu.dma_semaphore, #tpu.memory_space<semaphore_mem>>)
    %dma_wait3A_837 = arith.constant 0 : i32
    %dma_wait3A_838 = arith.constant 0 : i32
    %dma_wait3A_839 = tpu.memref_slice %arg3[%dma_wait3A_837, %dma_wait3A_838] : memref<32768x512xf32, #tpu.memory_space<hbm>> -> memref<32768x512xf32, #tpu.memory_space<hbm>>
    tpu.wait_indirect_dma semaphore(%arg33 : memref<!tpu.dma_semaphore, #tpu.memory_space<semaphore_mem>>) src(%arg5 : memref<32x512xf32, #tpu.memory_space<vmem>>) dst(%dma_wait3A_839 : memref<32768x512xf32, #tpu.memory_space<hbm>>)
    %dma_wait3A_840 = arith.constant 0 : i32
    %dma_wait3A_841 = arith.constant 0 : i32
    %dma_wait3A_842 = tpu.memref_slice %arg3[%dma_wait3A_840, %dma_wait3A_841] : memref<32768x512xf32, #tpu.memory_space<hbm>> -> memref<32768x512xf32, #tpu.memory_space<hbm>>
    tpu.wait_indirect_dma semaphore(%arg33 : memref<!tpu.dma_semaphore, #tpu.memory_space<semaphore_mem>>) src(%arg5 : memref<32x512xf32, #tpu.memory_space<vmem>>) dst(%dma_wait3A_842 : memref<32768x512xf32, #tpu.memory_space<hbm>>)
    %add3A_843 = arith.constant 480 : i32
    %add3A_844 = arith.addi %mul3A_2, %add3A_843 : i32
    %iota3A_845 = tpu.iota {dimensions = array<i32: 0>} : vector<16xi32>
    %add3A_846 = arith.constant 0 : i32
    %add3A_847 = arith.addi %add3A_844, %add3A_846 : i32
    %add3A_848 = vector.broadcast %add3A_847 : i32 to vector<16xi32>
    %add3A_849 = arith.addi %iota3A_845, %add3A_848 : vector<16xi32>
    %mul3A_850 = arith.constant 2 : i32
    %mul3A_851 = vector.broadcast %mul3A_850 : i32 to vector<16xi32>
    %mul3A_852 = arith.muli %mul3A_851, %add3A_849 : vector<16xi32>
    %swap3A_853 = arith.constant 0 : index
    %swap3A_854 = tpu.vector_load %arg12[%swap3A_853] {strides = array<i32>} : memref<32xi32, #tpu.memory_space<vmem>>, vector<16xi32>,
    %swap3A_855 = vector.shape_cast %swap3A_854 : vector<16xi32> to vector<16xi32>
    %swap3A_856 = vector.shape_cast %mul3A_852 : vector<16xi32> to vector<16xi32>
    tpu.vector_store %arg12[%swap3A_853], %swap3A_856 {strides = array<i32>} : memref<32xi32, #tpu.memory_space<vmem>>, vector<16xi32>,
    %add3A_857 = arith.constant 1 : i32
    %add3A_858 = vector.broadcast %add3A_857 : i32 to vector<16xi32>
    %add3A_859 = arith.addi %mul3A_852, %add3A_858 : vector<16xi32>
    %swap3A_860 = arith.constant 0 : index
    %swap3A_861 = tpu.vector_load %arg19[%swap3A_860] {strides = array<i32>} : memref<32xi32, #tpu.memory_space<vmem>>, vector<16xi32>,
    %swap3A_862 = vector.shape_cast %swap3A_861 : vector<16xi32> to vector<16xi32>
    %swap3A_863 = vector.shape_cast %add3A_859 : vector<16xi32> to vector<16xi32>
    tpu.vector_store %arg19[%swap3A_860], %swap3A_863 {strides = array<i32>} : memref<32xi32, #tpu.memory_space<vmem>>, vector<16xi32>,
    %iota3A_864 = tpu.iota {dimensions = array<i32: 0>} : vector<16xi32>
    %add3A_865 = arith.constant 16 : i32
    %add3A_866 = arith.addi %add3A_844, %add3A_865 : i32
    %add3A_867 = vector.broadcast %add3A_866 : i32 to vector<16xi32>
    %add3A_868 = arith.addi %iota3A_864, %add3A_867 : vector<16xi32>
    %mul3A_869 = arith.constant 2 : i32
    %mul3A_870 = vector.broadcast %mul3A_869 : i32 to vector<16xi32>
    %mul3A_871 = arith.muli %mul3A_870, %add3A_868 : vector<16xi32>
    %swap3A_872 = arith.constant 16 : index
    %swap3A_873 = tpu.vector_load %arg12[%swap3A_872] {strides = array<i32>} : memref<32xi32, #tpu.memory_space<vmem>>, vector<16xi32>,
    %swap3A_874 = vector.shape_cast %swap3A_873 : vector<16xi32> to vector<16xi32>
    %swap3A_875 = vector.shape_cast %mul3A_871 : vector<16xi32> to vector<16xi32>
    tpu.vector_store %arg12[%swap3A_872], %swap3A_875 {strides = array<i32>} : memref<32xi32, #tpu.memory_space<vmem>>, vector<16xi32>,
    %add3A_876 = arith.constant 1 : i32
    %add3A_877 = vector.broadcast %add3A_876 : i32 to vector<16xi32>
    %add3A_878 = arith.addi %mul3A_871, %add3A_877 : vector<16xi32>
    %swap3A_879 = arith.constant 16 : index
    %swap3A_880 = tpu.vector_load %arg19[%swap3A_879] {strides = array<i32>} : memref<32xi32, #tpu.memory_space<vmem>>, vector<16xi32>,
    %swap3A_881 = vector.shape_cast %swap3A_880 : vector<16xi32> to vector<16xi32>
    %swap3A_882 = vector.shape_cast %add3A_878 : vector<16xi32> to vector<16xi32>
    tpu.vector_store %arg19[%swap3A_879], %swap3A_882 {strides = array<i32>} : memref<32xi32, #tpu.memory_space<vmem>>, vector<16xi32>,
    %add3A_883 = arith.constant 480 : i32
    %add3A_884 = arith.addi %mul3A_2, %add3A_883 : i32
    %dma_start3A_885 = arith.constant 0 : i32
    %dma_start3A_886 = tpu.memref_slice %arg2[%add3A_884, %dma_start3A_885] : memref<16384x512xf32, #tpu.memory_space<hbm>> -> memref<32x512xf32, #tpu.memory_space<hbm>>
    %dma_start3A_887 = arith.constant 0 : i32
    %dma_start3A_888 = tpu.memref_slice %arg2[%add3A_884, %dma_start3A_887] : memref<16384x512xf32, #tpu.memory_space<hbm>> -> memref<32x512xf32, #tpu.memory_space<hbm>>
    tpu.enqueue_dma source(%dma_start3A_888 : memref<32x512xf32, #tpu.memory_space<hbm>>) target(%arg5 : memref<32x512xf32, #tpu.memory_space<vmem>>) target_semaphore(%arg26 : memref<!tpu.dma_semaphore, #tpu.memory_space<semaphore_mem>>)
    %dma_wait3A_889 = arith.constant 0 : i32
    %dma_wait3A_890 = tpu.memref_slice %arg2[%add3A_574, %dma_wait3A_889] : memref<16384x512xf32, #tpu.memory_space<hbm>> -> memref<32x512xf32, #tpu.memory_space<hbm>>
    %dma_wait3A_891 = arith.constant 0 : i32
    %dma_wait3A_892 = tpu.memref_slice %arg2[%add3A_574, %dma_wait3A_891] : memref<16384x512xf32, #tpu.memory_space<hbm>> -> memref<32x512xf32, #tpu.memory_space<hbm>>
    tpu.wait_dma2 semaphore(%arg28 : memref<!tpu.dma_semaphore, #tpu.memory_space<semaphore_mem>>) src(%dma_wait3A_892 : memref<32x512xf32, #tpu.memory_space<hbm>>) dst(%arg7 : memref<32x512xf32, #tpu.memory_space<vmem>>)
    %dma_start3A_893 = arith.constant 0 : i32
    %dma_start3A_894 = arith.constant 0 : i32
    %dma_start3A_895 = tpu.memref_slice %arg3[%dma_start3A_893, %dma_start3A_894] : memref<32768x512xf32, #tpu.memory_space<hbm>> -> memref<32768x512xf32, #tpu.memory_space<hbm>>
    tpu.enqueue_indirect_dma source(%arg7 : memref<32x512xf32, #tpu.memory_space<vmem>>) target(%dma_start3A_895 : memref<32768x512xf32, #tpu.memory_space<hbm>>) offsets(%arg14 : memref<32xi32, #tpu.memory_space<vmem>>) semaphore(%arg35 : memref<!tpu.dma_semaphore, #tpu.memory_space<semaphore_mem>>)
    %dma_start3A_896 = arith.constant 0 : i32
    %dma_start3A_897 = arith.constant 0 : i32
    %dma_start3A_898 = tpu.memref_slice %arg3[%dma_start3A_896, %dma_start3A_897] : memref<32768x512xf32, #tpu.memory_space<hbm>> -> memref<32768x512xf32, #tpu.memory_space<hbm>>
    tpu.enqueue_indirect_dma source(%arg7 : memref<32x512xf32, #tpu.memory_space<vmem>>) target(%dma_start3A_898 : memref<32768x512xf32, #tpu.memory_space<hbm>>) offsets(%arg21 : memref<32xi32, #tpu.memory_space<vmem>>) semaphore(%arg35 : memref<!tpu.dma_semaphore, #tpu.memory_space<semaphore_mem>>)
    %dma_wait3A_899 = arith.constant 0 : i32
    %dma_wait3A_900 = tpu.memref_slice %arg2[%add3A_636, %dma_wait3A_899] : memref<16384x512xf32, #tpu.memory_space<hbm>> -> memref<32x512xf32, #tpu.memory_space<hbm>>
    %dma_wait3A_901 = arith.constant 0 : i32
    %dma_wait3A_902 = tpu.memref_slice %arg2[%add3A_636, %dma_wait3A_901] : memref<16384x512xf32, #tpu.memory_space<hbm>> -> memref<32x512xf32, #tpu.memory_space<hbm>>
    tpu.wait_dma2 semaphore(%arg29 : memref<!tpu.dma_semaphore, #tpu.memory_space<semaphore_mem>>) src(%dma_wait3A_902 : memref<32x512xf32, #tpu.memory_space<hbm>>) dst(%arg8 : memref<32x512xf32, #tpu.memory_space<vmem>>)
    %dma_start3A_903 = arith.constant 0 : i32
    %dma_start3A_904 = arith.constant 0 : i32
    %dma_start3A_905 = tpu.memref_slice %arg3[%dma_start3A_903, %dma_start3A_904] : memref<32768x512xf32, #tpu.memory_space<hbm>> -> memref<32768x512xf32, #tpu.memory_space<hbm>>
    tpu.enqueue_indirect_dma source(%arg8 : memref<32x512xf32, #tpu.memory_space<vmem>>) target(%dma_start3A_905 : memref<32768x512xf32, #tpu.memory_space<hbm>>) offsets(%arg15 : memref<32xi32, #tpu.memory_space<vmem>>) semaphore(%arg36 : memref<!tpu.dma_semaphore, #tpu.memory_space<semaphore_mem>>)
    %dma_start3A_906 = arith.constant 0 : i32
    %dma_start3A_907 = arith.constant 0 : i32
    %dma_start3A_908 = tpu.memref_slice %arg3[%dma_start3A_906, %dma_start3A_907] : memref<32768x512xf32, #tpu.memory_space<hbm>> -> memref<32768x512xf32, #tpu.memory_space<hbm>>
    tpu.enqueue_indirect_dma source(%arg8 : memref<32x512xf32, #tpu.memory_space<vmem>>) target(%dma_start3A_908 : memref<32768x512xf32, #tpu.memory_space<hbm>>) offsets(%arg22 : memref<32xi32, #tpu.memory_space<vmem>>) semaphore(%arg36 : memref<!tpu.dma_semaphore, #tpu.memory_space<semaphore_mem>>)
    %dma_wait3A_909 = arith.constant 0 : i32
    %dma_wait3A_910 = tpu.memref_slice %arg2[%add3A_698, %dma_wait3A_909] : memref<16384x512xf32, #tpu.memory_space<hbm>> -> memref<32x512xf32, #tpu.memory_space<hbm>>
    %dma_wait3A_911 = arith.constant 0 : i32
    %dma_wait3A_912 = tpu.memref_slice %arg2[%add3A_698, %dma_wait3A_911] : memref<16384x512xf32, #tpu.memory_space<hbm>> -> memref<32x512xf32, #tpu.memory_space<hbm>>
    tpu.wait_dma2 semaphore(%arg30 : memref<!tpu.dma_semaphore, #tpu.memory_space<semaphore_mem>>) src(%dma_wait3A_912 : memref<32x512xf32, #tpu.memory_space<hbm>>) dst(%arg9 : memref<32x512xf32, #tpu.memory_space<vmem>>)
    %dma_start3A_913 = arith.constant 0 : i32
    %dma_start3A_914 = arith.constant 0 : i32
    %dma_start3A_915 = tpu.memref_slice %arg3[%dma_start3A_913, %dma_start3A_914] : memref<32768x512xf32, #tpu.memory_space<hbm>> -> memref<32768x512xf32, #tpu.memory_space<hbm>>
    tpu.enqueue_indirect_dma source(%arg9 : memref<32x512xf32, #tpu.memory_space<vmem>>) target(%dma_start3A_915 : memref<32768x512xf32, #tpu.memory_space<hbm>>) offsets(%arg16 : memref<32xi32, #tpu.memory_space<vmem>>) semaphore(%arg37 : memref<!tpu.dma_semaphore, #tpu.memory_space<semaphore_mem>>)
    %dma_start3A_916 = arith.constant 0 : i32
    %dma_start3A_917 = arith.constant 0 : i32
    %dma_start3A_918 = tpu.memref_slice %arg3[%dma_start3A_916, %dma_start3A_917] : memref<32768x512xf32, #tpu.memory_space<hbm>> -> memref<32768x512xf32, #tpu.memory_space<hbm>>
    tpu.enqueue_indirect_dma source(%arg9 : memref<32x512xf32, #tpu.memory_space<vmem>>) target(%dma_start3A_918 : memref<32768x512xf32, #tpu.memory_space<hbm>>) offsets(%arg23 : memref<32xi32, #tpu.memory_space<vmem>>) semaphore(%arg37 : memref<!tpu.dma_semaphore, #tpu.memory_space<semaphore_mem>>)
    %dma_wait3A_919 = arith.constant 0 : i32
    %dma_wait3A_920 = tpu.memref_slice %arg2[%add3A_760, %dma_wait3A_919] : memref<16384x512xf32, #tpu.memory_space<hbm>> -> memref<32x512xf32, #tpu.memory_space<hbm>>
    %dma_wait3A_921 = arith.constant 0 : i32
    %dma_wait3A_922 = tpu.memref_slice %arg2[%add3A_760, %dma_wait3A_921] : memref<16384x512xf32, #tpu.memory_space<hbm>> -> memref<32x512xf32, #tpu.memory_space<hbm>>
    tpu.wait_dma2 semaphore(%arg31 : memref<!tpu.dma_semaphore, #tpu.memory_space<semaphore_mem>>) src(%dma_wait3A_922 : memref<32x512xf32, #tpu.memory_space<hbm>>) dst(%arg10 : memref<32x512xf32, #tpu.memory_space<vmem>>)
    %dma_start3A_923 = arith.constant 0 : i32
    %dma_start3A_924 = arith.constant 0 : i32
    %dma_start3A_925 = tpu.memref_slice %arg3[%dma_start3A_923, %dma_start3A_924] : memref<32768x512xf32, #tpu.memory_space<hbm>> -> memref<32768x512xf32, #tpu.memory_space<hbm>>
    tpu.enqueue_indirect_dma source(%arg10 : memref<32x512xf32, #tpu.memory_space<vmem>>) target(%dma_start3A_925 : memref<32768x512xf32, #tpu.memory_space<hbm>>) offsets(%arg17 : memref<32xi32, #tpu.memory_space<vmem>>) semaphore(%arg38 : memref<!tpu.dma_semaphore, #tpu.memory_space<semaphore_mem>>)
    %dma_start3A_926 = arith.constant 0 : i32
    %dma_start3A_927 = arith.constant 0 : i32
    %dma_start3A_928 = tpu.memref_slice %arg3[%dma_start3A_926, %dma_start3A_927] : memref<32768x512xf32, #tpu.memory_space<hbm>> -> memref<32768x512xf32, #tpu.memory_space<hbm>>
    tpu.enqueue_indirect_dma source(%arg10 : memref<32x512xf32, #tpu.memory_space<vmem>>) target(%dma_start3A_928 : memref<32768x512xf32, #tpu.memory_space<hbm>>) offsets(%arg24 : memref<32xi32, #tpu.memory_space<vmem>>) semaphore(%arg38 : memref<!tpu.dma_semaphore, #tpu.memory_space<semaphore_mem>>)
    %dma_wait3A_929 = arith.constant 0 : i32
    %dma_wait3A_930 = tpu.memref_slice %arg2[%add3A_822, %dma_wait3A_929] : memref<16384x512xf32, #tpu.memory_space<hbm>> -> memref<32x512xf32, #tpu.memory_space<hbm>>
    %dma_wait3A_931 = arith.constant 0 : i32
    %dma_wait3A_932 = tpu.memref_slice %arg2[%add3A_822, %dma_wait3A_931] : memref<16384x512xf32, #tpu.memory_space<hbm>> -> memref<32x512xf32, #tpu.memory_space<hbm>>
    tpu.wait_dma2 semaphore(%arg25 : memref<!tpu.dma_semaphore, #tpu.memory_space<semaphore_mem>>) src(%dma_wait3A_932 : memref<32x512xf32, #tpu.memory_space<hbm>>) dst(%arg4 : memref<32x512xf32, #tpu.memory_space<vmem>>)
    %dma_start3A_933 = arith.constant 0 : i32
    %dma_start3A_934 = arith.constant 0 : i32
    %dma_start3A_935 = tpu.memref_slice %arg3[%dma_start3A_933, %dma_start3A_934] : memref<32768x512xf32, #tpu.memory_space<hbm>> -> memref<32768x512xf32, #tpu.memory_space<hbm>>
    tpu.enqueue_indirect_dma source(%arg4 : memref<32x512xf32, #tpu.memory_space<vmem>>) target(%dma_start3A_935 : memref<32768x512xf32, #tpu.memory_space<hbm>>) offsets(%arg11 : memref<32xi32, #tpu.memory_space<vmem>>) semaphore(%arg32 : memref<!tpu.dma_semaphore, #tpu.memory_space<semaphore_mem>>)
    %dma_start3A_936 = arith.constant 0 : i32
    %dma_start3A_937 = arith.constant 0 : i32
    %dma_start3A_938 = tpu.memref_slice %arg3[%dma_start3A_936, %dma_start3A_937] : memref<32768x512xf32, #tpu.memory_space<hbm>> -> memref<32768x512xf32, #tpu.memory_space<hbm>>
    tpu.enqueue_indirect_dma source(%arg4 : memref<32x512xf32, #tpu.memory_space<vmem>>) target(%dma_start3A_938 : memref<32768x512xf32, #tpu.memory_space<hbm>>) offsets(%arg18 : memref<32xi32, #tpu.memory_space<vmem>>) semaphore(%arg32 : memref<!tpu.dma_semaphore, #tpu.memory_space<semaphore_mem>>)
    %dma_wait3A_939 = arith.constant 0 : i32
    %dma_wait3A_940 = tpu.memref_slice %arg2[%add3A_884, %dma_wait3A_939] : memref<16384x512xf32, #tpu.memory_space<hbm>> -> memref<32x512xf32, #tpu.memory_space<hbm>>
    %dma_wait3A_941 = arith.constant 0 : i32
    %dma_wait3A_942 = tpu.memref_slice %arg2[%add3A_884, %dma_wait3A_941] : memref<16384x512xf32, #tpu.memory_space<hbm>> -> memref<32x512xf32, #tpu.memory_space<hbm>>
    tpu.wait_dma2 semaphore(%arg26 : memref<!tpu.dma_semaphore, #tpu.memory_space<semaphore_mem>>) src(%dma_wait3A_942 : memref<32x512xf32, #tpu.memory_space<hbm>>) dst(%arg5 : memref<32x512xf32, #tpu.memory_space<vmem>>)
    %dma_start3A_943 = arith.constant 0 : i32
    %dma_start3A_944 = arith.constant 0 : i32
    %dma_start3A_945 = tpu.memref_slice %arg3[%dma_start3A_943, %dma_start3A_944] : memref<32768x512xf32, #tpu.memory_space<hbm>> -> memref<32768x512xf32, #tpu.memory_space<hbm>>
    tpu.enqueue_indirect_dma source(%arg5 : memref<32x512xf32, #tpu.memory_space<vmem>>) target(%dma_start3A_945 : memref<32768x512xf32, #tpu.memory_space<hbm>>) offsets(%arg12 : memref<32xi32, #tpu.memory_space<vmem>>) semaphore(%arg33 : memref<!tpu.dma_semaphore, #tpu.memory_space<semaphore_mem>>)
    %dma_start3A_946 = arith.constant 0 : i32
    %dma_start3A_947 = arith.constant 0 : i32
    %dma_start3A_948 = tpu.memref_slice %arg3[%dma_start3A_946, %dma_start3A_947] : memref<32768x512xf32, #tpu.memory_space<hbm>> -> memref<32768x512xf32, #tpu.memory_space<hbm>>
    tpu.enqueue_indirect_dma source(%arg5 : memref<32x512xf32, #tpu.memory_space<vmem>>) target(%dma_start3A_948 : memref<32768x512xf32, #tpu.memory_space<hbm>>) offsets(%arg19 : memref<32xi32, #tpu.memory_space<vmem>>) semaphore(%arg33 : memref<!tpu.dma_semaphore, #tpu.memory_space<semaphore_mem>>)
    %dma_wait3A_949 = arith.constant 0 : i32
    %dma_wait3A_950 = arith.constant 0 : i32
    %dma_wait3A_951 = tpu.memref_slice %arg3[%dma_wait3A_949, %dma_wait3A_950] : memref<32768x512xf32, #tpu.memory_space<hbm>> -> memref<32768x512xf32, #tpu.memory_space<hbm>>
    tpu.wait_indirect_dma semaphore(%arg34 : memref<!tpu.dma_semaphore, #tpu.memory_space<semaphore_mem>>) src(%arg6 : memref<32x512xf32, #tpu.memory_space<vmem>>) dst(%dma_wait3A_951 : memref<32768x512xf32, #tpu.memory_space<hbm>>)
    %dma_wait3A_952 = arith.constant 0 : i32
    %dma_wait3A_953 = arith.constant 0 : i32
    %dma_wait3A_954 = tpu.memref_slice %arg3[%dma_wait3A_952, %dma_wait3A_953] : memref<32768x512xf32, #tpu.memory_space<hbm>> -> memref<32768x512xf32, #tpu.memory_space<hbm>>
    tpu.wait_indirect_dma semaphore(%arg34 : memref<!tpu.dma_semaphore, #tpu.memory_space<semaphore_mem>>) src(%arg6 : memref<32x512xf32, #tpu.memory_space<vmem>>) dst(%dma_wait3A_954 : memref<32768x512xf32, #tpu.memory_space<hbm>>)
    %dma_wait3A_955 = arith.constant 0 : i32
    %dma_wait3A_956 = arith.constant 0 : i32
    %dma_wait3A_957 = tpu.memref_slice %arg3[%dma_wait3A_955, %dma_wait3A_956] : memref<32768x512xf32, #tpu.memory_space<hbm>> -> memref<32768x512xf32, #tpu.memory_space<hbm>>
    tpu.wait_indirect_dma semaphore(%arg35 : memref<!tpu.dma_semaphore, #tpu.memory_space<semaphore_mem>>) src(%arg7 : memref<32x512xf32, #tpu.memory_space<vmem>>) dst(%dma_wait3A_957 : memref<32768x512xf32, #tpu.memory_space<hbm>>)
    %dma_wait3A_958 = arith.constant 0 : i32
    %dma_wait3A_959 = arith.constant 0 : i32
    %dma_wait3A_960 = tpu.memref_slice %arg3[%dma_wait3A_958, %dma_wait3A_959] : memref<32768x512xf32, #tpu.memory_space<hbm>> -> memref<32768x512xf32, #tpu.memory_space<hbm>>
    tpu.wait_indirect_dma semaphore(%arg35 : memref<!tpu.dma_semaphore, #tpu.memory_space<semaphore_mem>>) src(%arg7 : memref<32x512xf32, #tpu.memory_space<vmem>>) dst(%dma_wait3A_960 : memref<32768x512xf32, #tpu.memory_space<hbm>>)
    %dma_wait3A_961 = arith.constant 0 : i32
    %dma_wait3A_962 = arith.constant 0 : i32
    %dma_wait3A_963 = tpu.memref_slice %arg3[%dma_wait3A_961, %dma_wait3A_962] : memref<32768x512xf32, #tpu.memory_space<hbm>> -> memref<32768x512xf32, #tpu.memory_space<hbm>>
    tpu.wait_indirect_dma semaphore(%arg36 : memref<!tpu.dma_semaphore, #tpu.memory_space<semaphore_mem>>) src(%arg8 : memref<32x512xf32, #tpu.memory_space<vmem>>) dst(%dma_wait3A_963 : memref<32768x512xf32, #tpu.memory_space<hbm>>)
    %dma_wait3A_964 = arith.constant 0 : i32
    %dma_wait3A_965 = arith.constant 0 : i32
    %dma_wait3A_966 = tpu.memref_slice %arg3[%dma_wait3A_964, %dma_wait3A_965] : memref<32768x512xf32, #tpu.memory_space<hbm>> -> memref<32768x512xf32, #tpu.memory_space<hbm>>
    tpu.wait_indirect_dma semaphore(%arg36 : memref<!tpu.dma_semaphore, #tpu.memory_space<semaphore_mem>>) src(%arg8 : memref<32x512xf32, #tpu.memory_space<vmem>>) dst(%dma_wait3A_966 : memref<32768x512xf32, #tpu.memory_space<hbm>>)
    %dma_wait3A_967 = arith.constant 0 : i32
    %dma_wait3A_968 = arith.constant 0 : i32
    %dma_wait3A_969 = tpu.memref_slice %arg3[%dma_wait3A_967, %dma_wait3A_968] : memref<32768x512xf32, #tpu.memory_space<hbm>> -> memref<32768x512xf32, #tpu.memory_space<hbm>>
    tpu.wait_indirect_dma semaphore(%arg37 : memref<!tpu.dma_semaphore, #tpu.memory_space<semaphore_mem>>) src(%arg9 : memref<32x512xf32, #tpu.memory_space<vmem>>) dst(%dma_wait3A_969 : memref<32768x512xf32, #tpu.memory_space<hbm>>)
    %dma_wait3A_970 = arith.constant 0 : i32
    %dma_wait3A_971 = arith.constant 0 : i32
    %dma_wait3A_972 = tpu.memref_slice %arg3[%dma_wait3A_970, %dma_wait3A_971] : memref<32768x512xf32, #tpu.memory_space<hbm>> -> memref<32768x512xf32, #tpu.memory_space<hbm>>
    tpu.wait_indirect_dma semaphore(%arg37 : memref<!tpu.dma_semaphore, #tpu.memory_space<semaphore_mem>>) src(%arg9 : memref<32x512xf32, #tpu.memory_space<vmem>>) dst(%dma_wait3A_972 : memref<32768x512xf32, #tpu.memory_space<hbm>>)
    %dma_wait3A_973 = arith.constant 0 : i32
    %dma_wait3A_974 = arith.constant 0 : i32
    %dma_wait3A_975 = tpu.memref_slice %arg3[%dma_wait3A_973, %dma_wait3A_974] : memref<32768x512xf32, #tpu.memory_space<hbm>> -> memref<32768x512xf32, #tpu.memory_space<hbm>>
    tpu.wait_indirect_dma semaphore(%arg38 : memref<!tpu.dma_semaphore, #tpu.memory_space<semaphore_mem>>) src(%arg10 : memref<32x512xf32, #tpu.memory_space<vmem>>) dst(%dma_wait3A_975 : memref<32768x512xf32, #tpu.memory_space<hbm>>)
    %dma_wait3A_976 = arith.constant 0 : i32
    %dma_wait3A_977 = arith.constant 0 : i32
    %dma_wait3A_978 = tpu.memref_slice %arg3[%dma_wait3A_976, %dma_wait3A_977] : memref<32768x512xf32, #tpu.memory_space<hbm>> -> memref<32768x512xf32, #tpu.memory_space<hbm>>
    tpu.wait_indirect_dma semaphore(%arg38 : memref<!tpu.dma_semaphore, #tpu.memory_space<semaphore_mem>>) src(%arg10 : memref<32x512xf32, #tpu.memory_space<vmem>>) dst(%dma_wait3A_978 : memref<32768x512xf32, #tpu.memory_space<hbm>>)
    %dma_wait3A_979 = arith.constant 0 : i32
    %dma_wait3A_980 = arith.constant 0 : i32
    %dma_wait3A_981 = tpu.memref_slice %arg3[%dma_wait3A_979, %dma_wait3A_980] : memref<32768x512xf32, #tpu.memory_space<hbm>> -> memref<32768x512xf32, #tpu.memory_space<hbm>>
    tpu.wait_indirect_dma semaphore(%arg32 : memref<!tpu.dma_semaphore, #tpu.memory_space<semaphore_mem>>) src(%arg4 : memref<32x512xf32, #tpu.memory_space<vmem>>) dst(%dma_wait3A_981 : memref<32768x512xf32, #tpu.memory_space<hbm>>)
    %dma_wait3A_982 = arith.constant 0 : i32
    %dma_wait3A_983 = arith.constant 0 : i32
    %dma_wait3A_984 = tpu.memref_slice %arg3[%dma_wait3A_982, %dma_wait3A_983] : memref<32768x512xf32, #tpu.memory_space<hbm>> -> memref<32768x512xf32, #tpu.memory_space<hbm>>
    tpu.wait_indirect_dma semaphore(%arg32 : memref<!tpu.dma_semaphore, #tpu.memory_space<semaphore_mem>>) src(%arg4 : memref<32x512xf32, #tpu.memory_space<vmem>>) dst(%dma_wait3A_984 : memref<32768x512xf32, #tpu.memory_space<hbm>>)
    %dma_wait3A_985 = arith.constant 0 : i32
    %dma_wait3A_986 = arith.constant 0 : i32
    %dma_wait3A_987 = tpu.memref_slice %arg3[%dma_wait3A_985, %dma_wait3A_986] : memref<32768x512xf32, #tpu.memory_space<hbm>> -> memref<32768x512xf32, #tpu.memory_space<hbm>>
    tpu.wait_indirect_dma semaphore(%arg33 : memref<!tpu.dma_semaphore, #tpu.memory_space<semaphore_mem>>) src(%arg5 : memref<32x512xf32, #tpu.memory_space<vmem>>) dst(%dma_wait3A_987 : memref<32768x512xf32, #tpu.memory_space<hbm>>)
    %dma_wait3A_988 = arith.constant 0 : i32
    %dma_wait3A_989 = arith.constant 0 : i32
    %dma_wait3A_990 = tpu.memref_slice %arg3[%dma_wait3A_988, %dma_wait3A_989] : memref<32768x512xf32, #tpu.memory_space<hbm>> -> memref<32768x512xf32, #tpu.memory_space<hbm>>
    tpu.wait_indirect_dma semaphore(%arg33 : memref<!tpu.dma_semaphore, #tpu.memory_space<semaphore_mem>>) src(%arg5 : memref<32x512xf32, #tpu.memory_space<vmem>>) dst(%dma_wait3A_990 : memref<32768x512xf32, #tpu.memory_space<hbm>>)
    return
  }
}

</mosaic_0001>

<sc_bundles>
// kernel: kernel.3.cloned.1.call-start
scs
__scs_entry_jumppad:
0x0: {  	(pc) =	sbr.rel $0x88, $3  }
0x1: {  	(tag) =	ssettag $0x0;
	lr =	simm.s32 $0x1  }
0x2: {  	[smem:$0x3FA0] =	sst lr;
	_ =	strace $0xD0000000  }
0x3: {  	_ = 	snop  }
0x4: {  	_ = 	snop  }
0x5: {  	_ = 	snop  }
0x6: {  	_ = 	snop  }
0x7: {  	_ = 	snop  }
__scs_overlays_trampoline_lowered:
0x8: {  	[smem:$0x3FAF] =	sst s0  }
0x9: {  	[smem:$0x3FB0] =	sst s1  }
0xa: {  	[smem:$0x3FB1] =	sst s2  }
0xb: {  	[smem:$0x3FB2] =	sst s3  }
0xc: {  	[smem:$0x3FB3] =	sst s4  }
0xd: {  	[smem:$0x3FB4] =	sst s5  }
0xe: {  	[smem:$0x3FB5] =	sst s6  }
0xf: {  	[smem:$0x3FB6] =	sst s7  }
0x10: {  	[smem:$0x3FB7] =	sst s8  }
0x11: {  	[smem:$0x3FB8] =	sst s9;
	s0 =	simm.s32 @!p0 $0x0  }
0x12: {  	s1 =	sld [smem:$0x3F9E];
	s0 =	simm.s32 @p0 $0x1  }
0x13: {  	[smem:$0x3FB9] =	sst s0;
	s0 =	simm.s32 @!p1 $0x0  }
0x14: {  	s2 =	sld [smem:$0x3F9D];
	s0 =	simm.s32 @p1 $0x1  }
0x15: {  	[smem:$0x3FBA] =	sst s0;
	s0 =	simm.s32 @!p2 $0x0  }
0x16: {  	s3 =	sld [smem:$0x3FDB];
	s0 =	simm.s32 @p2 $0x1  }
0x17: {  	s4 =	simm.s32 $0x1BF5;
	[smem:$0x3FBC] =	sst s0  }
0x18: {  	s0 =	sld [smem:$0x3F9F];
	_ =	swait.ge [sflag:s4], $0x0  }
0x19: {  	s7 =	sld [smem:$0x3FA0]  }
0x1a: {  	s8 =	sadd.s32 $0xFFFFE003, lr  }
0x1b: {  	s9 =	sadd.s32 $0xFFFFFEF7, lr;
	s5 =	simm.s32 $0xFFFFFFFF;
	p2 =	slt.u32 s8, $0xFFFFF086  }
0x1c: {  	p1 =	slt.u32 s9, $0xF7A;
	s5 =	simm.s32 @!p2 $0x0  }
0x1d: {  	s5 =	simm.s32 @p1 $0x1;
	p0 =	seq.s32 s7, s2  }
0x1e: {  	s7 =	smul.u32 @!p0 $0xF7A, s2;
	p2 =	seq.s32 @!p0 s5, $0x0  }
0x1f: {  	s9 =	smul.u32 $0xF7A, s1;
	s8 =	simm.s32 @!p0 $0x1BF5;
	p2 =	por !p2, p0  }
0x20: {  	[sflag:s8] =	ssyncset.s32 @!p0 $0xFFFFF086;
	s6 =	sadd.s32 @!p0 s3, s7;
	s7 =	simm.s32 @!p0 $0x108  }
0x21: {  	s3 =	sadd.s32 s3, s9;
	s6 =	sadd.s32 @!p0 $0x88, s6;
	s7 =	simm.s32 @p2 $0x1082  }
0x22: {  	[simem:s7], [sflag:s8] =	dma.local @!p0 [hbm:s6], $0xF7A  }
0x23: {  	s9 =	sor.u32 $0xD0000000, s2;
	s6 =	simm.s32 $0x108;
	_ =	swait.ge @!p0 [sflag:s8], $0x0  }
0x24: {  	s3 =	sadd.s32 $0x88, s3;
	s6 =	simm.s32 @!p1 $0x1082;
	[sflag:s4] =	ssyncset.s32 $0xFFFFF086  }
0x25: {  	[simem:s6], [sflag:s4] =	dma.local [hbm:s3], $0xF7A  }
0x26: {  	[smem:$0x3FA0] =	sst s1;
	(tag) =	ssettag s2;
	_ =	strace s9  }
0x27: {  	s1 =	sld [smem:$0x3FB0]  }
0x28: {  	s2 =	sld [smem:$0x3FB1]  }
0x29: {  	s4 =	sld [smem:$0x3FB3]  }
0x2a: {  	p0 =	seq.s32 s5, $0x0;
	s5 =	sld [smem:$0x3FB4]  }
0x2b: {  	s6 =	sld [smem:$0x3FB5]  }
0x2c: {  	s7 =	sld [smem:$0x3FB6]  }
0x2d: {  	s3 =	simm.s32 $0x108;
	s8 =	sld [smem:$0x3FB7]  }
0x2e: {  	s3 =	simm.s32 @!p0 $0x1082;
	s9 =	sld [smem:$0x3FB8]  }
0x2f: {  	lr =	sadd.s32 s0, s3;
	s0 =	sld [smem:$0x3FAF]  }
0x30: {  	s3 =	sld [smem:$0x3FB2]  }
0x31: {  	[smem:$0x3FBB] =	sst s10  }
0x32: {  	s10 =	sld [smem:$0x3FB9];
	_ =	sdelay $0x3  }
0x33: {  	p0 =	seq.s32 s10, $0x1;
	s10 =	sld [smem:$0x3FBB];
	_ =	sdelay $0x3  }
0x34: {  	[smem:$0x3FBB] =	sst s10  }
0x35: {  	s10 =	sld [smem:$0x3FBA];
	_ =	sdelay $0x3  }
0x36: {  	p1 =	seq.s32 s10, $0x1;
	s10 =	sld [smem:$0x3FBB];
	_ =	sdelay $0x3  }
0x37: {  	[smem:$0x3FBB] =	sst s10  }
0x38: {  	s10 =	sld [smem:$0x3FBC]  }
0x39: {  	_ = 	snop;
	(pc) =	sbr.ind lr, $3  }
0x3a: {  	_ = 	snop  }
0x3b: {  	_ = 	snop  }
0x3c: {  	p2 =	seq.s32 s10, $0x1;
	s10 =	sld [smem:$0x3FBB]  }
0x3d: {  	_ =	shalt  }
0x3e: {  	_ =	shalt  }
0x3f: {  	_ =	shalt  }
0x40: {  	_ =	shalt  }
0x41: {  	_ =	shalt  }
0x42: {  	_ =	shalt  }
0x43: {  	_ =	shalt  }
0x44: {  	_ =	shalt  }
0x45: {  	_ =	shalt  }
0x46: {  	_ =	shalt  }
0x47: {  	_ =	shalt  }
0x48: {  	_ =	shalt  }
0x49: {  	_ =	shalt  }
0x4a: {  	_ =	shalt  }
0x4b: {  	_ =	shalt  }
0x4c: {  	_ =	shalt  }
0x4d: {  	_ =	shalt  }
0x4e: {  	_ =	shalt  }
0x4f: {  	_ =	shalt  }
0x50: {  	_ =	shalt  }
0x51: {  	_ =	shalt  }
0x52: {  	_ =	shalt  }
0x53: {  	_ =	shalt  }
0x54: {  	_ =	shalt  }
0x55: {  	_ =	shalt  }
0x56: {  	_ =	shalt  }
0x57: {  	_ =	shalt  }
0x58: {  	_ =	shalt  }
0x59: {  	_ =	shalt  }
0x5a: {  	_ =	shalt  }
0x5b: {  	_ =	shalt  }
0x5c: {  	_ =	shalt  }
0x5d: {  	_ =	shalt  }
0x5e: {  	_ =	shalt  }
0x5f: {  	_ =	shalt  }
0x60: {  	_ =	shalt  }
0x61: {  	_ =	shalt  }
0x62: {  	_ =	shalt  }
0x63: {  	_ =	shalt  }
0x64: {  	_ =	shalt  }
0x65: {  	_ =	shalt  }
0x66: {  	_ =	shalt  }
0x67: {  	_ =	shalt  }
0x68: {  	_ =	shalt  }
0x69: {  	_ =	shalt  }
0x6a: {  	_ =	shalt  }
0x6b: {  	_ =	shalt  }
0x6c: {  	_ =	shalt  }
0x6d: {  	_ =	shalt  }
0x6e: {  	_ =	shalt  }
0x6f: {  	_ =	shalt  }
0x70: {  	_ =	shalt  }
0x71: {  	_ =	shalt  }
0x72: {  	_ =	shalt  }
0x73: {  	_ =	shalt  }
0x74: {  	_ =	shalt  }
0x75: {  	_ =	shalt  }
0x76: {  	_ =	shalt  }
0x77: {  	_ =	shalt  }
0x78: {  	_ =	shalt  }
0x79: {  	_ =	shalt  }
0x7a: {  	_ =	shalt  }
0x7b: {  	_ =	shalt  }
0x7c: {  	_ =	shalt  }
0x7d: {  	_ =	shalt  }
0x7e: {  	_ =	shalt  }
0x7f: {  	_ =	shalt  }
0x80: {  	_ =	shalt  }
0x81: {  	_ =	shalt  }
0x82: {  	_ =	shalt  }
0x83: {  	_ =	shalt  }
0x84: {  	_ =	shalt  }
0x85: {  	_ =	shalt  }
0x86: {  	_ =	shalt  }
0x87: {  	_ =	shalt  }
.Lfunc_end0:
.L_simem_size_0:
called_computation_lowered:
.L_overlay_start_0:
0x88: {  	s2 =	sld [smem:$0x3FD9]  }
0x89: {  	s3 =	sld [smem:$0x3FFE];
	_ =	sdelay $0x1  }
0x8a: {  	s1 =	srdreg.scid  }
0x8b: {  	s0 =	sand.u32 $0x1, s1  }
0x8c: {  	s18 =	sshll.u32 s0, $0xA;
	s2 =	sadd.s32 s3, s2  }
0x8d: {  	s2 =	sadd.s32 s2, s18  }
0x8e: {  	[smem:$0x3FC7] =	sst s2  }
0x8f: {  	_ = 	snop  }
0x90: {  	s2 =	sld [smem:$0x3FC9]  }
0x91: {  	s19 =	sld [smem:$0x3FD0];
	(tm) =	ssettm $0x1  }
0x92: {  	s4 =	sld [smem:$0x3FFB];
	_ =	sdelay $0x3  }
0x93: {  	_ =	strace s4  }
0x94: {  	s4 =	sld [smem:$0x3FFC];
	_ =	sdelay $0x3  }
0x95: {  	_ =	strace s4  }
0x96: {  	s4 =	sld [smem:$0x3FFD];
	_ =	sdelay $0x3  }
0x97: {  	_ =	strace s4  }
0x98: {  	_ =	strace $0x8FFFFFFF  }
0x99: {  	s20 =	sld [smem:$0x3FDB];
	_ =	sdelay $0x1  }
0x9a: {  	s5 =	simm.s32 $_scs_section_size  }
0x9b: {  	s6 =	simm.s32 $_size__tile_overlayer_lowered;
	s7 =	simm.s32 $_tile_overlayer_lowered  }
0x9c: {  	s23 =	simm.s32 $0x1BFF;
	s22 =	sshll.u32 s7, $0x1;
	s4 =	sadd.s32 s5, s20  }
0x9d: {  	s8 =	simm.s32 $0x0;
	s21 =	sshll.u32 s6, $0x1;
	s6 =	sadd.s32 s22, s4  }
0x9e: {  	[timem:s8], [sflag:s23] =	dma.local [hbm:s6], s21  }
0x9f: {  	_ =	swait.ge [sflag:s23], s21  }
0xa0: {  	s5 =	ssub.s32 $0x0, s21;
	[sflag:s23] =	ssyncset.done $0x0  }
0xa1: {  	[sflag:s23] =	ssyncadd.s32 s5;
	_ =	sdelay $0x1  }
0xa2: {  	s24 =	simm.s32 $0x1B8B  }
0xa3: {  	_ =	swait.ge [sflag:s24], $0x1  }
0xa4: {  	[sflag:s24] =	ssyncset.done $0x0  }
0xa5: {  	s25 =	simm.s32 $0x1B8E;
	[sflag:s24] =	ssyncadd.s32 $0xFFFFFFFF  }
0xa6: {  	s26 =	simm.s32 $execute0_lowered;
	[smem:$0x3FD2] =	sst s25  }
0xa7: {  	s5 =	sshll.u32 s26, $0x1;
	_ =	strace $0x80000046;
	[dreg:$0x1] =	wrdreg $0xFFFFFFFF  }
0xa8: {  	s28 =	simm.s32 $_size_execute0_lowered;
	s4 =	sadd.s32 s4, s5;
	[dreg:$0x0] =	wrdreg $0x0  }
0xa9: {  	s5 =	sshll.u32 s28, $0x1;
	[dreg:$0x2] =	wrdreg s4  }
0xaa: {  	[dreg:$0x3] =	wrdreg s5  }
0xab: {  	[dreg:$0x4] =	wrdreg $0xC0  }
0xac: {  	_ =	task [dreg:s8], $0x5FFFF  }
0xad: {  	[dreg:$0x1] =	wrdreg $0xFFFFFFFF  }
0xae: {  	[dreg:$0x0] =	wrdreg $0x60  }
0xaf: {  	[dreg:$0x2] =	wrdreg s2  }
0xb0: {  	[dreg:$0x3] =	wrdreg s19  }
0xb1: {  	[dreg:$0x4] =	wrdreg $0x9  }
0xb2: {  	_ =	task.clear_ibuf [dreg:s8], $0x5FFFF;
	_ =	strace $0x90000046  }
0xb3: {  	s29 =	simm.s32 $0x9;
	_ =	strace $0x80000048  }
0xb4: {  	_ =	swait.ge [sflag:s29], $0x1  }
0xb5: {  	[sflag:s29] =	ssyncadd.s32 $0xFFFFFFFF  }
0xb6: {  	_ =	strace $0x90000048  }
0xb7: {  	_ =	sfence  }
0xb8: {  	s30 =	sld [smem:$0x0];
	_ =	sdelay $0x2  }
0xb9: {  	s31 =	sshll.u32 s1, $0xD;
	s1 =	sshrl.u32 s1, $0x2  }
0xba: {  	s3 =	sand.u32 $0x4000, s31;
	s1 =	sadd.s32 s1, s30  }
0xbb: {  	s0 =	sor.u32 s3, s0;
	s1 =	sshll.u32 s1, $0x11  }
0xbc: {  	s0 =	sor.u32 s1, s0  }
0xbd: {  	s0 =	sadd.s32 $0x8F2B, s0  }
0xbe: {  	[sflag:s0] =	ssyncadd.remote.s32 $0x1  }
0xbf: {  	_ =	sfence.sel $0xFFFF  }
0xc0: {  	[dreg:$0x0] =	wrdreg $0xFFFFFFFF;
	(pc) =	sbr.abs _section_cstart, $3  }
0xc1: {  	[dreg:$0x1] =	wrdreg $0xFFFFFFFF  }
0xc2: {  	_ =	task.clear_ibuf [dreg:s8], $0x2FFFF;
	_ =	strace $0x9FFFFFFF  }
0xc3: {  	(tm) =	ssettm $0x7FFFFFFF  }
tec
execute0_lowered:
.L_overlay_start_1:
0x0: {  	(tag) =	ssettag $0x1  }
0x1: {  	s0 =	rddreg [dreg:$0x0]  }
0x2: {  	s2 =	rddreg [dreg:$0x1];
	s1 =	srdreg.scid  }
0x3: {  	s4 =	stileid.u32;
	s3 =	simm.s32 $0x0;
	s1 =	sand.u32 $0x1, s1  }
0x4: {  	s4 =	sshll.u32 s4, $0xA;
	s5 =	sshll.u32 s1, $0x9;
	s6 =	ssub.s32 $0x2, s1  }
0x5: {  	[smem:$0x7FF] =	sst s3;
	s1 =	sor.u32 s5, s4;
	s9 =	sshrl.u32 s6, $0x1  }
0x6: {  	_ =	strace $0x80000047;
	s7 =	sshll.u32 s1, $0x6;
	s5 =	ssub.s32 s6, s9  }
0x7: {  	s11 =	sor.u32 $0x20, s1;
	s16 =	sor.u32 $0x10, s1;
	s8 =	sor.u32 $0x30, s1  }
0x8: {  	s12 =	sor.u32 $0x60, s1;
	s13 =	sor.u32 $0x50, s1;
	s14 =	sor.u32 $0x80, s1  }
0x9: {  	v0 =	vlaneseq.u32;
	s15 =	sor.u32 $0x70, s1;
	s10 =	sadd.s32 s0, s7;
	s17 =	sshll.u32 s11, $0x6  }
0xa: {  	v2 =	vmul.u32 $0x2, v0;
	v1 =	vmov s1;
	s9 =	sshll.u32 s12, $0x6;
	s20 =	sshll.u32 s14, $0x6;
	v4 =	vmov s11;
	s11 =	sor.u32 $0xE0, s1  }
0xb: {  	v1 =	vshll.u32 v1, $0x1;
	s7 =	sor.u32 $0x120, s1;
	[dreg:$0x3] =	wrdreg s10;
	s4 =	sadd.s32 s0, s17  }
0xc: {  	vm0 =	vmmov $0xffff;
	v3 =	vmov s16;
	s10 =	sor.u32 $0x40, s1;
	s19 =	sadd.s32 s0, s9;
	s17 =	sor.u32 $0xA0, s1;
	v1 =	vor.u32 v2, v1  }
0xd: {  	v3 =	vshll.u32 v3, $0x1;
	s9 =	sor.u32 $0xC0, s1;
	v4 =	vshll.u32 v4, $0x1;
	s23 =	sshll.u32 s11, $0x6;
	s28 =	sshll.u32 s7, $0x6;
	v8 =	vmov s7  }
0xe: {  	[dreg:$0x4] =	wrdreg s4;
	s18 =	sshll.u32 s10, $0x6;
	[tilespmem:$0x1FFA0] =	vst v1;
	v1 =	vor.u32 $0x1, v1;
	v3 =	vor.u32 v2, v3;
	s22 =	sshll.u32 s9, $0x6;
	v5 =	vor.u32 v2, v4  }
0xf: {  	v4 =	vmov s8;
	v6 =	vmov s10;
	s24 =	sadd.s32 s0, s23;
	s23 =	sor.u32 $0x1D0, s1;
	s4 =	sadd.s32 s0, s18;
	[tilespmem:$0x1FFB0] =	vst v1;
	v1 =	vor.u32 $0x1, v3  }
0x10: {  	s21 =	sshll.u32 s17, $0x6;
	s6 =	sadd.s32 s0, s22;
	v4 =	vshll.u32 v4, $0x1;
	v59 =	vmov s23;
	[dreg:$0x5] =	wrdreg s4;
	[tilespmem:$0x1FFC0] =	vst v1;
	v1 =	vor.u32 $0x1, v5  }
0x11: {  	s22 =	sor.u32 $0x1C0, s1;
	s4 =	sadd.s32 s0, s20;
	[dreg:$0x9] =	wrdreg s6;
	v7 =	vor.u32 v2, v4;
	v4 =	vshll.u32 v6, $0x1;
	v6 =	vmov s13  }
0x12: {  	s6 =	sor.u32 $0x100, s1;
	s13 =	sadd.s32 s0, s28;
	v55 =	vmov s22;
	[dreg:$0x7] =	wrdreg s4;
	[tilespmem:$0x1FFD0] =	vst v1;
	v1 =	vor.u32 $0x1, v7;
	v9 =	vor.u32 v2, v4  }
0x13: {  	v4 =	vshll.u32 v6, $0x1;
	s25 =	sshll.u32 s6, $0x6;
	v6 =	vmov s15;
	[dreg:$0xc] =	wrdreg s13;
	s13 =	sor.u32 $0x140, s1;
	[tilespmem:$0x1FFE0] =	vst v1;
	v1 =	vor.u32 $0x1, v9  }
0x14: {  	s4 =	sadd.s32 s0, s21;
	s15 =	sor.u32 $0x160, s1;
	v11 =	vor.u32 v2, v4;
	v4 =	vmov s12;
	s26 =	sadd.s32 s0, s25;
	v41 =	vmov s13  }
0x15: {  	s12 =	sor.u32 $0x130, s1;
	s21 =	sshll.u32 s15, $0x6;
	s25 =	sor.u32 $0x190, s1;
	v43 =	vmov s15;
	v12 =	vor.u32 $0x1, v11;
	v4 =	vshll.u32 v4, $0x1  }
0x16: {  	s20 =	sshll.u32 s13, $0x6;
	s29 =	sadd.s32 s0, s21;
	s21 =	sor.u32 $0x1A0, s1;
	v36 =	vmov s12;
	v49 =	vmov s25;
	v13 =	vor.u32 v2, v4  }
0x17: {  	s20 =	sadd.s32 s0, s20;
	v4 =	vshll.u32 v6, $0x1;
	v6 =	vmov s14;
	v53 =	vmov s21  }
0x18: {  	s14 =	sor.u32 $0x150, s1;
	[dreg:$0xd] =	wrdreg s20;
	s20 =	sor.u32 $0x1B0, s1;
	v14 =	vor.u32 $0x1, v13;
	v15 =	vor.u32 v2, v4;
	v4 =	vshll.u32 v6, $0x1  }
0x19: {  	s18 =	sor.u32 $0x90, s1;
	v6 =	vmov s17;
	v42 =	vmov s14;
	v54 =	vmov s20  }
0x1a: {  	v16 =	vor.u32 $0x1, v15;
	v17 =	vor.u32 v2, v4;
	v4 =	vmov s18;
	s18 =	sor.u32 $0x180, s1  }
0x1b: {  	[dreg:$0x6] =	wrdreg s19;
	s19 =	sor.u32 $0xB0, s1;
	v18 =	vor.u32 $0x1, v17;
	v4 =	vshll.u32 v4, $0x1;
	v48 =	vmov s18  }
0x1c: {  	s16 =	sor.u32 $0xD0, s1;
	v19 =	vor.u32 v2, v4;
	v4 =	vshll.u32 v6, $0x1;
	v6 =	vmov s19  }
0x1d: {  	s8 =	sor.u32 $0xF0, s1;
	s10 =	sor.u32 $0x110, s1;
	[dreg:$0xa] =	wrdreg s24;
	v20 =	vor.u32 $0x1, v19;
	v21 =	vor.u32 v2, v4;
	v4 =	vshll.u32 v6, $0x1  }
0x1e: {  	s24 =	sor.u32 $0x1E0, s1;
	s19 =	sor.u32 $0x170, s1;
	s1 =	sor.u32 $0x1F0, s1;
	v6 =	vmov s16;
	v23 =	vor.u32 v2, v4;
	v4 =	vmov s9  }
0x1f: {  	v47 =	vmov s19;
	v60 =	vmov s1;
	v4 =	vshll.u32 v4, $0x1  }
0x20: {  	v25 =	vor.u32 v2, v4;
	v4 =	vshll.u32 v6, $0x1;
	v6 =	vmov s11  }
0x21: {  	v22 =	vor.u32 $0x1, v21;
	v27 =	vor.u32 v2, v4;
	v4 =	vshll.u32 v6, $0x1  }
0x22: {  	v24 =	vor.u32 $0x1, v23;
	v29 =	vor.u32 v2, v4;
	v4 =	vmov s8  }
0x23: {  	v26 =	vor.u32 $0x1, v25;
	v6 =	vmov s6;
	v4 =	vshll.u32 v4, $0x1  }
0x24: {  	v28 =	vor.u32 $0x1, v27;
	v31 =	vor.u32 v2, v4;
	v4 =	vshll.u32 v6, $0x1  }
0x25: {  	v30 =	vor.u32 $0x1, v29;
	v6 =	vmov s10;
	v32 =	vor.u32 v2, v4  }
0x26: {  	v4 =	vmov s24;
	v33 =	vor.u32 $0x1, v31;
	v6 =	vshll.u32 v6, $0x1  }
0x27: {  	v34 =	vor.u32 $0x1, v32;
	v35 =	vor.u32 v2, v6;
	v6 =	vshll.u32 v8, $0x1  }
0x28: {  	v8 =	vshll.u32 v36, $0x1;
	v4 =	vshll.u32 v4, $0x1;
	v36 =	vor.u32 $0x1, v35  }
0x29: {  	v37 =	vor.u32 v2, v6;
	v38 =	vor.u32 v2, v8;
	v6 =	vshll.u32 v41, $0x1  }
0x2a: {  	v8 =	vshll.u32 v43, $0x1;
	v61 =	vor.u32 v2, v4;
	v39 =	vor.u32 $0x1, v37  }
0x2b: {  	v40 =	vor.u32 $0x1, v38;
	v41 =	vor.u32 v2, v6;
	v6 =	vshll.u32 v42, $0x1  }
0x2c: {  	v44 =	vor.u32 v2, v8;
	v8 =	vshll.u32 v49, $0x1;
	v63 =	vor.u32 $0x1, v61  }
0x2d: {  	v42 =	vor.u32 $0x1, v41;
	v43 =	vor.u32 v2, v6;
	v46 =	vor.u32 $0x1, v44  }
0x2e: {  	v6 =	vshll.u32 v47, $0x1;
	v50 =	vor.u32 v2, v8;
	v8 =	vshll.u32 v55, $0x1  }
0x2f: {  	[dreg:$0x8] =	wrdreg s4;
	v45 =	vor.u32 $0x1, v43;
	v47 =	vor.u32 v2, v6;
	v6 =	vshll.u32 v48, $0x1  }
0x30: {  	[dreg:$0xb] =	wrdreg s26;
	s26 =	sshll.u32 s21, $0x6;
	v52 =	vor.u32 $0x1, v50;
	v49 =	vor.u32 v2, v6;
	v6 =	vshll.u32 v53, $0x1  }
0x31: {  	[dreg:$0xe] =	wrdreg s29;
	s28 =	sadd.s32 s0, s26;
	s30 =	sshll.u32 s18, $0x6;
	v56 =	vor.u32 v2, v8;
	v53 =	vor.u32 v2, v6;
	v6 =	vshll.u32 v54, $0x1  }
0x32: {  	s29 =	sshll.u32 s22, $0x6;
	[dreg:$0x10] =	wrdreg s28;
	s31 =	sadd.s32 s0, s30;
	v48 =	vor.u32 $0x1, v47;
	v55 =	vor.u32 v2, v6;
	v6 =	vshll.u32 v59, $0x1  }
0x33: {  	s30 =	sadd.s32 s0, s29;
	[dreg:$0xf] =	wrdreg s31;
	s31 =	sshll.u32 s24, $0x6;
	v58 =	vor.u32 $0x1, v56;
	v59 =	vor.u32 v2, v6;
	v6 =	vshll.u32 v60, $0x1  }
0x34: {  	[dreg:$0x11] =	wrdreg s30;
	s0 =	sadd.s32 s0, s31;
	v51 =	vor.u32 $0x1, v49;
	v54 =	vor.u32 $0x1, v53;
	v62 =	vor.u32 v2, v6  }
0x35: {  	s5 =	smax.u32 s5, $0x1;
	s4 =	sadd.s32 $0x100, s2;
	[tilespmem:$0x1FFF0] =	vst v1;
	[dreg:$0x12] =	wrdreg s0;
	v57 =	vor.u32 $0x1, v55;
	v60 =	vor.u32 $0x1, v59;
	v2 =	vor.u32 $0x1, v62  }
.LBB2_1:
0x36: {  	v1 =	vld [tilespmem:$0x1FFA0];
	_ =	sdelay $0x4  }
0x37: {  	[tilespmem:$0x1C000] =	vst v1;
	v1 =	vld [tilespmem:$0x1FFB0];
	_ =	sdelay $0x4  }
0x38: {  	[tilespmem:$0x1C380] =	vst v1;
	v1 =	vld [tilespmem:$0x1FFC0];
	_ =	sdelay $0x4  }
0x39: {  	[tilespmem:$0x1C390] =	vst v1;
	v1 =	vld [tilespmem:$0x1FFD0];
	_ =	sdelay $0x2  }
0x3a: {  	s15 =	rddreg [dreg:$0x3];
	[tilespmem:$0x1C010] =	vst v3  }
0x3b: {  	[tilespmem:s3], [sflag:$0x1] =	stream.linear.gather [hbm4b:s15+s3], $0x4000, $0x38;
	[tilespmem:$0x1C700] =	vst v63  }
0x3c: {  	[tilespmem:$0x1C400] =	vst v1;
	v1 =	vld [tilespmem:$0x1FFE0];
	_ =	sdelay $0x4  }
0x3d: {  	[tilespmem:$0x1C410] =	vst v1;
	v1 =	vld [tilespmem:$0x1FFF0]  }
0x3e: {  	[tilespmem:$0x1C080] =	vst v5  }
0x3f: {  	s0 =	rddreg [dreg:$0x4];
	s1 =	simm.s32 $0x4000;
	[tilespmem:$0x1C090] =	vst v7  }
0x40: {  	[tilespmem:s1], [sflag:$0x2] =	stream.linear.gather [hbm4b:s0+s3], $0x4000, $0x38;
	[tilespmem:$0x1C700] =	vst v63  }
0x41: {  	[tilespmem:$0x1C100] =	vst v9  }
0x42: {  	[dreg:$0x13] =	wrdreg s5;
	[tilespmem:$0x1C480] =	vst v1  }
0x43: {  	[tilespmem:$0x1C110] =	vst v11  }
0x44: {  	s5 =	simm.s32 $0x8000;
	[tilespmem:$0x1C490] =	vst v12;
	s1 =	rddreg [dreg:$0x5]  }
0x45: {  	[tilespmem:s5], [sflag:$0x3] =	stream.linear.gather [hbm4b:s1+s3], $0x4000, $0x38;
	[tilespmem:$0x1C700] =	vst v63  }
0x46: {  	[tilespmem:$0x1C180] =	vst v13  }
0x47: {  	[tilespmem:$0x1C500] =	vst v14  }
0x48: {  	[tilespmem:$0x1C190] =	vst v15  }
0x49: {  	s8 =	simm.s32 $0xC000;
	s7 =	rddreg [dreg:$0x6];
	[tilespmem:$0x1C510] =	vst v16  }
0x4a: {  	[tilespmem:s8], [sflag:$0x4] =	stream.linear.gather [hbm4b:s7+s3], $0x4000, $0x38;
	[tilespmem:$0x1C700] =	vst v63  }
0x4b: {  	[tilespmem:$0x1C200] =	vst v17  }
0x4c: {  	[tilespmem:$0x1C580] =	vst v18  }
0x4d: {  	[tilespmem:$0x1C210] =	vst v19  }
0x4e: {  	s10 =	simm.s32 $0x10000;
	s9 =	rddreg [dreg:$0x7];
	[tilespmem:$0x1C590] =	vst v20  }
0x4f: {  	[tilespmem:s10], [sflag:$0x5] =	stream.linear.gather [hbm4b:s9+s3], $0x4000, $0x38;
	[tilespmem:$0x1C700] =	vst v63  }
0x50: {  	[tilespmem:$0x1C280] =	vst v21  }
0x51: {  	[tilespmem:$0x1C600] =	vst v22  }
0x52: {  	[tilespmem:$0x1C290] =	vst v23  }
0x53: {  	s12 =	simm.s32 $0x14000;
	s13 =	simm.s32 $0x1;
	s11 =	rddreg [dreg:$0x8];
	[tilespmem:$0x1C610] =	vst v24  }
0x54: {  	[tilespmem:s12], [sflag:$0x6] =	stream.linear.gather [hbm4b:s11+s3], $0x4000, $0x38;
	[tilespmem:$0x1C700] =	vst v63  }
0x55: {  	_ =	swait.ge [sflag:s13], $0x4000  }
0x56: {  	[sflag:s13] =	ssyncset.done $0x0  }
0x57: {  	[sflag:s13] =	ssyncadd.s32 $0xFFFFC000  }
0x58: {  	v4 =	vld [tilespmem:$0x1C000];
	_ =	sdelay $0x4  }
0x59: {  	v6 =	vshll.u32 v4, $0x2  }
0x5a: {  	v4 =	vand.u32 $0x7, v4;
	v6 =	vand.u32 $0xFFFFFFE0, v6  }
0x5b: {  	v10 =	vor.u32 v4, v6;
	v4 =	vand.u32 $0x7, v0;
	v6 =	vshrl.u32 v0, $0x3  }
0x5c: {  	v8 =	vperm.xlane v10, v4;
	v6 =	vmul.u32 $0x8, v6;
	_ =	sdelay $0x1  }
0x5d: {  	v1 =	vadd.s32 v6, v8  }
0x5e: {  	v8 =	vor.u32 $0x8, v0  }
0x5f: {  	v10 =	vperm.xlane v10, v8;
	_ =	sdelay $0x1  }
0x60: {  	v10 =	vadd.s32 v6, v10  }
0x61: {  	[hbm4b:s2+s3] =	stream.indirect_vreg.scatter [tilespmem:s3], [sflag:$0x8], $0x80, v1, vm0, $0xb8;
	[tilespmem:$0x1C700] =	vst v63  }
0x62: {  	s14 =	simm.s32 $0x800  }
0x63: {  	[hbm4b:s4+s3] =	stream.indirect_vreg.scatter [tilespmem:s14], [sflag:$0x8], $0x80, v1, vm0, $0xb8;
	[tilespmem:$0x1C700] =	vst v63  }
0x64: {  	s15 =	simm.s32 $0x1000  }
0x65: {  	[hbm4b:s2+s3] =	stream.indirect_vreg.scatter [tilespmem:s15], [sflag:$0x8], $0x80, v10, vm0, $0xb8;
	[tilespmem:$0x1C700] =	vst v63  }
0x66: {  	s16 =	simm.s32 $0x1800  }
0x67: {  	[hbm4b:s4+s3] =	stream.indirect_vreg.scatter [tilespmem:s16], [sflag:$0x8], $0x80, v10, vm0, $0xb8;
	[tilespmem:$0x1C700] =	vst v63  }
0x68: {  	v1 =	vld [tilespmem:$0x1C010];
	_ =	sdelay $0x4  }
0x69: {  	v10 =	vshll.u32 v1, $0x2  }
0x6a: {  	v1 =	vand.u32 $0x7, v1;
	v10 =	vand.u32 $0xFFFFFFE0, v10  }
0x6b: {  	v1 =	vor.u32 v1, v10  }
0x6c: {  	v10 =	vperm.xlane v1, v4;
	_ =	sdelay $0x1  }
0x6d: {  	v10 =	vadd.s32 v6, v10;
	_ =	sdelay $0x1  }
0x6e: {  	v1 =	vperm.xlane v1, v8;
	_ =	sdelay $0x1  }
0x6f: {  	s17 =	simm.s32 $0x2000;
	v1 =	vadd.s32 v6, v1  }
0x70: {  	[hbm4b:s2+s3] =	stream.indirect_vreg.scatter [tilespmem:s17], [sflag:$0x8], $0x80, v10, vm0, $0xb8;
	[tilespmem:$0x1C700] =	vst v63  }
0x71: {  	s18 =	simm.s32 $0x2800  }
0x72: {  	[hbm4b:s4+s3] =	stream.indirect_vreg.scatter [tilespmem:s18], [sflag:$0x8], $0x80, v10, vm0, $0xb8;
	[tilespmem:$0x1C700] =	vst v63  }
0x73: {  	s19 =	simm.s32 $0x3000  }
0x74: {  	[hbm4b:s2+s3] =	stream.indirect_vreg.scatter [tilespmem:s19], [sflag:$0x8], $0x80, v1, vm0, $0xb8;
	[tilespmem:$0x1C700] =	vst v63  }
0x75: {  	s21 =	simm.s32 $0x3800  }
0x76: {  	[hbm4b:s4+s3] =	stream.indirect_vreg.scatter [tilespmem:s21], [sflag:$0x8], $0x80, v1, vm0, $0xb8;
	[tilespmem:$0x1C700] =	vst v63  }
0x77: {  	v1 =	vld [tilespmem:$0x1C380];
	_ =	sdelay $0x4  }
0x78: {  	v10 =	vshll.u32 v1, $0x2  }
0x79: {  	v1 =	vand.u32 $0x7, v1;
	v10 =	vand.u32 $0xFFFFFFE0, v10  }
0x7a: {  	v1 =	vor.u32 v1, v10  }
0x7b: {  	v10 =	vperm.xlane v1, v4;
	_ =	sdelay $0x1  }
0x7c: {  	v10 =	vadd.s32 v6, v10;
	_ =	sdelay $0x1  }
0x7d: {  	v1 =	vperm.xlane v1, v8;
	_ =	sdelay $0x1  }
0x7e: {  	v1 =	vadd.s32 v6, v1  }
0x7f: {  	[hbm4b:s2+s3] =	stream.indirect_vreg.scatter [tilespmem:s3], [sflag:$0x8], $0x80, v10, vm0, $0xb8;
	[tilespmem:$0x1C700] =	vst v63  }
0x80: {  	s7 =	simm.s32 $0x800  }
0x81: {  	[hbm4b:s4+s3] =	stream.indirect_vreg.scatter [tilespmem:s7], [sflag:$0x8], $0x80, v10, vm0, $0xb8;
	[tilespmem:$0x1C700] =	vst v63  }
0x82: {  	s9 =	simm.s32 $0x1000  }
0x83: {  	[hbm4b:s2+s3] =	stream.indirect_vreg.scatter [tilespmem:s9], [sflag:$0x8], $0x80, v1, vm0, $0xb8;
	[tilespmem:$0x1C700] =	vst v63  }
0x84: {  	s16 =	simm.s32 $0x1800  }
0x85: {  	[hbm4b:s4+s3] =	stream.indirect_vreg.scatter [tilespmem:s16], [sflag:$0x8], $0x80, v1, vm0, $0xb8;
	[tilespmem:$0x1C700] =	vst v63  }
0x86: {  	v1 =	vld [tilespmem:$0x1C390];
	_ =	sdelay $0x4  }
0x87: {  	v10 =	vshll.u32 v1, $0x2  }
0x88: {  	v1 =	vand.u32 $0x7, v1;
	v10 =	vand.u32 $0xFFFFFFE0, v10  }
0x89: {  	v1 =	vor.u32 v1, v10  }
0x8a: {  	v10 =	vperm.xlane v1, v4;
	_ =	sdelay $0x1  }
0x8b: {  	v10 =	vadd.s32 v6, v10;
	_ =	sdelay $0x1  }
0x8c: {  	v1 =	vperm.xlane v1, v8;
	_ =	sdelay $0x1  }
0x8d: {  	s11 =	simm.s32 $0x2000;
	v1 =	vadd.s32 v6, v1  }
0x8e: {  	[hbm4b:s2+s3] =	stream.indirect_vreg.scatter [tilespmem:s11], [sflag:$0x8], $0x80, v10, vm0, $0xb8;
	[tilespmem:$0x1C700] =	vst v63  }
0x8f: {  	s12 =	simm.s32 $0x2800  }
0x90: {  	[hbm4b:s4+s3] =	stream.indirect_vreg.scatter [tilespmem:s12], [sflag:$0x8], $0x80, v10, vm0, $0xb8;
	[tilespmem:$0x1C700] =	vst v63  }
0x91: {  	s20 =	simm.s32 $0x3000  }
0x92: {  	[hbm4b:s2+s3] =	stream.indirect_vreg.scatter [tilespmem:s20], [sflag:$0x8], $0x80, v1, vm0, $0xb8;
	[tilespmem:$0x1C700] =	vst v63  }
0x93: {  	s22 =	simm.s32 $0x3800  }
0x94: {  	[hbm4b:s4+s3] =	stream.indirect_vreg.scatter [tilespmem:s22], [sflag:$0x8], $0x80, v1, vm0, $0xb8;
	[tilespmem:$0x1C700] =	vst v63  }
0x95: {  	[tilespmem:$0x1C300] =	vst v25  }
0x96: {  	[tilespmem:$0x1C680] =	vst v26  }
0x97: {  	[tilespmem:$0x1C310] =	vst v27  }
0x98: {  	s24 =	simm.s32 $0x18000;
	s25 =	simm.s32 $0x2;
	s23 =	rddreg [dreg:$0x9];
	[tilespmem:$0x1C690] =	vst v28  }
0x99: {  	[tilespmem:s24], [sflag:$0x7] =	stream.linear.gather [hbm4b:s23+s3], $0x4000, $0x38;
	[tilespmem:$0x1C700] =	vst v63  }
0x9a: {  	_ =	swait.ge [sflag:s25], $0x4000  }
0x9b: {  	[sflag:s25] =	ssyncset.done $0x0  }
0x9c: {  	[sflag:s25] =	ssyncadd.s32 $0xFFFFC000  }
0x9d: {  	v1 =	vld [tilespmem:$0x1C080];
	_ =	sdelay $0x4  }
0x9e: {  	v10 =	vshll.u32 v1, $0x2  }
0x9f: {  	v1 =	vand.u32 $0x7, v1;
	v10 =	vand.u32 $0xFFFFFFE0, v10  }
0xa0: {  	v1 =	vor.u32 v1, v10  }
0xa1: {  	v10 =	vperm.xlane v1, v4;
	_ =	sdelay $0x1  }
0xa2: {  	v10 =	vadd.s32 v6, v10;
	_ =	sdelay $0x1  }
0xa3: {  	v1 =	vperm.xlane v1, v8;
	_ =	sdelay $0x1  }
0xa4: {  	s6 =	simm.s32 $0x4000;
	v1 =	vadd.s32 v6, v1  }
0xa5: {  	[hbm4b:s2+s3] =	stream.indirect_vreg.scatter [tilespmem:s6], [sflag:$0x9], $0x80, v10, vm0, $0xb8;
	[tilespmem:$0x1C700] =	vst v63  }
0xa6: {  	s26 =	simm.s32 $0x4800  }
0xa7: {  	[hbm4b:s4+s3] =	stream.indirect_vreg.scatter [tilespmem:s26], [sflag:$0x9], $0x80, v10, vm0, $0xb8;
	[tilespmem:$0x1C700] =	vst v63  }
0xa8: {  	s29 =	simm.s32 $0x5000  }
0xa9: {  	[hbm4b:s2+s3] =	stream.indirect_vreg.scatter [tilespmem:s29], [sflag:$0x9], $0x80, v1, vm0, $0xb8;
	[tilespmem:$0x1C700] =	vst v63  }
0xaa: {  	s31 =	simm.s32 $0x5800  }
0xab: {  	[hbm4b:s4+s3] =	stream.indirect_vreg.scatter [tilespmem:s31], [sflag:$0x9], $0x80, v1, vm0, $0xb8;
	[tilespmem:$0x1C700] =	vst v63  }
0xac: {  	v1 =	vld [tilespmem:$0x1C090];
	_ =	sdelay $0x4  }
0xad: {  	v10 =	vshll.u32 v1, $0x2  }
0xae: {  	v1 =	vand.u32 $0x7, v1;
	v10 =	vand.u32 $0xFFFFFFE0, v10  }
0xaf: {  	v1 =	vor.u32 v1, v10  }
0xb0: {  	v10 =	vperm.xlane v1, v4;
	_ =	sdelay $0x1  }
0xb1: {  	v10 =	vadd.s32 v6, v10;
	_ =	sdelay $0x1  }
0xb2: {  	v1 =	vperm.xlane v1, v8;
	_ =	sdelay $0x1  }
0xb3: {  	s0 =	simm.s32 $0x6000;
	v1 =	vadd.s32 v6, v1  }
0xb4: {  	[hbm4b:s2+s3] =	stream.indirect_vreg.scatter [tilespmem:s0], [sflag:$0x9], $0x80, v10, vm0, $0xb8;
	[tilespmem:$0x1C700] =	vst v63  }
0xb5: {  	s5 =	simm.s32 $0x6800  }
0xb6: {  	[hbm4b:s4+s3] =	stream.indirect_vreg.scatter [tilespmem:s5], [sflag:$0x9], $0x80, v10, vm0, $0xb8;
	[tilespmem:$0x1C700] =	vst v63  }
0xb7: {  	s10 =	simm.s32 $0x7000  }
0xb8: {  	[hbm4b:s2+s3] =	stream.indirect_vreg.scatter [tilespmem:s10], [sflag:$0x9], $0x80, v1, vm0, $0xb8;
	[tilespmem:$0x1C700] =	vst v63  }
0xb9: {  	s14 =	simm.s32 $0x7800  }
0xba: {  	[hbm4b:s4+s3] =	stream.indirect_vreg.scatter [tilespmem:s14], [sflag:$0x9], $0x80, v1, vm0, $0xb8;
	[tilespmem:$0x1C700] =	vst v63  }
0xbb: {  	v1 =	vld [tilespmem:$0x1C400];
	_ =	sdelay $0x4  }
0xbc: {  	v10 =	vshll.u32 v1, $0x2  }
0xbd: {  	v1 =	vand.u32 $0x7, v1;
	v10 =	vand.u32 $0xFFFFFFE0, v10  }
0xbe: {  	v1 =	vor.u32 v1, v10  }
0xbf: {  	v10 =	vperm.xlane v1, v4;
	_ =	sdelay $0x1  }
0xc0: {  	v10 =	vadd.s32 v6, v10;
	_ =	sdelay $0x1  }
0xc1: {  	v1 =	vperm.xlane v1, v8;
	_ =	sdelay $0x1  }
0xc2: {  	v1 =	vadd.s32 v6, v1  }
0xc3: {  	[hbm4b:s2+s3] =	stream.indirect_vreg.scatter [tilespmem:s6], [sflag:$0x9], $0x80, v10, vm0, $0xb8;
	[tilespmem:$0x1C700] =	vst v63  }
0xc4: {  	s28 =	simm.s32 $0x4800  }
0xc5: {  	[hbm4b:s4+s3] =	stream.indirect_vreg.scatter [tilespmem:s28], [sflag:$0x9], $0x80, v10, vm0, $0xb8;
	[tilespmem:$0x1C700] =	vst v63  }
0xc6: {  	s30 =	simm.s32 $0x5000  }
0xc7: {  	[hbm4b:s2+s3] =	stream.indirect_vreg.scatter [tilespmem:s30], [sflag:$0x9], $0x80, v1, vm0, $0xb8;
	[tilespmem:$0x1C700] =	vst v63  }
0xc8: {  	s17 =	simm.s32 $0x5800  }
0xc9: {  	[hbm4b:s4+s3] =	stream.indirect_vreg.scatter [tilespmem:s17], [sflag:$0x9], $0x80, v1, vm0, $0xb8;
	[tilespmem:$0x1C700] =	vst v63  }
0xca: {  	v1 =	vld [tilespmem:$0x1C410];
	_ =	sdelay $0x4  }
0xcb: {  	v10 =	vshll.u32 v1, $0x2  }
0xcc: {  	v1 =	vand.u32 $0x7, v1;
	v10 =	vand.u32 $0xFFFFFFE0, v10  }
0xcd: {  	v1 =	vor.u32 v1, v10  }
0xce: {  	v10 =	vperm.xlane v1, v4;
	_ =	sdelay $0x1  }
0xcf: {  	v10 =	vadd.s32 v6, v10;
	_ =	sdelay $0x1  }
0xd0: {  	v1 =	vperm.xlane v1, v8;
	_ =	sdelay $0x1  }
0xd1: {  	s1 =	simm.s32 $0x6000;
	v1 =	vadd.s32 v6, v1  }
0xd2: {  	[hbm4b:s2+s3] =	stream.indirect_vreg.scatter [tilespmem:s1], [sflag:$0x9], $0x80, v10, vm0, $0xb8;
	[tilespmem:$0x1C700] =	vst v63  }
0xd3: {  	s8 =	simm.s32 $0x6800  }
0xd4: {  	[hbm4b:s4+s3] =	stream.indirect_vreg.scatter [tilespmem:s8], [sflag:$0x9], $0x80, v10, vm0, $0xb8;
	[tilespmem:$0x1C700] =	vst v63  }
0xd5: {  	s13 =	simm.s32 $0x7000  }
0xd6: {  	[hbm4b:s2+s3] =	stream.indirect_vreg.scatter [tilespmem:s13], [sflag:$0x9], $0x80, v1, vm0, $0xb8;
	[tilespmem:$0x1C700] =	vst v63  }
0xd7: {  	s18 =	simm.s32 $0x7800;
	s0 =	simm.s32 $0x8  }
0xd8: {  	[hbm4b:s4+s3] =	stream.indirect_vreg.scatter [tilespmem:s18], [sflag:$0x9], $0x80, v1, vm0, $0xb8;
	[tilespmem:$0x1C700] =	vst v63  }
0xd9: {  	_ =	swait.ge [sflag:s0], $0x4000  }
0xda: {  	[sflag:s0] =	ssyncset.done $0x0  }
0xdb: {  	[sflag:s0] =	ssyncadd.s32 $0xFFFFC000  }
0xdc: {  	_ =	swait.ge [sflag:s0], $0x4000  }
0xdd: {  	[sflag:s0] =	ssyncset.done $0x0  }
0xde: {  	[sflag:s0] =	ssyncadd.s32 $0xFFFFC000  }
0xdf: {  	[tilespmem:$0x1C000] =	vst v29  }
0xe0: {  	[tilespmem:$0x1C380] =	vst v30  }
0xe1: {  	[tilespmem:$0x1C010] =	vst v31  }
0xe2: {  	s7 =	simm.s32 $0x3;
	s19 =	rddreg [dreg:$0xa];
	[tilespmem:$0x1C390] =	vst v33  }
0xe3: {  	[tilespmem:s3], [sflag:$0x1] =	stream.linear.gather [hbm4b:s19+s3], $0x4000, $0x38;
	[tilespmem:$0x1C700] =	vst v63  }
0xe4: {  	_ =	swait.ge [sflag:s7], $0x4000  }
0xe5: {  	[sflag:s7] =	ssyncset.done $0x0  }
0xe6: {  	[sflag:s7] =	ssyncadd.s32 $0xFFFFC000  }
0xe7: {  	v1 =	vld [tilespmem:$0x1C100];
	_ =	sdelay $0x4  }
0xe8: {  	v10 =	vshll.u32 v1, $0x2  }
0xe9: {  	v1 =	vand.u32 $0x7, v1;
	v10 =	vand.u32 $0xFFFFFFE0, v10  }
0xea: {  	v1 =	vor.u32 v1, v10  }
0xeb: {  	v10 =	vperm.xlane v1, v4;
	_ =	sdelay $0x1  }
0xec: {  	v10 =	vadd.s32 v6, v10;
	_ =	sdelay $0x1  }
0xed: {  	v1 =	vperm.xlane v1, v8;
	_ =	sdelay $0x1  }
0xee: {  	s20 =	simm.s32 $0x8000;
	v1 =	vadd.s32 v6, v1  }
0xef: {  	[hbm4b:s2+s3] =	stream.indirect_vreg.scatter [tilespmem:s20], [sflag:$0xA], $0x80, v10, vm0, $0xb8;
	[tilespmem:$0x1C700] =	vst v63  }
0xf0: {  	s21 =	simm.s32 $0x8800  }
0xf1: {  	[hbm4b:s4+s3] =	stream.indirect_vreg.scatter [tilespmem:s21], [sflag:$0xA], $0x80, v10, vm0, $0xb8;
	[tilespmem:$0x1C700] =	vst v63  }
0xf2: {  	s22 =	simm.s32 $0x9000  }
0xf3: {  	[hbm4b:s2+s3] =	stream.indirect_vreg.scatter [tilespmem:s22], [sflag:$0xA], $0x80, v1, vm0, $0xb8;
	[tilespmem:$0x1C700] =	vst v63  }
0xf4: {  	s24 =	simm.s32 $0x9800  }
0xf5: {  	[hbm4b:s4+s3] =	stream.indirect_vreg.scatter [tilespmem:s24], [sflag:$0xA], $0x80, v1, vm0, $0xb8;
	[tilespmem:$0x1C700] =	vst v63  }
0xf6: {  	v1 =	vld [tilespmem:$0x1C110];
	_ =	sdelay $0x4  }
0xf7: {  	v10 =	vshll.u32 v1, $0x2  }
0xf8: {  	v1 =	vand.u32 $0x7, v1;
	v10 =	vand.u32 $0xFFFFFFE0, v10  }
0xf9: {  	v1 =	vor.u32 v1, v10  }
0xfa: {  	v10 =	vperm.xlane v1, v4;
	_ =	sdelay $0x1  }
0xfb: {  	v10 =	vadd.s32 v6, v10;
	_ =	sdelay $0x1  }
0xfc: {  	v1 =	vperm.xlane v1, v8;
	_ =	sdelay $0x1  }
0xfd: {  	s25 =	simm.s32 $0xA000;
	v1 =	vadd.s32 v6, v1  }
0xfe: {  	[hbm4b:s2+s3] =	stream.indirect_vreg.scatter [tilespmem:s25], [sflag:$0xA], $0x80, v10, vm0, $0xb8;
	[tilespmem:$0x1C700] =	vst v63  }
0xff: {  	s26 =	simm.s32 $0xA800  }
0x100: {  	[hbm4b:s4+s3] =	stream.indirect_vreg.scatter [tilespmem:s26], [sflag:$0xA], $0x80, v10, vm0, $0xb8;
	[tilespmem:$0x1C700] =	vst v63  }
0x101: {  	s29 =	simm.s32 $0xB000  }
0x102: {  	[hbm4b:s2+s3] =	stream.indirect_vreg.scatter [tilespmem:s29], [sflag:$0xA], $0x80, v1, vm0, $0xb8;
	[tilespmem:$0x1C700] =	vst v63  }
0x103: {  	s31 =	simm.s32 $0xB800  }
0x104: {  	[hbm4b:s4+s3] =	stream.indirect_vreg.scatter [tilespmem:s31], [sflag:$0xA], $0x80, v1, vm0, $0xb8;
	[tilespmem:$0x1C700] =	vst v63  }
0x105: {  	v1 =	vld [tilespmem:$0x1C480];
	_ =	sdelay $0x4  }
0x106: {  	v10 =	vshll.u32 v1, $0x2  }
0x107: {  	v1 =	vand.u32 $0x7, v1;
	v10 =	vand.u32 $0xFFFFFFE0, v10  }
0x108: {  	v1 =	vor.u32 v1, v10  }
0x109: {  	v10 =	vperm.xlane v1, v4;
	_ =	sdelay $0x1  }
0x10a: {  	v10 =	vadd.s32 v6, v10;
	_ =	sdelay $0x1  }
0x10b: {  	v1 =	vperm.xlane v1, v8;
	_ =	sdelay $0x1  }
0x10c: {  	v1 =	vadd.s32 v6, v1  }
0x10d: {  	[hbm4b:s2+s3] =	stream.indirect_vreg.scatter [tilespmem:s20], [sflag:$0xA], $0x80, v10, vm0, $0xb8;
	[tilespmem:$0x1C700] =	vst v63  }
0x10e: {  	s8 =	simm.s32 $0x8800  }
0x10f: {  	[hbm4b:s4+s3] =	stream.indirect_vreg.scatter [tilespmem:s8], [sflag:$0xA], $0x80, v10, vm0, $0xb8;
	[tilespmem:$0x1C700] =	vst v63  }
0x110: {  	s23 =	simm.s32 $0x9000  }
0x111: {  	[hbm4b:s2+s3] =	stream.indirect_vreg.scatter [tilespmem:s23], [sflag:$0xA], $0x80, v1, vm0, $0xb8;
	[tilespmem:$0x1C700] =	vst v63  }
0x112: {  	s13 =	simm.s32 $0x9800  }
0x113: {  	[hbm4b:s4+s3] =	stream.indirect_vreg.scatter [tilespmem:s13], [sflag:$0xA], $0x80, v1, vm0, $0xb8;
	[tilespmem:$0x1C700] =	vst v63  }
0x114: {  	v1 =	vld [tilespmem:$0x1C490];
	_ =	sdelay $0x4  }
0x115: {  	v10 =	vshll.u32 v1, $0x2  }
0x116: {  	v1 =	vand.u32 $0x7, v1;
	v10 =	vand.u32 $0xFFFFFFE0, v10  }
0x117: {  	v1 =	vor.u32 v1, v10  }
0x118: {  	v10 =	vperm.xlane v1, v4;
	_ =	sdelay $0x1  }
0x119: {  	v10 =	vadd.s32 v6, v10;
	_ =	sdelay $0x1  }
0x11a: {  	v1 =	vperm.xlane v1, v8;
	_ =	sdelay $0x1  }
0x11b: {  	s10 =	simm.s32 $0xA000;
	v1 =	vadd.s32 v6, v1  }
0x11c: {  	[hbm4b:s2+s3] =	stream.indirect_vreg.scatter [tilespmem:s10], [sflag:$0xA], $0x80, v10, vm0, $0xb8;
	[tilespmem:$0x1C700] =	vst v63  }
0x11d: {  	s28 =	simm.s32 $0xA800  }
0x11e: {  	[hbm4b:s4+s3] =	stream.indirect_vreg.scatter [tilespmem:s28], [sflag:$0xA], $0x80, v10, vm0, $0xb8;
	[tilespmem:$0x1C700] =	vst v63  }
0x11f: {  	s30 =	simm.s32 $0xB000  }
0x120: {  	[hbm4b:s2+s3] =	stream.indirect_vreg.scatter [tilespmem:s30], [sflag:$0xA], $0x80, v1, vm0, $0xb8;
	[tilespmem:$0x1C700] =	vst v63  }
0x121: {  	s17 =	simm.s32 $0x9;
	s0 =	simm.s32 $0xB800  }
0x122: {  	[hbm4b:s4+s3] =	stream.indirect_vreg.scatter [tilespmem:s0], [sflag:$0xA], $0x80, v1, vm0, $0xb8;
	[tilespmem:$0x1C700] =	vst v63  }
0x123: {  	_ =	swait.ge [sflag:s17], $0x4000  }
0x124: {  	[sflag:s17] =	ssyncset.done $0x0  }
0x125: {  	[sflag:s17] =	ssyncadd.s32 $0xFFFFC000  }
0x126: {  	_ =	swait.ge [sflag:s17], $0x4000  }
0x127: {  	[sflag:s17] =	ssyncset.done $0x0  }
0x128: {  	[sflag:s17] =	ssyncadd.s32 $0xFFFFC000  }
0x129: {  	[tilespmem:$0x1C080] =	vst v32  }
0x12a: {  	[tilespmem:$0x1C400] =	vst v34  }
0x12b: {  	[tilespmem:$0x1C090] =	vst v35  }
0x12c: {  	s16 =	simm.s32 $0x4;
	s13 =	rddreg [dreg:$0xb];
	[tilespmem:$0x1C410] =	vst v36  }
0x12d: {  	[tilespmem:s6], [sflag:$0x2] =	stream.linear.gather [hbm4b:s13+s3], $0x4000, $0x38;
	[tilespmem:$0x1C700] =	vst v63  }
0x12e: {  	_ =	swait.ge [sflag:s16], $0x4000  }
0x12f: {  	[sflag:s16] =	ssyncset.done $0x0  }
0x130: {  	[sflag:s16] =	ssyncadd.s32 $0xFFFFC000  }
0x131: {  	v1 =	vld [tilespmem:$0x1C180];
	_ =	sdelay $0x4  }
0x132: {  	v10 =	vshll.u32 v1, $0x2  }
0x133: {  	v1 =	vand.u32 $0x7, v1;
	v10 =	vand.u32 $0xFFFFFFE0, v10  }
0x134: {  	v1 =	vor.u32 v1, v10  }
0x135: {  	v10 =	vperm.xlane v1, v4;
	_ =	sdelay $0x1  }
0x136: {  	v10 =	vadd.s32 v6, v10;
	_ =	sdelay $0x1  }
0x137: {  	v1 =	vperm.xlane v1, v8;
	_ =	sdelay $0x1  }
0x138: {  	s18 =	simm.s32 $0xC000;
	v1 =	vadd.s32 v6, v1  }
0x139: {  	[hbm4b:s2+s3] =	stream.indirect_vreg.scatter [tilespmem:s18], [sflag:$0xB], $0x80, v10, vm0, $0xb8;
	[tilespmem:$0x1C700] =	vst v63  }
0x13a: {  	s19 =	simm.s32 $0xC800  }
0x13b: {  	[hbm4b:s4+s3] =	stream.indirect_vreg.scatter [tilespmem:s19], [sflag:$0xB], $0x80, v10, vm0, $0xb8;
	[tilespmem:$0x1C700] =	vst v63  }
0x13c: {  	s21 =	simm.s32 $0xD000  }
0x13d: {  	[hbm4b:s2+s3] =	stream.indirect_vreg.scatter [tilespmem:s21], [sflag:$0xB], $0x80, v1, vm0, $0xb8;
	[tilespmem:$0x1C700] =	vst v63  }
0x13e: {  	s23 =	simm.s32 $0xD800  }
0x13f: {  	[hbm4b:s4+s3] =	stream.indirect_vreg.scatter [tilespmem:s23], [sflag:$0xB], $0x80, v1, vm0, $0xb8;
	[tilespmem:$0x1C700] =	vst v63  }
0x140: {  	v1 =	vld [tilespmem:$0x1C190];
	_ =	sdelay $0x4  }
0x141: {  	v10 =	vshll.u32 v1, $0x2  }
0x142: {  	v1 =	vand.u32 $0x7, v1;
	v10 =	vand.u32 $0xFFFFFFE0, v10  }
0x143: {  	v1 =	vor.u32 v1, v10  }
0x144: {  	v10 =	vperm.xlane v1, v4;
	_ =	sdelay $0x1  }
0x145: {  	v10 =	vadd.s32 v6, v10;
	_ =	sdelay $0x1  }
0x146: {  	v1 =	vperm.xlane v1, v8;
	_ =	sdelay $0x1  }
0x147: {  	s25 =	simm.s32 $0xE000;
	v1 =	vadd.s32 v6, v1  }
0x148: {  	[hbm4b:s2+s3] =	stream.indirect_vreg.scatter [tilespmem:s25], [sflag:$0xB], $0x80, v10, vm0, $0xb8;
	[tilespmem:$0x1C700] =	vst v63  }
0x149: {  	s28 =	simm.s32 $0xE800  }
0x14a: {  	[hbm4b:s4+s3] =	stream.indirect_vreg.scatter [tilespmem:s28], [sflag:$0xB], $0x80, v10, vm0, $0xb8;
	[tilespmem:$0x1C700] =	vst v63  }
0x14b: {  	s30 =	simm.s32 $0xF000  }
0x14c: {  	[hbm4b:s2+s3] =	stream.indirect_vreg.scatter [tilespmem:s30], [sflag:$0xB], $0x80, v1, vm0, $0xb8;
	[tilespmem:$0x1C700] =	vst v63  }
0x14d: {  	s0 =	simm.s32 $0xF800  }
0x14e: {  	[hbm4b:s4+s3] =	stream.indirect_vreg.scatter [tilespmem:s0], [sflag:$0xB], $0x80, v1, vm0, $0xb8;
	[tilespmem:$0x1C700] =	vst v63  }
0x14f: {  	v1 =	vld [tilespmem:$0x1C500];
	_ =	sdelay $0x4  }
0x150: {  	v10 =	vshll.u32 v1, $0x2  }
0x151: {  	v1 =	vand.u32 $0x7, v1;
	v10 =	vand.u32 $0xFFFFFFE0, v10  }
0x152: {  	v1 =	vor.u32 v1, v10  }
0x153: {  	v10 =	vperm.xlane v1, v4;
	_ =	sdelay $0x1  }
0x154: {  	v10 =	vadd.s32 v6, v10;
	_ =	sdelay $0x1  }
0x155: {  	v1 =	vperm.xlane v1, v8;
	_ =	sdelay $0x1  }
0x156: {  	v1 =	vadd.s32 v6, v1  }
0x157: {  	[hbm4b:s2+s3] =	stream.indirect_vreg.scatter [tilespmem:s18], [sflag:$0xB], $0x80, v10, vm0, $0xb8;
	[tilespmem:$0x1C700] =	vst v63  }
0x158: {  	s20 =	simm.s32 $0xC800  }
0x159: {  	[hbm4b:s4+s3] =	stream.indirect_vreg.scatter [tilespmem:s20], [sflag:$0xB], $0x80, v10, vm0, $0xb8;
	[tilespmem:$0x1C700] =	vst v63  }
0x15a: {  	s22 =	simm.s32 $0xD000  }
0x15b: {  	[hbm4b:s2+s3] =	stream.indirect_vreg.scatter [tilespmem:s22], [sflag:$0xB], $0x80, v1, vm0, $0xb8;
	[tilespmem:$0x1C700] =	vst v63  }
0x15c: {  	s24 =	simm.s32 $0xD800  }
0x15d: {  	[hbm4b:s4+s3] =	stream.indirect_vreg.scatter [tilespmem:s24], [sflag:$0xB], $0x80, v1, vm0, $0xb8;
	[tilespmem:$0x1C700] =	vst v63  }
0x15e: {  	v1 =	vld [tilespmem:$0x1C510];
	_ =	sdelay $0x4  }
0x15f: {  	v10 =	vshll.u32 v1, $0x2  }
0x160: {  	v1 =	vand.u32 $0x7, v1;
	v10 =	vand.u32 $0xFFFFFFE0, v10  }
0x161: {  	v1 =	vor.u32 v1, v10  }
0x162: {  	v10 =	vperm.xlane v1, v4;
	_ =	sdelay $0x1  }
0x163: {  	v10 =	vadd.s32 v6, v10;
	_ =	sdelay $0x1  }
0x164: {  	v1 =	vperm.xlane v1, v8;
	_ =	sdelay $0x1  }
0x165: {  	s26 =	simm.s32 $0xE000;
	v1 =	vadd.s32 v6, v1  }
0x166: {  	[hbm4b:s2+s3] =	stream.indirect_vreg.scatter [tilespmem:s26], [sflag:$0xB], $0x80, v10, vm0, $0xb8;
	[tilespmem:$0x1C700] =	vst v63  }
0x167: {  	s29 =	simm.s32 $0xE800  }
0x168: {  	[hbm4b:s4+s3] =	stream.indirect_vreg.scatter [tilespmem:s29], [sflag:$0xB], $0x80, v10, vm0, $0xb8;
	[tilespmem:$0x1C700] =	vst v63  }
0x169: {  	s31 =	simm.s32 $0xF000  }
0x16a: {  	[hbm4b:s2+s3] =	stream.indirect_vreg.scatter [tilespmem:s31], [sflag:$0xB], $0x80, v1, vm0, $0xb8;
	[tilespmem:$0x1C700] =	vst v63  }
0x16b: {  	s1 =	simm.s32 $0xF800;
	s8 =	simm.s32 $0xA  }
0x16c: {  	[hbm4b:s4+s3] =	stream.indirect_vreg.scatter [tilespmem:s1], [sflag:$0xB], $0x80, v1, vm0, $0xb8;
	[tilespmem:$0x1C700] =	vst v63  }
0x16d: {  	_ =	swait.ge [sflag:s8], $0x4000  }
0x16e: {  	[sflag:s8] =	ssyncset.done $0x0  }
0x16f: {  	[sflag:s8] =	ssyncadd.s32 $0xFFFFC000  }
0x170: {  	_ =	swait.ge [sflag:s8], $0x4000  }
0x171: {  	[sflag:s8] =	ssyncset.done $0x0  }
0x172: {  	[sflag:s8] =	ssyncadd.s32 $0xFFFFC000  }
0x173: {  	[tilespmem:$0x1C100] =	vst v37  }
0x174: {  	[tilespmem:$0x1C480] =	vst v39  }
0x175: {  	[tilespmem:$0x1C110] =	vst v38  }
0x176: {  	s15 =	simm.s32 $0x5;
	s14 =	simm.s32 $0x8000;
	s13 =	rddreg [dreg:$0xc];
	[tilespmem:$0x1C490] =	vst v40  }
0x177: {  	[tilespmem:s14], [sflag:$0x3] =	stream.linear.gather [hbm4b:s13+s3], $0x4000, $0x38;
	[tilespmem:$0x1C700] =	vst v63  }
0x178: {  	_ =	swait.ge [sflag:s15], $0x4000  }
0x179: {  	[sflag:s15] =	ssyncset.done $0x0  }
0x17a: {  	[sflag:s15] =	ssyncadd.s32 $0xFFFFC000  }
0x17b: {  	v1 =	vld [tilespmem:$0x1C200];
	_ =	sdelay $0x4  }
0x17c: {  	v10 =	vshll.u32 v1, $0x2  }
0x17d: {  	v1 =	vand.u32 $0x7, v1;
	v10 =	vand.u32 $0xFFFFFFE0, v10  }
0x17e: {  	v1 =	vor.u32 v1, v10  }
0x17f: {  	v10 =	vperm.xlane v1, v4;
	_ =	sdelay $0x1  }
0x180: {  	v10 =	vadd.s32 v6, v10;
	_ =	sdelay $0x1  }
0x181: {  	v1 =	vperm.xlane v1, v8;
	_ =	sdelay $0x1  }
0x182: {  	s18 =	simm.s32 $0x10000;
	v1 =	vadd.s32 v6, v1  }
0x183: {  	[hbm4b:s2+s3] =	stream.indirect_vreg.scatter [tilespmem:s18], [sflag:$0xC], $0x80, v10, vm0, $0xb8;
	[tilespmem:$0x1C700] =	vst v63  }
0x184: {  	s19 =	simm.s32 $0x10800  }
0x185: {  	[hbm4b:s4+s3] =	stream.indirect_vreg.scatter [tilespmem:s19], [sflag:$0xC], $0x80, v10, vm0, $0xb8;
	[tilespmem:$0x1C700] =	vst v63  }
0x186: {  	s21 =	simm.s32 $0x11000  }
0x187: {  	[hbm4b:s2+s3] =	stream.indirect_vreg.scatter [tilespmem:s21], [sflag:$0xC], $0x80, v1, vm0, $0xb8;
	[tilespmem:$0x1C700] =	vst v63  }
0x188: {  	s23 =	simm.s32 $0x11800  }
0x189: {  	[hbm4b:s4+s3] =	stream.indirect_vreg.scatter [tilespmem:s23], [sflag:$0xC], $0x80, v1, vm0, $0xb8;
	[tilespmem:$0x1C700] =	vst v63  }
0x18a: {  	v1 =	vld [tilespmem:$0x1C210];
	_ =	sdelay $0x4  }
0x18b: {  	v10 =	vshll.u32 v1, $0x2  }
0x18c: {  	v1 =	vand.u32 $0x7, v1;
	v10 =	vand.u32 $0xFFFFFFE0, v10  }
0x18d: {  	v1 =	vor.u32 v1, v10  }
0x18e: {  	v10 =	vperm.xlane v1, v4;
	_ =	sdelay $0x1  }
0x18f: {  	v10 =	vadd.s32 v6, v10;
	_ =	sdelay $0x1  }
0x190: {  	v1 =	vperm.xlane v1, v8;
	_ =	sdelay $0x1  }
0x191: {  	s25 =	simm.s32 $0x12000;
	v1 =	vadd.s32 v6, v1  }
0x192: {  	[hbm4b:s2+s3] =	stream.indirect_vreg.scatter [tilespmem:s25], [sflag:$0xC], $0x80, v10, vm0, $0xb8;
	[tilespmem:$0x1C700] =	vst v63  }
0x193: {  	s28 =	simm.s32 $0x12800  }
0x194: {  	[hbm4b:s4+s3] =	stream.indirect_vreg.scatter [tilespmem:s28], [sflag:$0xC], $0x80, v10, vm0, $0xb8;
	[tilespmem:$0x1C700] =	vst v63  }
0x195: {  	s30 =	simm.s32 $0x13000  }
0x196: {  	[hbm4b:s2+s3] =	stream.indirect_vreg.scatter [tilespmem:s30], [sflag:$0xC], $0x80, v1, vm0, $0xb8;
	[tilespmem:$0x1C700] =	vst v63  }
0x197: {  	s0 =	simm.s32 $0x13800  }
0x198: {  	[hbm4b:s4+s3] =	stream.indirect_vreg.scatter [tilespmem:s0], [sflag:$0xC], $0x80, v1, vm0, $0xb8;
	[tilespmem:$0x1C700] =	vst v63  }
0x199: {  	v1 =	vld [tilespmem:$0x1C580];
	_ =	sdelay $0x4  }
0x19a: {  	v10 =	vshll.u32 v1, $0x2  }
0x19b: {  	v1 =	vand.u32 $0x7, v1;
	v10 =	vand.u32 $0xFFFFFFE0, v10  }
0x19c: {  	v1 =	vor.u32 v1, v10  }
0x19d: {  	v10 =	vperm.xlane v1, v4;
	_ =	sdelay $0x1  }
0x19e: {  	v10 =	vadd.s32 v6, v10;
	_ =	sdelay $0x1  }
0x19f: {  	v1 =	vperm.xlane v1, v8;
	_ =	sdelay $0x1  }
0x1a0: {  	v1 =	vadd.s32 v6, v1  }
0x1a1: {  	[hbm4b:s2+s3] =	stream.indirect_vreg.scatter [tilespmem:s18], [sflag:$0xC], $0x80, v10, vm0, $0xb8;
	[tilespmem:$0x1C700] =	vst v63  }
0x1a2: {  	s20 =	simm.s32 $0x10800  }
0x1a3: {  	[hbm4b:s4+s3] =	stream.indirect_vreg.scatter [tilespmem:s20], [sflag:$0xC], $0x80, v10, vm0, $0xb8;
	[tilespmem:$0x1C700] =	vst v63  }
0x1a4: {  	s22 =	simm.s32 $0x11000  }
0x1a5: {  	[hbm4b:s2+s3] =	stream.indirect_vreg.scatter [tilespmem:s22], [sflag:$0xC], $0x80, v1, vm0, $0xb8;
	[tilespmem:$0x1C700] =	vst v63  }
0x1a6: {  	s24 =	simm.s32 $0x11800  }
0x1a7: {  	[hbm4b:s4+s3] =	stream.indirect_vreg.scatter [tilespmem:s24], [sflag:$0xC], $0x80, v1, vm0, $0xb8;
	[tilespmem:$0x1C700] =	vst v63  }
0x1a8: {  	v1 =	vld [tilespmem:$0x1C590];
	_ =	sdelay $0x4  }
0x1a9: {  	v10 =	vshll.u32 v1, $0x2  }
0x1aa: {  	v1 =	vand.u32 $0x7, v1;
	v10 =	vand.u32 $0xFFFFFFE0, v10  }
0x1ab: {  	v1 =	vor.u32 v1, v10  }
0x1ac: {  	v10 =	vperm.xlane v1, v4;
	_ =	sdelay $0x1  }
0x1ad: {  	v10 =	vadd.s32 v6, v10;
	_ =	sdelay $0x1  }
0x1ae: {  	v1 =	vperm.xlane v1, v8;
	_ =	sdelay $0x1  }
0x1af: {  	s26 =	simm.s32 $0x12000;
	v1 =	vadd.s32 v6, v1  }
0x1b0: {  	[hbm4b:s2+s3] =	stream.indirect_vreg.scatter [tilespmem:s26], [sflag:$0xC], $0x80, v10, vm0, $0xb8;
	[tilespmem:$0x1C700] =	vst v63  }
0x1b1: {  	s29 =	simm.s32 $0x12800  }
0x1b2: {  	[hbm4b:s4+s3] =	stream.indirect_vreg.scatter [tilespmem:s29], [sflag:$0xC], $0x80, v10, vm0, $0xb8;
	[tilespmem:$0x1C700] =	vst v63  }
0x1b3: {  	s31 =	simm.s32 $0x13000  }
0x1b4: {  	[hbm4b:s2+s3] =	stream.indirect_vreg.scatter [tilespmem:s31], [sflag:$0xC], $0x80, v1, vm0, $0xb8;
	[tilespmem:$0x1C700] =	vst v63  }
0x1b5: {  	s10 =	simm.s32 $0xB;
	s1 =	simm.s32 $0x13800  }
0x1b6: {  	[hbm4b:s4+s3] =	stream.indirect_vreg.scatter [tilespmem:s1], [sflag:$0xC], $0x80, v1, vm0, $0xb8;
	[tilespmem:$0x1C700] =	vst v63  }
0x1b7: {  	_ =	swait.ge [sflag:s10], $0x4000  }
0x1b8: {  	[sflag:s10] =	ssyncset.done $0x0  }
0x1b9: {  	[sflag:s10] =	ssyncadd.s32 $0xFFFFC000  }
0x1ba: {  	_ =	swait.ge [sflag:s10], $0x4000  }
0x1bb: {  	[sflag:s10] =	ssyncset.done $0x0  }
0x1bc: {  	[sflag:s10] =	ssyncadd.s32 $0xFFFFC000  }
0x1bd: {  	[tilespmem:$0x1C180] =	vst v41  }
0x1be: {  	[tilespmem:$0x1C500] =	vst v42  }
0x1bf: {  	[tilespmem:$0x1C190] =	vst v43  }
0x1c0: {  	s16 =	simm.s32 $0xC000;
	s14 =	rddreg [dreg:$0xd];
	[tilespmem:$0x1C510] =	vst v45  }
0x1c1: {  	[tilespmem:s16], [sflag:$0x4] =	stream.linear.gather [hbm4b:s14+s3], $0x4000, $0x38;
	[tilespmem:$0x1C700] =	vst v63  }
0x1c2: {  	s16 =	simm.s32 $0x6  }
0x1c3: {  	_ =	swait.ge [sflag:s16], $0x4000  }
0x1c4: {  	[sflag:s16] =	ssyncset.done $0x0  }
0x1c5: {  	[sflag:s16] =	ssyncadd.s32 $0xFFFFC000  }
0x1c6: {  	v1 =	vld [tilespmem:$0x1C280];
	_ =	sdelay $0x4  }
0x1c7: {  	v10 =	vshll.u32 v1, $0x2  }
0x1c8: {  	v1 =	vand.u32 $0x7, v1;
	v10 =	vand.u32 $0xFFFFFFE0, v10  }
0x1c9: {  	v1 =	vor.u32 v1, v10  }
0x1ca: {  	v10 =	vperm.xlane v1, v4;
	_ =	sdelay $0x1  }
0x1cb: {  	v10 =	vadd.s32 v6, v10;
	_ =	sdelay $0x1  }
0x1cc: {  	v1 =	vperm.xlane v1, v8;
	_ =	sdelay $0x1  }
0x1cd: {  	s18 =	simm.s32 $0x14000;
	v1 =	vadd.s32 v6, v1  }
0x1ce: {  	[hbm4b:s2+s3] =	stream.indirect_vreg.scatter [tilespmem:s18], [sflag:$0xD], $0x80, v10, vm0, $0xb8;
	[tilespmem:$0x1C700] =	vst v63  }
0x1cf: {  	s19 =	simm.s32 $0x14800  }
0x1d0: {  	[hbm4b:s4+s3] =	stream.indirect_vreg.scatter [tilespmem:s19], [sflag:$0xD], $0x80, v10, vm0, $0xb8;
	[tilespmem:$0x1C700] =	vst v63  }
0x1d1: {  	s21 =	simm.s32 $0x15000  }
0x1d2: {  	[hbm4b:s2+s3] =	stream.indirect_vreg.scatter [tilespmem:s21], [sflag:$0xD], $0x80, v1, vm0, $0xb8;
	[tilespmem:$0x1C700] =	vst v63  }
0x1d3: {  	s23 =	simm.s32 $0x15800  }
0x1d4: {  	[hbm4b:s4+s3] =	stream.indirect_vreg.scatter [tilespmem:s23], [sflag:$0xD], $0x80, v1, vm0, $0xb8;
	[tilespmem:$0x1C700] =	vst v63  }
0x1d5: {  	v1 =	vld [tilespmem:$0x1C290];
	_ =	sdelay $0x4  }
0x1d6: {  	v10 =	vshll.u32 v1, $0x2  }
0x1d7: {  	v1 =	vand.u32 $0x7, v1;
	v10 =	vand.u32 $0xFFFFFFE0, v10  }
0x1d8: {  	v1 =	vor.u32 v1, v10  }
0x1d9: {  	v10 =	vperm.xlane v1, v4;
	_ =	sdelay $0x1  }
0x1da: {  	v10 =	vadd.s32 v6, v10;
	_ =	sdelay $0x1  }
0x1db: {  	v1 =	vperm.xlane v1, v8;
	_ =	sdelay $0x1  }
0x1dc: {  	s25 =	simm.s32 $0x16000;
	v1 =	vadd.s32 v6, v1  }
0x1dd: {  	[hbm4b:s2+s3] =	stream.indirect_vreg.scatter [tilespmem:s25], [sflag:$0xD], $0x80, v10, vm0, $0xb8;
	[tilespmem:$0x1C700] =	vst v63  }
0x1de: {  	s28 =	simm.s32 $0x16800  }
0x1df: {  	[hbm4b:s4+s3] =	stream.indirect_vreg.scatter [tilespmem:s28], [sflag:$0xD], $0x80, v10, vm0, $0xb8;
	[tilespmem:$0x1C700] =	vst v63  }
0x1e0: {  	s30 =	simm.s32 $0x17000  }
0x1e1: {  	[hbm4b:s2+s3] =	stream.indirect_vreg.scatter [tilespmem:s30], [sflag:$0xD], $0x80, v1, vm0, $0xb8;
	[tilespmem:$0x1C700] =	vst v63  }
0x1e2: {  	s1 =	simm.s32 $0x17800  }
0x1e3: {  	[hbm4b:s4+s3] =	stream.indirect_vreg.scatter [tilespmem:s1], [sflag:$0xD], $0x80, v1, vm0, $0xb8;
	[tilespmem:$0x1C700] =	vst v63  }
0x1e4: {  	v1 =	vld [tilespmem:$0x1C600];
	_ =	sdelay $0x4  }
0x1e5: {  	v10 =	vshll.u32 v1, $0x2  }
0x1e6: {  	v1 =	vand.u32 $0x7, v1;
	v10 =	vand.u32 $0xFFFFFFE0, v10  }
0x1e7: {  	v1 =	vor.u32 v1, v10  }
0x1e8: {  	v10 =	vperm.xlane v1, v4;
	_ =	sdelay $0x1  }
0x1e9: {  	v10 =	vadd.s32 v6, v10;
	_ =	sdelay $0x1  }
0x1ea: {  	v1 =	vperm.xlane v1, v8;
	_ =	sdelay $0x1  }
0x1eb: {  	v1 =	vadd.s32 v6, v1  }
0x1ec: {  	[hbm4b:s2+s3] =	stream.indirect_vreg.scatter [tilespmem:s18], [sflag:$0xD], $0x80, v10, vm0, $0xb8;
	[tilespmem:$0x1C700] =	vst v63  }
0x1ed: {  	s20 =	simm.s32 $0x14800  }
0x1ee: {  	[hbm4b:s4+s3] =	stream.indirect_vreg.scatter [tilespmem:s20], [sflag:$0xD], $0x80, v10, vm0, $0xb8;
	[tilespmem:$0x1C700] =	vst v63  }
0x1ef: {  	s22 =	simm.s32 $0x15000  }
0x1f0: {  	[hbm4b:s2+s3] =	stream.indirect_vreg.scatter [tilespmem:s22], [sflag:$0xD], $0x80, v1, vm0, $0xb8;
	[tilespmem:$0x1C700] =	vst v63  }
0x1f1: {  	s24 =	simm.s32 $0x15800  }
0x1f2: {  	[hbm4b:s4+s3] =	stream.indirect_vreg.scatter [tilespmem:s24], [sflag:$0xD], $0x80, v1, vm0, $0xb8;
	[tilespmem:$0x1C700] =	vst v63  }
0x1f3: {  	v1 =	vld [tilespmem:$0x1C610];
	_ =	sdelay $0x4  }
0x1f4: {  	v10 =	vshll.u32 v1, $0x2  }
0x1f5: {  	v1 =	vand.u32 $0x7, v1;
	v10 =	vand.u32 $0xFFFFFFE0, v10  }
0x1f6: {  	v1 =	vor.u32 v1, v10  }
0x1f7: {  	v10 =	vperm.xlane v1, v4;
	_ =	sdelay $0x1  }
0x1f8: {  	v10 =	vadd.s32 v6, v10;
	_ =	sdelay $0x1  }
0x1f9: {  	v1 =	vperm.xlane v1, v8;
	_ =	sdelay $0x1  }
0x1fa: {  	s26 =	simm.s32 $0x16000;
	v1 =	vadd.s32 v6, v1  }
0x1fb: {  	[hbm4b:s2+s3] =	stream.indirect_vreg.scatter [tilespmem:s26], [sflag:$0xD], $0x80, v10, vm0, $0xb8;
	[tilespmem:$0x1C700] =	vst v63  }
0x1fc: {  	s29 =	simm.s32 $0x16800  }
0x1fd: {  	[hbm4b:s4+s3] =	stream.indirect_vreg.scatter [tilespmem:s29], [sflag:$0xD], $0x80, v10, vm0, $0xb8;
	[tilespmem:$0x1C700] =	vst v63  }
0x1fe: {  	s31 =	simm.s32 $0x17000  }
0x1ff: {  	[hbm4b:s2+s3] =	stream.indirect_vreg.scatter [tilespmem:s31], [sflag:$0xD], $0x80, v1, vm0, $0xb8;
	[tilespmem:$0x1C700] =	vst v63  }
0x200: {  	s6 =	simm.s32 $0x17800;
	s13 =	simm.s32 $0xC  }
0x201: {  	[hbm4b:s4+s3] =	stream.indirect_vreg.scatter [tilespmem:s6], [sflag:$0xD], $0x80, v1, vm0, $0xb8;
	[tilespmem:$0x1C700] =	vst v63  }
0x202: {  	_ =	swait.ge [sflag:s13], $0x4000  }
0x203: {  	[sflag:s13] =	ssyncset.done $0x0  }
0x204: {  	[sflag:s13] =	ssyncadd.s32 $0xFFFFC000  }
0x205: {  	_ =	swait.ge [sflag:s13], $0x4000  }
0x206: {  	[sflag:s13] =	ssyncset.done $0x0  }
0x207: {  	[sflag:s13] =	ssyncadd.s32 $0xFFFFC000  }
0x208: {  	[tilespmem:$0x1C200] =	vst v44  }
0x209: {  	[tilespmem:$0x1C580] =	vst v46  }
0x20a: {  	[tilespmem:$0x1C210] =	vst v47  }
0x20b: {  	s11 =	simm.s32 $0x7;
	s0 =	simm.s32 $0x10000;
	s19 =	rddreg [dreg:$0xe];
	[tilespmem:$0x1C590] =	vst v48  }
0x20c: {  	[tilespmem:s0], [sflag:$0x5] =	stream.linear.gather [hbm4b:s19+s3], $0x4000, $0x38;
	[tilespmem:$0x1C700] =	vst v63  }
0x20d: {  	_ =	swait.ge [sflag:s11], $0x4000  }
0x20e: {  	[sflag:s11] =	ssyncset.done $0x0  }
0x20f: {  	[sflag:s11] =	ssyncadd.s32 $0xFFFFC000  }
0x210: {  	v1 =	vld [tilespmem:$0x1C300];
	_ =	sdelay $0x4  }
0x211: {  	v10 =	vshll.u32 v1, $0x2  }
0x212: {  	v1 =	vand.u32 $0x7, v1;
	v10 =	vand.u32 $0xFFFFFFE0, v10  }
0x213: {  	v1 =	vor.u32 v1, v10  }
0x214: {  	v10 =	vperm.xlane v1, v4;
	_ =	sdelay $0x1  }
0x215: {  	v10 =	vadd.s32 v6, v10;
	_ =	sdelay $0x1  }
0x216: {  	v1 =	vperm.xlane v1, v8;
	_ =	sdelay $0x1  }
0x217: {  	s20 =	simm.s32 $0x18000;
	v1 =	vadd.s32 v6, v1  }
0x218: {  	[hbm4b:s2+s3] =	stream.indirect_vreg.scatter [tilespmem:s20], [sflag:$0xE], $0x80, v10, vm0, $0xb8;
	[tilespmem:$0x1C700] =	vst v63  }
0x219: {  	s21 =	simm.s32 $0x18800  }
0x21a: {  	[hbm4b:s4+s3] =	stream.indirect_vreg.scatter [tilespmem:s21], [sflag:$0xE], $0x80, v10, vm0, $0xb8;
	[tilespmem:$0x1C700] =	vst v63  }
0x21b: {  	s23 =	simm.s32 $0x19000  }
0x21c: {  	[hbm4b:s2+s3] =	stream.indirect_vreg.scatter [tilespmem:s23], [sflag:$0xE], $0x80, v1, vm0, $0xb8;
	[tilespmem:$0x1C700] =	vst v63  }
0x21d: {  	s25 =	simm.s32 $0x19800  }
0x21e: {  	[hbm4b:s4+s3] =	stream.indirect_vreg.scatter [tilespmem:s25], [sflag:$0xE], $0x80, v1, vm0, $0xb8;
	[tilespmem:$0x1C700] =	vst v63  }
0x21f: {  	v1 =	vld [tilespmem:$0x1C310];
	_ =	sdelay $0x4  }
0x220: {  	v10 =	vshll.u32 v1, $0x2  }
0x221: {  	v1 =	vand.u32 $0x7, v1;
	v10 =	vand.u32 $0xFFFFFFE0, v10  }
0x222: {  	v1 =	vor.u32 v1, v10  }
0x223: {  	v10 =	vperm.xlane v1, v4;
	_ =	sdelay $0x1  }
0x224: {  	v10 =	vadd.s32 v6, v10;
	_ =	sdelay $0x1  }
0x225: {  	v1 =	vperm.xlane v1, v8;
	_ =	sdelay $0x1  }
0x226: {  	s12 =	simm.s32 $0x1A000;
	v1 =	vadd.s32 v6, v1  }
0x227: {  	[hbm4b:s2+s3] =	stream.indirect_vreg.scatter [tilespmem:s12], [sflag:$0xE], $0x80, v10, vm0, $0xb8;
	[tilespmem:$0x1C700] =	vst v63  }
0x228: {  	s16 =	simm.s32 $0x1A800  }
0x229: {  	[hbm4b:s4+s3] =	stream.indirect_vreg.scatter [tilespmem:s16], [sflag:$0xE], $0x80, v10, vm0, $0xb8;
	[tilespmem:$0x1C700] =	vst v63  }
0x22a: {  	s28 =	simm.s32 $0x1B000  }
0x22b: {  	[hbm4b:s2+s3] =	stream.indirect_vreg.scatter [tilespmem:s28], [sflag:$0xE], $0x80, v1, vm0, $0xb8;
	[tilespmem:$0x1C700] =	vst v63  }
0x22c: {  	s30 =	simm.s32 $0x1B800  }
0x22d: {  	[hbm4b:s4+s3] =	stream.indirect_vreg.scatter [tilespmem:s30], [sflag:$0xE], $0x80, v1, vm0, $0xb8;
	[tilespmem:$0x1C700] =	vst v63  }
0x22e: {  	v1 =	vld [tilespmem:$0x1C680];
	_ =	sdelay $0x4  }
0x22f: {  	v10 =	vshll.u32 v1, $0x2  }
0x230: {  	v1 =	vand.u32 $0x7, v1;
	v10 =	vand.u32 $0xFFFFFFE0, v10  }
0x231: {  	v1 =	vor.u32 v1, v10  }
0x232: {  	v10 =	vperm.xlane v1, v4;
	_ =	sdelay $0x1  }
0x233: {  	v10 =	vadd.s32 v6, v10;
	_ =	sdelay $0x1  }
0x234: {  	v1 =	vperm.xlane v1, v8;
	_ =	sdelay $0x1  }
0x235: {  	v1 =	vadd.s32 v6, v1  }
0x236: {  	[hbm4b:s2+s3] =	stream.indirect_vreg.scatter [tilespmem:s20], [sflag:$0xE], $0x80, v10, vm0, $0xb8;
	[tilespmem:$0x1C700] =	vst v63  }
0x237: {  	s22 =	simm.s32 $0x18800  }
0x238: {  	[hbm4b:s4+s3] =	stream.indirect_vreg.scatter [tilespmem:s22], [sflag:$0xE], $0x80, v10, vm0, $0xb8;
	[tilespmem:$0x1C700] =	vst v63  }
0x239: {  	s24 =	simm.s32 $0x19000  }
0x23a: {  	[hbm4b:s2+s3] =	stream.indirect_vreg.scatter [tilespmem:s24], [sflag:$0xE], $0x80, v1, vm0, $0xb8;
	[tilespmem:$0x1C700] =	vst v63  }
0x23b: {  	s26 =	simm.s32 $0x19800  }
0x23c: {  	[hbm4b:s4+s3] =	stream.indirect_vreg.scatter [tilespmem:s26], [sflag:$0xE], $0x80, v1, vm0, $0xb8;
	[tilespmem:$0x1C700] =	vst v63  }
0x23d: {  	v1 =	vld [tilespmem:$0x1C690];
	_ =	sdelay $0x4  }
0x23e: {  	v10 =	vshll.u32 v1, $0x2  }
0x23f: {  	v1 =	vand.u32 $0x7, v1;
	v10 =	vand.u32 $0xFFFFFFE0, v10  }
0x240: {  	v1 =	vor.u32 v1, v10  }
0x241: {  	v10 =	vperm.xlane v1, v4;
	_ =	sdelay $0x1  }
0x242: {  	v10 =	vadd.s32 v6, v10;
	_ =	sdelay $0x1  }
0x243: {  	v1 =	vperm.xlane v1, v8;
	_ =	sdelay $0x1  }
0x244: {  	v1 =	vadd.s32 v6, v1  }
0x245: {  	[hbm4b:s2+s3] =	stream.indirect_vreg.scatter [tilespmem:s12], [sflag:$0xE], $0x80, v10, vm0, $0xb8;
	[tilespmem:$0x1C700] =	vst v63  }
0x246: {  	_ = 	snop  }
0x247: {  	[hbm4b:s4+s3] =	stream.indirect_vreg.scatter [tilespmem:s16], [sflag:$0xE], $0x80, v10, vm0, $0xb8;
	[tilespmem:$0x1C700] =	vst v63  }
0x248: {  	s29 =	simm.s32 $0x1B000  }
0x249: {  	[hbm4b:s2+s3] =	stream.indirect_vreg.scatter [tilespmem:s29], [sflag:$0xE], $0x80, v1, vm0, $0xb8;
	[tilespmem:$0x1C700] =	vst v63  }
0x24a: {  	s14 =	simm.s32 $0xD;
	s31 =	simm.s32 $0x1B800  }
0x24b: {  	[hbm4b:s4+s3] =	stream.indirect_vreg.scatter [tilespmem:s31], [sflag:$0xE], $0x80, v1, vm0, $0xb8;
	[tilespmem:$0x1C700] =	vst v63  }
0x24c: {  	_ =	swait.ge [sflag:s14], $0x4000  }
0x24d: {  	[sflag:s14] =	ssyncset.done $0x0  }
0x24e: {  	[sflag:s14] =	ssyncadd.s32 $0xFFFFC000  }
0x24f: {  	_ =	swait.ge [sflag:s14], $0x4000  }
0x250: {  	[sflag:s14] =	ssyncset.done $0x0  }
0x251: {  	[sflag:s14] =	ssyncadd.s32 $0xFFFFC000  }
0x252: {  	[tilespmem:$0x1C280] =	vst v49  }
0x253: {  	[tilespmem:$0x1C600] =	vst v51  }
0x254: {  	[tilespmem:$0x1C290] =	vst v50  }
0x255: {  	s15 =	simm.s32 $0x1;
	s18 =	simm.s32 $0x14000;
	s9 =	rddreg [dreg:$0xf];
	[tilespmem:$0x1C610] =	vst v52  }
0x256: {  	[tilespmem:s18], [sflag:$0x6] =	stream.linear.gather [hbm4b:s9+s3], $0x4000, $0x38;
	[tilespmem:$0x1C700] =	vst v63  }
0x257: {  	_ =	swait.ge [sflag:s15], $0x4000  }
0x258: {  	[sflag:s15] =	ssyncset.done $0x0  }
0x259: {  	[sflag:s15] =	ssyncadd.s32 $0xFFFFC000  }
0x25a: {  	v1 =	vld [tilespmem:$0x1C000];
	_ =	sdelay $0x4  }
0x25b: {  	v10 =	vshll.u32 v1, $0x2  }
0x25c: {  	v1 =	vand.u32 $0x7, v1;
	v10 =	vand.u32 $0xFFFFFFE0, v10  }
0x25d: {  	v1 =	vor.u32 v1, v10  }
0x25e: {  	v10 =	vperm.xlane v1, v4;
	_ =	sdelay $0x1  }
0x25f: {  	v10 =	vadd.s32 v6, v10;
	_ =	sdelay $0x1  }
0x260: {  	v1 =	vperm.xlane v1, v8;
	_ =	sdelay $0x1  }
0x261: {  	v1 =	vadd.s32 v6, v1  }
0x262: {  	[hbm4b:s2+s3] =	stream.indirect_vreg.scatter [tilespmem:s3], [sflag:$0x8], $0x80, v10, vm0, $0xb8;
	[tilespmem:$0x1C700] =	vst v63  }
0x263: {  	s18 =	simm.s32 $0x800  }
0x264: {  	[hbm4b:s4+s3] =	stream.indirect_vreg.scatter [tilespmem:s18], [sflag:$0x8], $0x80, v10, vm0, $0xb8;
	[tilespmem:$0x1C700] =	vst v63  }
0x265: {  	s23 =	simm.s32 $0x1000  }
0x266: {  	[hbm4b:s2+s3] =	stream.indirect_vreg.scatter [tilespmem:s23], [sflag:$0x8], $0x80, v1, vm0, $0xb8;
	[tilespmem:$0x1C700] =	vst v63  }
0x267: {  	s21 =	simm.s32 $0x1800  }
0x268: {  	[hbm4b:s4+s3] =	stream.indirect_vreg.scatter [tilespmem:s21], [sflag:$0x8], $0x80, v1, vm0, $0xb8;
	[tilespmem:$0x1C700] =	vst v63  }
0x269: {  	v1 =	vld [tilespmem:$0x1C010];
	_ =	sdelay $0x4  }
0x26a: {  	v10 =	vshll.u32 v1, $0x2  }
0x26b: {  	v1 =	vand.u32 $0x7, v1;
	v10 =	vand.u32 $0xFFFFFFE0, v10  }
0x26c: {  	v1 =	vor.u32 v1, v10  }
0x26d: {  	v10 =	vperm.xlane v1, v4;
	_ =	sdelay $0x1  }
0x26e: {  	v10 =	vadd.s32 v6, v10;
	_ =	sdelay $0x1  }
0x26f: {  	v1 =	vperm.xlane v1, v8;
	_ =	sdelay $0x1  }
0x270: {  	s26 =	simm.s32 $0x2000;
	v1 =	vadd.s32 v6, v1  }
0x271: {  	[hbm4b:s2+s3] =	stream.indirect_vreg.scatter [tilespmem:s26], [sflag:$0x8], $0x80, v10, vm0, $0xb8;
	[tilespmem:$0x1C700] =	vst v63  }
0x272: {  	s28 =	simm.s32 $0x2800  }
0x273: {  	[hbm4b:s4+s3] =	stream.indirect_vreg.scatter [tilespmem:s28], [sflag:$0x8], $0x80, v10, vm0, $0xb8;
	[tilespmem:$0x1C700] =	vst v63  }
0x274: {  	s30 =	simm.s32 $0x3000  }
0x275: {  	[hbm4b:s2+s3] =	stream.indirect_vreg.scatter [tilespmem:s30], [sflag:$0x8], $0x80, v1, vm0, $0xb8;
	[tilespmem:$0x1C700] =	vst v63  }
0x276: {  	s19 =	simm.s32 $0x3800  }
0x277: {  	[hbm4b:s4+s3] =	stream.indirect_vreg.scatter [tilespmem:s19], [sflag:$0x8], $0x80, v1, vm0, $0xb8;
	[tilespmem:$0x1C700] =	vst v63  }
0x278: {  	v1 =	vld [tilespmem:$0x1C380];
	_ =	sdelay $0x4  }
0x279: {  	v10 =	vshll.u32 v1, $0x2  }
0x27a: {  	v1 =	vand.u32 $0x7, v1;
	v10 =	vand.u32 $0xFFFFFFE0, v10  }
0x27b: {  	v1 =	vor.u32 v1, v10  }
0x27c: {  	v10 =	vperm.xlane v1, v4;
	_ =	sdelay $0x1  }
0x27d: {  	v10 =	vadd.s32 v6, v10;
	_ =	sdelay $0x1  }
0x27e: {  	v1 =	vperm.xlane v1, v8;
	_ =	sdelay $0x1  }
0x27f: {  	v1 =	vadd.s32 v6, v1  }
0x280: {  	[hbm4b:s2+s3] =	stream.indirect_vreg.scatter [tilespmem:s3], [sflag:$0x8], $0x80, v10, vm0, $0xb8;
	[tilespmem:$0x1C700] =	vst v63  }
0x281: {  	_ = 	snop  }
0x282: {  	[hbm4b:s4+s3] =	stream.indirect_vreg.scatter [tilespmem:s18], [sflag:$0x8], $0x80, v10, vm0, $0xb8;
	[tilespmem:$0x1C700] =	vst v63  }
0x283: {  	_ = 	snop  }
0x284: {  	[hbm4b:s2+s3] =	stream.indirect_vreg.scatter [tilespmem:s23], [sflag:$0x8], $0x80, v1, vm0, $0xb8;
	[tilespmem:$0x1C700] =	vst v63  }
0x285: {  	_ = 	snop  }
0x286: {  	[hbm4b:s4+s3] =	stream.indirect_vreg.scatter [tilespmem:s21], [sflag:$0x8], $0x80, v1, vm0, $0xb8;
	[tilespmem:$0x1C700] =	vst v63  }
0x287: {  	v1 =	vld [tilespmem:$0x1C390];
	_ =	sdelay $0x4  }
0x288: {  	v10 =	vshll.u32 v1, $0x2  }
0x289: {  	v1 =	vand.u32 $0x7, v1;
	v10 =	vand.u32 $0xFFFFFFE0, v10  }
0x28a: {  	v1 =	vor.u32 v1, v10  }
0x28b: {  	v10 =	vperm.xlane v1, v4;
	_ =	sdelay $0x1  }
0x28c: {  	v10 =	vadd.s32 v6, v10;
	_ =	sdelay $0x1  }
0x28d: {  	v1 =	vperm.xlane v1, v8;
	_ =	sdelay $0x1  }
0x28e: {  	v1 =	vadd.s32 v6, v1  }
0x28f: {  	[hbm4b:s2+s3] =	stream.indirect_vreg.scatter [tilespmem:s26], [sflag:$0x8], $0x80, v10, vm0, $0xb8;
	[tilespmem:$0x1C700] =	vst v63  }
0x290: {  	_ = 	snop  }
0x291: {  	[hbm4b:s4+s3] =	stream.indirect_vreg.scatter [tilespmem:s28], [sflag:$0x8], $0x80, v10, vm0, $0xb8;
	[tilespmem:$0x1C700] =	vst v63  }
0x292: {  	_ = 	snop  }
0x293: {  	[hbm4b:s2+s3] =	stream.indirect_vreg.scatter [tilespmem:s30], [sflag:$0x8], $0x80, v1, vm0, $0xb8;
	[tilespmem:$0x1C700] =	vst v63  }
0x294: {  	s5 =	simm.s32 $0xE  }
0x295: {  	[hbm4b:s4+s3] =	stream.indirect_vreg.scatter [tilespmem:s19], [sflag:$0x8], $0x80, v1, vm0, $0xb8;
	[tilespmem:$0x1C700] =	vst v63  }
0x296: {  	_ =	swait.ge [sflag:s5], $0x4000  }
0x297: {  	[sflag:s5] =	ssyncset.done $0x0  }
0x298: {  	[sflag:s5] =	ssyncadd.s32 $0xFFFFC000  }
0x299: {  	_ =	swait.ge [sflag:s5], $0x4000  }
0x29a: {  	[sflag:s5] =	ssyncset.done $0x0  }
0x29b: {  	[sflag:s5] =	ssyncadd.s32 $0xFFFFC000  }
0x29c: {  	[tilespmem:$0x1C300] =	vst v53  }
0x29d: {  	[tilespmem:$0x1C680] =	vst v54  }
0x29e: {  	[tilespmem:$0x1C310] =	vst v55  }
0x29f: {  	s20 =	simm.s32 $0x18000;
	s22 =	simm.s32 $0x2;
	s21 =	rddreg [dreg:$0x10];
	[tilespmem:$0x1C690] =	vst v57  }
0x2a0: {  	[tilespmem:s20], [sflag:$0x7] =	stream.linear.gather [hbm4b:s21+s3], $0x4000, $0x38;
	[tilespmem:$0x1C700] =	vst v63  }
0x2a1: {  	_ =	swait.ge [sflag:s22], $0x4000  }
0x2a2: {  	[sflag:s22] =	ssyncset.done $0x0  }
0x2a3: {  	[sflag:s22] =	ssyncadd.s32 $0xFFFFC000  }
0x2a4: {  	v1 =	vld [tilespmem:$0x1C080];
	_ =	sdelay $0x4  }
0x2a5: {  	v10 =	vshll.u32 v1, $0x2  }
0x2a6: {  	v1 =	vand.u32 $0x7, v1;
	v10 =	vand.u32 $0xFFFFFFE0, v10  }
0x2a7: {  	v1 =	vor.u32 v1, v10  }
0x2a8: {  	v10 =	vperm.xlane v1, v4;
	_ =	sdelay $0x1  }
0x2a9: {  	v10 =	vadd.s32 v6, v10;
	_ =	sdelay $0x1  }
0x2aa: {  	v1 =	vperm.xlane v1, v8;
	_ =	sdelay $0x1  }
0x2ab: {  	s23 =	simm.s32 $0x4000;
	v1 =	vadd.s32 v6, v1  }
0x2ac: {  	[hbm4b:s2+s3] =	stream.indirect_vreg.scatter [tilespmem:s23], [sflag:$0x9], $0x80, v10, vm0, $0xb8;
	[tilespmem:$0x1C700] =	vst v63  }
0x2ad: {  	s25 =	simm.s32 $0x4800  }
0x2ae: {  	[hbm4b:s4+s3] =	stream.indirect_vreg.scatter [tilespmem:s25], [sflag:$0x9], $0x80, v10, vm0, $0xb8;
	[tilespmem:$0x1C700] =	vst v63  }
0x2af: {  	s31 =	simm.s32 $0x5000  }
0x2b0: {  	[hbm4b:s2+s3] =	stream.indirect_vreg.scatter [tilespmem:s31], [sflag:$0x9], $0x80, v1, vm0, $0xb8;
	[tilespmem:$0x1C700] =	vst v63  }
0x2b1: {  	s0 =	simm.s32 $0x5800  }
0x2b2: {  	[hbm4b:s4+s3] =	stream.indirect_vreg.scatter [tilespmem:s0], [sflag:$0x9], $0x80, v1, vm0, $0xb8;
	[tilespmem:$0x1C700] =	vst v63  }
0x2b3: {  	v1 =	vld [tilespmem:$0x1C090];
	_ =	sdelay $0x4  }
0x2b4: {  	v10 =	vshll.u32 v1, $0x2  }
0x2b5: {  	v1 =	vand.u32 $0x7, v1;
	v10 =	vand.u32 $0xFFFFFFE0, v10  }
0x2b6: {  	v1 =	vor.u32 v1, v10  }
0x2b7: {  	v10 =	vperm.xlane v1, v4;
	_ =	sdelay $0x1  }
0x2b8: {  	v10 =	vadd.s32 v6, v10;
	_ =	sdelay $0x1  }
0x2b9: {  	v1 =	vperm.xlane v1, v8;
	_ =	sdelay $0x1  }
0x2ba: {  	s1 =	simm.s32 $0x6000;
	v1 =	vadd.s32 v6, v1  }
0x2bb: {  	[hbm4b:s2+s3] =	stream.indirect_vreg.scatter [tilespmem:s1], [sflag:$0x9], $0x80, v10, vm0, $0xb8;
	[tilespmem:$0x1C700] =	vst v63  }
0x2bc: {  	s9 =	simm.s32 $0x6800  }
0x2bd: {  	[hbm4b:s4+s3] =	stream.indirect_vreg.scatter [tilespmem:s9], [sflag:$0x9], $0x80, v10, vm0, $0xb8;
	[tilespmem:$0x1C700] =	vst v63  }
0x2be: {  	s29 =	simm.s32 $0x7000  }
0x2bf: {  	[hbm4b:s2+s3] =	stream.indirect_vreg.scatter [tilespmem:s29], [sflag:$0x9], $0x80, v1, vm0, $0xb8;
	[tilespmem:$0x1C700] =	vst v63  }
0x2c0: {  	s24 =	simm.s32 $0x7800  }
0x2c1: {  	[hbm4b:s4+s3] =	stream.indirect_vreg.scatter [tilespmem:s24], [sflag:$0x9], $0x80, v1, vm0, $0xb8;
	[tilespmem:$0x1C700] =	vst v63  }
0x2c2: {  	v1 =	vld [tilespmem:$0x1C400];
	_ =	sdelay $0x4  }
0x2c3: {  	v10 =	vshll.u32 v1, $0x2  }
0x2c4: {  	v1 =	vand.u32 $0x7, v1;
	v10 =	vand.u32 $0xFFFFFFE0, v10  }
0x2c5: {  	v1 =	vor.u32 v1, v10  }
0x2c6: {  	v10 =	vperm.xlane v1, v4;
	_ =	sdelay $0x1  }
0x2c7: {  	v10 =	vadd.s32 v6, v10;
	_ =	sdelay $0x1  }
0x2c8: {  	v1 =	vperm.xlane v1, v8;
	_ =	sdelay $0x1  }
0x2c9: {  	v1 =	vadd.s32 v6, v1  }
0x2ca: {  	[hbm4b:s2+s3] =	stream.indirect_vreg.scatter [tilespmem:s23], [sflag:$0x9], $0x80, v10, vm0, $0xb8;
	[tilespmem:$0x1C700] =	vst v63  }
0x2cb: {  	_ = 	snop  }
0x2cc: {  	[hbm4b:s4+s3] =	stream.indirect_vreg.scatter [tilespmem:s25], [sflag:$0x9], $0x80, v10, vm0, $0xb8;
	[tilespmem:$0x1C700] =	vst v63  }
0x2cd: {  	_ = 	snop  }
0x2ce: {  	[hbm4b:s2+s3] =	stream.indirect_vreg.scatter [tilespmem:s31], [sflag:$0x9], $0x80, v1, vm0, $0xb8;
	[tilespmem:$0x1C700] =	vst v63  }
0x2cf: {  	_ = 	snop  }
0x2d0: {  	[hbm4b:s4+s3] =	stream.indirect_vreg.scatter [tilespmem:s0], [sflag:$0x9], $0x80, v1, vm0, $0xb8;
	[tilespmem:$0x1C700] =	vst v63  }
0x2d1: {  	v1 =	vld [tilespmem:$0x1C410];
	_ =	sdelay $0x4  }
0x2d2: {  	v10 =	vshll.u32 v1, $0x2  }
0x2d3: {  	v1 =	vand.u32 $0x7, v1;
	v10 =	vand.u32 $0xFFFFFFE0, v10  }
0x2d4: {  	v1 =	vor.u32 v1, v10  }
0x2d5: {  	v10 =	vperm.xlane v1, v4;
	_ =	sdelay $0x1  }
0x2d6: {  	v10 =	vadd.s32 v6, v10;
	_ =	sdelay $0x1  }
0x2d7: {  	v1 =	vperm.xlane v1, v8;
	_ =	sdelay $0x1  }
0x2d8: {  	v1 =	vadd.s32 v6, v1  }
0x2d9: {  	[hbm4b:s2+s3] =	stream.indirect_vreg.scatter [tilespmem:s1], [sflag:$0x9], $0x80, v10, vm0, $0xb8;
	[tilespmem:$0x1C700] =	vst v63  }
0x2da: {  	_ = 	snop  }
0x2db: {  	[hbm4b:s4+s3] =	stream.indirect_vreg.scatter [tilespmem:s9], [sflag:$0x9], $0x80, v10, vm0, $0xb8;
	[tilespmem:$0x1C700] =	vst v63  }
0x2dc: {  	_ = 	snop  }
0x2dd: {  	[hbm4b:s2+s3] =	stream.indirect_vreg.scatter [tilespmem:s29], [sflag:$0x9], $0x80, v1, vm0, $0xb8;
	[tilespmem:$0x1C700] =	vst v63  }
0x2de: {  	s22 =	simm.s32 $0x8  }
0x2df: {  	[hbm4b:s4+s3] =	stream.indirect_vreg.scatter [tilespmem:s24], [sflag:$0x9], $0x80, v1, vm0, $0xb8;
	[tilespmem:$0x1C700] =	vst v63  }
0x2e0: {  	_ =	swait.ge [sflag:s22], $0x4000  }
0x2e1: {  	[sflag:s22] =	ssyncset.done $0x0  }
0x2e2: {  	[sflag:s22] =	ssyncadd.s32 $0xFFFFC000  }
0x2e3: {  	_ =	swait.ge [sflag:s22], $0x4000  }
0x2e4: {  	[sflag:s22] =	ssyncset.done $0x0  }
0x2e5: {  	[sflag:s22] =	ssyncadd.s32 $0xFFFFC000  }
0x2e6: {  	[tilespmem:$0x1C000] =	vst v56  }
0x2e7: {  	[tilespmem:$0x1C380] =	vst v58  }
0x2e8: {  	[tilespmem:$0x1C010] =	vst v59  }
0x2e9: {  	s24 =	rddreg [dreg:$0x11];
	[tilespmem:$0x1C390] =	vst v60  }
0x2ea: {  	[tilespmem:s3], [sflag:$0x1] =	stream.linear.gather [hbm4b:s24+s3], $0x4000, $0x38;
	[tilespmem:$0x1C700] =	vst v63  }
0x2eb: {  	_ =	swait.ge [sflag:s7], $0x4000  }
0x2ec: {  	[sflag:s7] =	ssyncset.done $0x0  }
0x2ed: {  	[sflag:s7] =	ssyncadd.s32 $0xFFFFC000  }
0x2ee: {  	v1 =	vld [tilespmem:$0x1C100];
	_ =	sdelay $0x4  }
0x2ef: {  	v10 =	vshll.u32 v1, $0x2  }
0x2f0: {  	v1 =	vand.u32 $0x7, v1;
	v10 =	vand.u32 $0xFFFFFFE0, v10  }
0x2f1: {  	v1 =	vor.u32 v1, v10  }
0x2f2: {  	v10 =	vperm.xlane v1, v4;
	_ =	sdelay $0x1  }
0x2f3: {  	v10 =	vadd.s32 v6, v10;
	_ =	sdelay $0x1  }
0x2f4: {  	v1 =	vperm.xlane v1, v8;
	_ =	sdelay $0x1  }
0x2f5: {  	s7 =	simm.s32 $0x8000;
	v1 =	vadd.s32 v6, v1  }
0x2f6: {  	[hbm4b:s2+s3] =	stream.indirect_vreg.scatter [tilespmem:s7], [sflag:$0xA], $0x80, v10, vm0, $0xb8;
	[tilespmem:$0x1C700] =	vst v63  }
0x2f7: {  	s15 =	simm.s32 $0x8800  }
0x2f8: {  	[hbm4b:s4+s3] =	stream.indirect_vreg.scatter [tilespmem:s15], [sflag:$0xA], $0x80, v10, vm0, $0xb8;
	[tilespmem:$0x1C700] =	vst v63  }
0x2f9: {  	s24 =	simm.s32 $0x9000  }
0x2fa: {  	[hbm4b:s2+s3] =	stream.indirect_vreg.scatter [tilespmem:s24], [sflag:$0xA], $0x80, v1, vm0, $0xb8;
	[tilespmem:$0x1C700] =	vst v63  }
0x2fb: {  	s0 =	simm.s32 $0x9800  }
0x2fc: {  	[hbm4b:s4+s3] =	stream.indirect_vreg.scatter [tilespmem:s0], [sflag:$0xA], $0x80, v1, vm0, $0xb8;
	[tilespmem:$0x1C700] =	vst v63  }
0x2fd: {  	v1 =	vld [tilespmem:$0x1C110];
	_ =	sdelay $0x4  }
0x2fe: {  	v10 =	vshll.u32 v1, $0x2  }
0x2ff: {  	v1 =	vand.u32 $0x7, v1;
	v10 =	vand.u32 $0xFFFFFFE0, v10  }
0x300: {  	v1 =	vor.u32 v1, v10  }
0x301: {  	v10 =	vperm.xlane v1, v4;
	_ =	sdelay $0x1  }
0x302: {  	v10 =	vadd.s32 v6, v10;
	_ =	sdelay $0x1  }
0x303: {  	v1 =	vperm.xlane v1, v8;
	_ =	sdelay $0x1  }
0x304: {  	s31 =	simm.s32 $0xA000;
	v1 =	vadd.s32 v6, v1  }
0x305: {  	[hbm4b:s2+s3] =	stream.indirect_vreg.scatter [tilespmem:s31], [sflag:$0xA], $0x80, v10, vm0, $0xb8;
	[tilespmem:$0x1C700] =	vst v63  }
0x306: {  	s25 =	simm.s32 $0xA800  }
0x307: {  	[hbm4b:s4+s3] =	stream.indirect_vreg.scatter [tilespmem:s25], [sflag:$0xA], $0x80, v10, vm0, $0xb8;
	[tilespmem:$0x1C700] =	vst v63  }
0x308: {  	s22 =	simm.s32 $0xB000  }
0x309: {  	[hbm4b:s2+s3] =	stream.indirect_vreg.scatter [tilespmem:s22], [sflag:$0xA], $0x80, v1, vm0, $0xb8;
	[tilespmem:$0x1C700] =	vst v63  }
0x30a: {  	s1 =	simm.s32 $0xB800  }
0x30b: {  	[hbm4b:s4+s3] =	stream.indirect_vreg.scatter [tilespmem:s1], [sflag:$0xA], $0x80, v1, vm0, $0xb8;
	[tilespmem:$0x1C700] =	vst v63  }
0x30c: {  	v1 =	vld [tilespmem:$0x1C480];
	_ =	sdelay $0x4  }
0x30d: {  	v10 =	vshll.u32 v1, $0x2  }
0x30e: {  	v1 =	vand.u32 $0x7, v1;
	v10 =	vand.u32 $0xFFFFFFE0, v10  }
0x30f: {  	v1 =	vor.u32 v1, v10  }
0x310: {  	v10 =	vperm.xlane v1, v4;
	_ =	sdelay $0x1  }
0x311: {  	v10 =	vadd.s32 v6, v10;
	_ =	sdelay $0x1  }
0x312: {  	v1 =	vperm.xlane v1, v8;
	_ =	sdelay $0x1  }
0x313: {  	v1 =	vadd.s32 v6, v1  }
0x314: {  	[hbm4b:s2+s3] =	stream.indirect_vreg.scatter [tilespmem:s7], [sflag:$0xA], $0x80, v10, vm0, $0xb8;
	[tilespmem:$0x1C700] =	vst v63  }
0x315: {  	_ = 	snop  }
0x316: {  	[hbm4b:s4+s3] =	stream.indirect_vreg.scatter [tilespmem:s15], [sflag:$0xA], $0x80, v10, vm0, $0xb8;
	[tilespmem:$0x1C700] =	vst v63  }
0x317: {  	_ = 	snop  }
0x318: {  	[hbm4b:s2+s3] =	stream.indirect_vreg.scatter [tilespmem:s24], [sflag:$0xA], $0x80, v1, vm0, $0xb8;
	[tilespmem:$0x1C700] =	vst v63  }
0x319: {  	_ = 	snop  }
0x31a: {  	[hbm4b:s4+s3] =	stream.indirect_vreg.scatter [tilespmem:s0], [sflag:$0xA], $0x80, v1, vm0, $0xb8;
	[tilespmem:$0x1C700] =	vst v63  }
0x31b: {  	v1 =	vld [tilespmem:$0x1C490];
	_ =	sdelay $0x4  }
0x31c: {  	v10 =	vshll.u32 v1, $0x2  }
0x31d: {  	v1 =	vand.u32 $0x7, v1;
	v10 =	vand.u32 $0xFFFFFFE0, v10  }
0x31e: {  	v1 =	vor.u32 v1, v10  }
0x31f: {  	v10 =	vperm.xlane v1, v4;
	_ =	sdelay $0x1  }
0x320: {  	v10 =	vadd.s32 v6, v10;
	_ =	sdelay $0x1  }
0x321: {  	v1 =	vperm.xlane v1, v8;
	_ =	sdelay $0x1  }
0x322: {  	v1 =	vadd.s32 v6, v1  }
0x323: {  	[hbm4b:s2+s3] =	stream.indirect_vreg.scatter [tilespmem:s31], [sflag:$0xA], $0x80, v10, vm0, $0xb8;
	[tilespmem:$0x1C700] =	vst v63  }
0x324: {  	_ = 	snop  }
0x325: {  	[hbm4b:s4+s3] =	stream.indirect_vreg.scatter [tilespmem:s25], [sflag:$0xA], $0x80, v10, vm0, $0xb8;
	[tilespmem:$0x1C700] =	vst v63  }
0x326: {  	_ = 	snop  }
0x327: {  	[hbm4b:s2+s3] =	stream.indirect_vreg.scatter [tilespmem:s22], [sflag:$0xA], $0x80, v1, vm0, $0xb8;
	[tilespmem:$0x1C700] =	vst v63  }
0x328: {  	_ = 	snop  }
0x329: {  	[hbm4b:s4+s3] =	stream.indirect_vreg.scatter [tilespmem:s1], [sflag:$0xA], $0x80, v1, vm0, $0xb8;
	[tilespmem:$0x1C700] =	vst v63  }
0x32a: {  	_ =	swait.ge [sflag:s17], $0x4000  }
0x32b: {  	[sflag:s17] =	ssyncset.done $0x0  }
0x32c: {  	[sflag:s17] =	ssyncadd.s32 $0xFFFFC000  }
0x32d: {  	_ =	swait.ge [sflag:s17], $0x4000  }
0x32e: {  	[sflag:s17] =	ssyncset.done $0x0  }
0x32f: {  	[sflag:s17] =	ssyncadd.s32 $0xFFFFC000  }
0x330: {  	[tilespmem:$0x1C080] =	vst v61  }
0x331: {  	[tilespmem:$0x1C400] =	vst v63  }
0x332: {  	[tilespmem:$0x1C090] =	vst v62  }
0x333: {  	s6 =	simm.s32 $0x4000;
	s31 =	simm.s32 $0x4;
	s25 =	rddreg [dreg:$0x12];
	[tilespmem:$0x1C410] =	vst v2  }
0x334: {  	[tilespmem:s6], [sflag:$0x2] =	stream.linear.gather [hbm4b:s25+s3], $0x4000, $0x38;
	[tilespmem:$0x1C700] =	vst v63  }
0x335: {  	_ =	swait.ge [sflag:s31], $0x4000  }
0x336: {  	[sflag:s31] =	ssyncset.done $0x0  }
0x337: {  	[sflag:s31] =	ssyncadd.s32 $0xFFFFC000  }
0x338: {  	v1 =	vld [tilespmem:$0x1C180];
	_ =	sdelay $0x4  }
0x339: {  	v10 =	vshll.u32 v1, $0x2  }
0x33a: {  	v1 =	vand.u32 $0x7, v1;
	v10 =	vand.u32 $0xFFFFFFE0, v10  }
0x33b: {  	v1 =	vor.u32 v1, v10  }
0x33c: {  	v10 =	vperm.xlane v1, v4;
	_ =	sdelay $0x1  }
0x33d: {  	v10 =	vadd.s32 v6, v10;
	_ =	sdelay $0x1  }
0x33e: {  	v1 =	vperm.xlane v1, v8;
	_ =	sdelay $0x1  }
0x33f: {  	s7 =	simm.s32 $0xC000;
	v1 =	vadd.s32 v6, v1  }
0x340: {  	[hbm4b:s2+s3] =	stream.indirect_vreg.scatter [tilespmem:s7], [sflag:$0xB], $0x80, v10, vm0, $0xb8;
	[tilespmem:$0x1C700] =	vst v63  }
0x341: {  	s15 =	simm.s32 $0xC800  }
0x342: {  	[hbm4b:s4+s3] =	stream.indirect_vreg.scatter [tilespmem:s15], [sflag:$0xB], $0x80, v10, vm0, $0xb8;
	[tilespmem:$0x1C700] =	vst v63  }
0x343: {  	s22 =	simm.s32 $0xD000  }
0x344: {  	[hbm4b:s2+s3] =	stream.indirect_vreg.scatter [tilespmem:s22], [sflag:$0xB], $0x80, v1, vm0, $0xb8;
	[tilespmem:$0x1C700] =	vst v63  }
0x345: {  	s0 =	simm.s32 $0xD800  }
0x346: {  	[hbm4b:s4+s3] =	stream.indirect_vreg.scatter [tilespmem:s0], [sflag:$0xB], $0x80, v1, vm0, $0xb8;
	[tilespmem:$0x1C700] =	vst v63  }
0x347: {  	v1 =	vld [tilespmem:$0x1C190];
	_ =	sdelay $0x4  }
0x348: {  	v10 =	vshll.u32 v1, $0x2  }
0x349: {  	v1 =	vand.u32 $0x7, v1;
	v10 =	vand.u32 $0xFFFFFFE0, v10  }
0x34a: {  	v1 =	vor.u32 v1, v10  }
0x34b: {  	v10 =	vperm.xlane v1, v4;
	_ =	sdelay $0x1  }
0x34c: {  	v10 =	vadd.s32 v6, v10;
	_ =	sdelay $0x1  }
0x34d: {  	v1 =	vperm.xlane v1, v8;
	_ =	sdelay $0x1  }
0x34e: {  	s24 =	simm.s32 $0xE000;
	v1 =	vadd.s32 v6, v1  }
0x34f: {  	[hbm4b:s2+s3] =	stream.indirect_vreg.scatter [tilespmem:s24], [sflag:$0xB], $0x80, v10, vm0, $0xb8;
	[tilespmem:$0x1C700] =	vst v63  }
0x350: {  	s25 =	simm.s32 $0xE800  }
0x351: {  	[hbm4b:s4+s3] =	stream.indirect_vreg.scatter [tilespmem:s25], [sflag:$0xB], $0x80, v10, vm0, $0xb8;
	[tilespmem:$0x1C700] =	vst v63  }
0x352: {  	s1 =	simm.s32 $0xF000  }
0x353: {  	[hbm4b:s2+s3] =	stream.indirect_vreg.scatter [tilespmem:s1], [sflag:$0xB], $0x80, v1, vm0, $0xb8;
	[tilespmem:$0x1C700] =	vst v63  }
0x354: {  	s6 =	simm.s32 $0xF800  }
0x355: {  	[hbm4b:s4+s3] =	stream.indirect_vreg.scatter [tilespmem:s6], [sflag:$0xB], $0x80, v1, vm0, $0xb8;
	[tilespmem:$0x1C700] =	vst v63  }
0x356: {  	v1 =	vld [tilespmem:$0x1C500];
	_ =	sdelay $0x4  }
0x357: {  	v10 =	vshll.u32 v1, $0x2  }
0x358: {  	v1 =	vand.u32 $0x7, v1;
	v10 =	vand.u32 $0xFFFFFFE0, v10  }
0x359: {  	v1 =	vor.u32 v1, v10  }
0x35a: {  	v10 =	vperm.xlane v1, v4;
	_ =	sdelay $0x1  }
0x35b: {  	v10 =	vadd.s32 v6, v10;
	_ =	sdelay $0x1  }
0x35c: {  	v1 =	vperm.xlane v1, v8;
	_ =	sdelay $0x1  }
0x35d: {  	v1 =	vadd.s32 v6, v1  }
0x35e: {  	[hbm4b:s2+s3] =	stream.indirect_vreg.scatter [tilespmem:s7], [sflag:$0xB], $0x80, v10, vm0, $0xb8;
	[tilespmem:$0x1C700] =	vst v63  }
0x35f: {  	_ = 	snop  }
0x360: {  	[hbm4b:s4+s3] =	stream.indirect_vreg.scatter [tilespmem:s15], [sflag:$0xB], $0x80, v10, vm0, $0xb8;
	[tilespmem:$0x1C700] =	vst v63  }
0x361: {  	_ = 	snop  }
0x362: {  	[hbm4b:s2+s3] =	stream.indirect_vreg.scatter [tilespmem:s22], [sflag:$0xB], $0x80, v1, vm0, $0xb8;
	[tilespmem:$0x1C700] =	vst v63  }
0x363: {  	_ = 	snop  }
0x364: {  	[hbm4b:s4+s3] =	stream.indirect_vreg.scatter [tilespmem:s0], [sflag:$0xB], $0x80, v1, vm0, $0xb8;
	[tilespmem:$0x1C700] =	vst v63  }
0x365: {  	v1 =	vld [tilespmem:$0x1C510];
	_ =	sdelay $0x4  }
0x366: {  	v10 =	vshll.u32 v1, $0x2  }
0x367: {  	v1 =	vand.u32 $0x7, v1;
	v10 =	vand.u32 $0xFFFFFFE0, v10  }
0x368: {  	v1 =	vor.u32 v1, v10  }
0x369: {  	v10 =	vperm.xlane v1, v4;
	_ =	sdelay $0x1  }
0x36a: {  	v10 =	vadd.s32 v6, v10;
	_ =	sdelay $0x1  }
0x36b: {  	v1 =	vperm.xlane v1, v8;
	_ =	sdelay $0x1  }
0x36c: {  	v1 =	vadd.s32 v6, v1  }
0x36d: {  	[hbm4b:s2+s3] =	stream.indirect_vreg.scatter [tilespmem:s24], [sflag:$0xB], $0x80, v10, vm0, $0xb8;
	[tilespmem:$0x1C700] =	vst v63  }
0x36e: {  	_ = 	snop  }
0x36f: {  	[hbm4b:s4+s3] =	stream.indirect_vreg.scatter [tilespmem:s25], [sflag:$0xB], $0x80, v10, vm0, $0xb8;
	[tilespmem:$0x1C700] =	vst v63  }
0x370: {  	_ = 	snop  }
0x371: {  	[hbm4b:s2+s3] =	stream.indirect_vreg.scatter [tilespmem:s1], [sflag:$0xB], $0x80, v1, vm0, $0xb8;
	[tilespmem:$0x1C700] =	vst v63  }
0x372: {  	s15 =	simm.s32 $0x5  }
0x373: {  	[hbm4b:s4+s3] =	stream.indirect_vreg.scatter [tilespmem:s6], [sflag:$0xB], $0x80, v1, vm0, $0xb8;
	[tilespmem:$0x1C700] =	vst v63  }
0x374: {  	_ =	swait.ge [sflag:s15], $0x4000  }
0x375: {  	[sflag:s15] =	ssyncset.done $0x0  }
0x376: {  	[sflag:s15] =	ssyncadd.s32 $0xFFFFC000  }
0x377: {  	v1 =	vld [tilespmem:$0x1C200];
	_ =	sdelay $0x4  }
0x378: {  	v10 =	vshll.u32 v1, $0x2  }
0x379: {  	v1 =	vand.u32 $0x7, v1;
	v10 =	vand.u32 $0xFFFFFFE0, v10  }
0x37a: {  	v1 =	vor.u32 v1, v10  }
0x37b: {  	v10 =	vperm.xlane v1, v4;
	_ =	sdelay $0x1  }
0x37c: {  	v10 =	vadd.s32 v6, v10;
	_ =	sdelay $0x1  }
0x37d: {  	v1 =	vperm.xlane v1, v8;
	_ =	sdelay $0x1  }
0x37e: {  	s1 =	simm.s32 $0x10000;
	v1 =	vadd.s32 v6, v1  }
0x37f: {  	[hbm4b:s2+s3] =	stream.indirect_vreg.scatter [tilespmem:s1], [sflag:$0xC], $0x80, v10, vm0, $0xb8;
	[tilespmem:$0x1C700] =	vst v63  }
0x380: {  	s7 =	simm.s32 $0x10800  }
0x381: {  	[hbm4b:s4+s3] =	stream.indirect_vreg.scatter [tilespmem:s7], [sflag:$0xC], $0x80, v10, vm0, $0xb8;
	[tilespmem:$0x1C700] =	vst v63  }
0x382: {  	s15 =	simm.s32 $0x11000  }
0x383: {  	[hbm4b:s2+s3] =	stream.indirect_vreg.scatter [tilespmem:s15], [sflag:$0xC], $0x80, v1, vm0, $0xb8;
	[tilespmem:$0x1C700] =	vst v63  }
0x384: {  	s22 =	simm.s32 $0x11800  }
0x385: {  	[hbm4b:s4+s3] =	stream.indirect_vreg.scatter [tilespmem:s22], [sflag:$0xC], $0x80, v1, vm0, $0xb8;
	[tilespmem:$0x1C700] =	vst v63  }
0x386: {  	v1 =	vld [tilespmem:$0x1C210];
	_ =	sdelay $0x4  }
0x387: {  	v10 =	vshll.u32 v1, $0x2  }
0x388: {  	v1 =	vand.u32 $0x7, v1;
	v10 =	vand.u32 $0xFFFFFFE0, v10  }
0x389: {  	v1 =	vor.u32 v1, v10  }
0x38a: {  	v10 =	vperm.xlane v1, v4;
	_ =	sdelay $0x1  }
0x38b: {  	v10 =	vadd.s32 v6, v10;
	_ =	sdelay $0x1  }
0x38c: {  	v1 =	vperm.xlane v1, v8;
	_ =	sdelay $0x1  }
0x38d: {  	s24 =	simm.s32 $0x12000;
	v1 =	vadd.s32 v6, v1  }
0x38e: {  	[hbm4b:s2+s3] =	stream.indirect_vreg.scatter [tilespmem:s24], [sflag:$0xC], $0x80, v10, vm0, $0xb8;
	[tilespmem:$0x1C700] =	vst v63  }
0x38f: {  	s25 =	simm.s32 $0x12800  }
0x390: {  	[hbm4b:s4+s3] =	stream.indirect_vreg.scatter [tilespmem:s25], [sflag:$0xC], $0x80, v10, vm0, $0xb8;
	[tilespmem:$0x1C700] =	vst v63  }
0x391: {  	s0 =	simm.s32 $0x13000  }
0x392: {  	[hbm4b:s2+s3] =	stream.indirect_vreg.scatter [tilespmem:s0], [sflag:$0xC], $0x80, v1, vm0, $0xb8;
	[tilespmem:$0x1C700] =	vst v63  }
0x393: {  	s6 =	simm.s32 $0x13800  }
0x394: {  	[hbm4b:s4+s3] =	stream.indirect_vreg.scatter [tilespmem:s6], [sflag:$0xC], $0x80, v1, vm0, $0xb8;
	[tilespmem:$0x1C700] =	vst v63  }
0x395: {  	v1 =	vld [tilespmem:$0x1C580];
	_ =	sdelay $0x4  }
0x396: {  	v10 =	vshll.u32 v1, $0x2  }
0x397: {  	v1 =	vand.u32 $0x7, v1;
	v10 =	vand.u32 $0xFFFFFFE0, v10  }
0x398: {  	v1 =	vor.u32 v1, v10  }
0x399: {  	v10 =	vperm.xlane v1, v4;
	_ =	sdelay $0x1  }
0x39a: {  	v10 =	vadd.s32 v6, v10;
	_ =	sdelay $0x1  }
0x39b: {  	v1 =	vperm.xlane v1, v8;
	_ =	sdelay $0x1  }
0x39c: {  	v1 =	vadd.s32 v6, v1  }
0x39d: {  	[hbm4b:s2+s3] =	stream.indirect_vreg.scatter [tilespmem:s1], [sflag:$0xC], $0x80, v10, vm0, $0xb8;
	[tilespmem:$0x1C700] =	vst v63  }
0x39e: {  	_ = 	snop  }
0x39f: {  	[hbm4b:s4+s3] =	stream.indirect_vreg.scatter [tilespmem:s7], [sflag:$0xC], $0x80, v10, vm0, $0xb8;
	[tilespmem:$0x1C700] =	vst v63  }
0x3a0: {  	_ = 	snop  }
0x3a1: {  	[hbm4b:s2+s3] =	stream.indirect_vreg.scatter [tilespmem:s15], [sflag:$0xC], $0x80, v1, vm0, $0xb8;
	[tilespmem:$0x1C700] =	vst v63  }
0x3a2: {  	_ = 	snop  }
0x3a3: {  	[hbm4b:s4+s3] =	stream.indirect_vreg.scatter [tilespmem:s22], [sflag:$0xC], $0x80, v1, vm0, $0xb8;
	[tilespmem:$0x1C700] =	vst v63  }
0x3a4: {  	v1 =	vld [tilespmem:$0x1C590];
	_ =	sdelay $0x4  }
0x3a5: {  	v10 =	vshll.u32 v1, $0x2  }
0x3a6: {  	v1 =	vand.u32 $0x7, v1;
	v10 =	vand.u32 $0xFFFFFFE0, v10  }
0x3a7: {  	v1 =	vor.u32 v1, v10  }
0x3a8: {  	v10 =	vperm.xlane v1, v4;
	_ =	sdelay $0x1  }
0x3a9: {  	v10 =	vadd.s32 v6, v10;
	_ =	sdelay $0x1  }
0x3aa: {  	v1 =	vperm.xlane v1, v8;
	_ =	sdelay $0x1  }
0x3ab: {  	v1 =	vadd.s32 v6, v1  }
0x3ac: {  	[hbm4b:s2+s3] =	stream.indirect_vreg.scatter [tilespmem:s24], [sflag:$0xC], $0x80, v10, vm0, $0xb8;
	[tilespmem:$0x1C700] =	vst v63  }
0x3ad: {  	_ = 	snop  }
0x3ae: {  	[hbm4b:s4+s3] =	stream.indirect_vreg.scatter [tilespmem:s25], [sflag:$0xC], $0x80, v10, vm0, $0xb8;
	[tilespmem:$0x1C700] =	vst v63  }
0x3af: {  	_ = 	snop  }
0x3b0: {  	[hbm4b:s2+s3] =	stream.indirect_vreg.scatter [tilespmem:s0], [sflag:$0xC], $0x80, v1, vm0, $0xb8;
	[tilespmem:$0x1C700] =	vst v63  }
0x3b1: {  	s15 =	simm.s32 $0x6  }
0x3b2: {  	[hbm4b:s4+s3] =	stream.indirect_vreg.scatter [tilespmem:s6], [sflag:$0xC], $0x80, v1, vm0, $0xb8;
	[tilespmem:$0x1C700] =	vst v63  }
0x3b3: {  	_ =	swait.ge [sflag:s15], $0x4000  }
0x3b4: {  	[sflag:s15] =	ssyncset.done $0x0  }
0x3b5: {  	[sflag:s15] =	ssyncadd.s32 $0xFFFFC000  }
0x3b6: {  	v1 =	vld [tilespmem:$0x1C280];
	_ =	sdelay $0x4  }
0x3b7: {  	v10 =	vshll.u32 v1, $0x2  }
0x3b8: {  	v1 =	vand.u32 $0x7, v1;
	v10 =	vand.u32 $0xFFFFFFE0, v10  }
0x3b9: {  	v1 =	vor.u32 v1, v10  }
0x3ba: {  	v10 =	vperm.xlane v1, v4;
	_ =	sdelay $0x1  }
0x3bb: {  	v10 =	vadd.s32 v6, v10;
	_ =	sdelay $0x1  }
0x3bc: {  	v1 =	vperm.xlane v1, v8;
	_ =	sdelay $0x1  }
0x3bd: {  	s1 =	simm.s32 $0x14000;
	v1 =	vadd.s32 v6, v1  }
0x3be: {  	[hbm4b:s2+s3] =	stream.indirect_vreg.scatter [tilespmem:s1], [sflag:$0xD], $0x80, v10, vm0, $0xb8;
	[tilespmem:$0x1C700] =	vst v63  }
0x3bf: {  	s7 =	simm.s32 $0x14800  }
0x3c0: {  	[hbm4b:s4+s3] =	stream.indirect_vreg.scatter [tilespmem:s7], [sflag:$0xD], $0x80, v10, vm0, $0xb8;
	[tilespmem:$0x1C700] =	vst v63  }
0x3c1: {  	s15 =	simm.s32 $0x15000  }
0x3c2: {  	[hbm4b:s2+s3] =	stream.indirect_vreg.scatter [tilespmem:s15], [sflag:$0xD], $0x80, v1, vm0, $0xb8;
	[tilespmem:$0x1C700] =	vst v63  }
0x3c3: {  	s22 =	simm.s32 $0x15800  }
0x3c4: {  	[hbm4b:s4+s3] =	stream.indirect_vreg.scatter [tilespmem:s22], [sflag:$0xD], $0x80, v1, vm0, $0xb8;
	[tilespmem:$0x1C700] =	vst v63  }
0x3c5: {  	v1 =	vld [tilespmem:$0x1C290];
	_ =	sdelay $0x4  }
0x3c6: {  	v10 =	vshll.u32 v1, $0x2  }
0x3c7: {  	v1 =	vand.u32 $0x7, v1;
	v10 =	vand.u32 $0xFFFFFFE0, v10  }
0x3c8: {  	v1 =	vor.u32 v1, v10  }
0x3c9: {  	v10 =	vperm.xlane v1, v4;
	_ =	sdelay $0x1  }
0x3ca: {  	v10 =	vadd.s32 v6, v10;
	_ =	sdelay $0x1  }
0x3cb: {  	v1 =	vperm.xlane v1, v8;
	_ =	sdelay $0x1  }
0x3cc: {  	s24 =	simm.s32 $0x16000;
	v1 =	vadd.s32 v6, v1  }
0x3cd: {  	[hbm4b:s2+s3] =	stream.indirect_vreg.scatter [tilespmem:s24], [sflag:$0xD], $0x80, v10, vm0, $0xb8;
	[tilespmem:$0x1C700] =	vst v63  }
0x3ce: {  	s25 =	simm.s32 $0x16800  }
0x3cf: {  	[hbm4b:s4+s3] =	stream.indirect_vreg.scatter [tilespmem:s25], [sflag:$0xD], $0x80, v10, vm0, $0xb8;
	[tilespmem:$0x1C700] =	vst v63  }
0x3d0: {  	s0 =	simm.s32 $0x17000  }
0x3d1: {  	[hbm4b:s2+s3] =	stream.indirect_vreg.scatter [tilespmem:s0], [sflag:$0xD], $0x80, v1, vm0, $0xb8;
	[tilespmem:$0x1C700] =	vst v63  }
0x3d2: {  	s6 =	simm.s32 $0x17800  }
0x3d3: {  	[hbm4b:s4+s3] =	stream.indirect_vreg.scatter [tilespmem:s6], [sflag:$0xD], $0x80, v1, vm0, $0xb8;
	[tilespmem:$0x1C700] =	vst v63  }
0x3d4: {  	v1 =	vld [tilespmem:$0x1C600];
	_ =	sdelay $0x4  }
0x3d5: {  	v10 =	vshll.u32 v1, $0x2  }
0x3d6: {  	v1 =	vand.u32 $0x7, v1;
	v10 =	vand.u32 $0xFFFFFFE0, v10  }
0x3d7: {  	v1 =	vor.u32 v1, v10  }
0x3d8: {  	v10 =	vperm.xlane v1, v4;
	_ =	sdelay $0x1  }
0x3d9: {  	v10 =	vadd.s32 v6, v10;
	_ =	sdelay $0x1  }
0x3da: {  	v1 =	vperm.xlane v1, v8;
	_ =	sdelay $0x1  }
0x3db: {  	v1 =	vadd.s32 v6, v1  }
0x3dc: {  	[hbm4b:s2+s3] =	stream.indirect_vreg.scatter [tilespmem:s1], [sflag:$0xD], $0x80, v10, vm0, $0xb8;
	[tilespmem:$0x1C700] =	vst v63  }
0x3dd: {  	_ = 	snop  }
0x3de: {  	[hbm4b:s4+s3] =	stream.indirect_vreg.scatter [tilespmem:s7], [sflag:$0xD], $0x80, v10, vm0, $0xb8;
	[tilespmem:$0x1C700] =	vst v63  }
0x3df: {  	_ = 	snop  }
0x3e0: {  	[hbm4b:s2+s3] =	stream.indirect_vreg.scatter [tilespmem:s15], [sflag:$0xD], $0x80, v1, vm0, $0xb8;
	[tilespmem:$0x1C700] =	vst v63  }
0x3e1: {  	_ = 	snop  }
0x3e2: {  	[hbm4b:s4+s3] =	stream.indirect_vreg.scatter [tilespmem:s22], [sflag:$0xD], $0x80, v1, vm0, $0xb8;
	[tilespmem:$0x1C700] =	vst v63  }
0x3e3: {  	v1 =	vld [tilespmem:$0x1C610];
	_ =	sdelay $0x4  }
0x3e4: {  	v10 =	vshll.u32 v1, $0x2  }
0x3e5: {  	v1 =	vand.u32 $0x7, v1;
	v10 =	vand.u32 $0xFFFFFFE0, v10  }
0x3e6: {  	v1 =	vor.u32 v1, v10  }
0x3e7: {  	v10 =	vperm.xlane v1, v4;
	_ =	sdelay $0x1  }
0x3e8: {  	v10 =	vadd.s32 v6, v10;
	_ =	sdelay $0x1  }
0x3e9: {  	v1 =	vperm.xlane v1, v8;
	_ =	sdelay $0x1  }
0x3ea: {  	v1 =	vadd.s32 v6, v1  }
0x3eb: {  	[hbm4b:s2+s3] =	stream.indirect_vreg.scatter [tilespmem:s24], [sflag:$0xD], $0x80, v10, vm0, $0xb8;
	[tilespmem:$0x1C700] =	vst v63  }
0x3ec: {  	_ = 	snop  }
0x3ed: {  	[hbm4b:s4+s3] =	stream.indirect_vreg.scatter [tilespmem:s25], [sflag:$0xD], $0x80, v10, vm0, $0xb8;
	[tilespmem:$0x1C700] =	vst v63  }
0x3ee: {  	_ = 	snop  }
0x3ef: {  	[hbm4b:s2+s3] =	stream.indirect_vreg.scatter [tilespmem:s0], [sflag:$0xD], $0x80, v1, vm0, $0xb8;
	[tilespmem:$0x1C700] =	vst v63  }
0x3f0: {  	_ = 	snop  }
0x3f1: {  	[hbm4b:s4+s3] =	stream.indirect_vreg.scatter [tilespmem:s6], [sflag:$0xD], $0x80, v1, vm0, $0xb8;
	[tilespmem:$0x1C700] =	vst v63  }
0x3f2: {  	_ =	swait.ge [sflag:s11], $0x4000  }
0x3f3: {  	[sflag:s11] =	ssyncset.done $0x0  }
0x3f4: {  	[sflag:s11] =	ssyncadd.s32 $0xFFFFC000  }
0x3f5: {  	v1 =	vld [tilespmem:$0x1C300];
	_ =	sdelay $0x4  }
0x3f6: {  	v10 =	vshll.u32 v1, $0x2  }
0x3f7: {  	v1 =	vand.u32 $0x7, v1;
	v10 =	vand.u32 $0xFFFFFFE0, v10  }
0x3f8: {  	v1 =	vor.u32 v1, v10  }
0x3f9: {  	v10 =	vperm.xlane v1, v4;
	_ =	sdelay $0x1  }
0x3fa: {  	v10 =	vadd.s32 v6, v10;
	_ =	sdelay $0x1  }
0x3fb: {  	v1 =	vperm.xlane v1, v8;
	_ =	sdelay $0x1  }
0x3fc: {  	s7 =	simm.s32 $0x18000;
	v1 =	vadd.s32 v6, v1  }
0x3fd: {  	[hbm4b:s2+s3] =	stream.indirect_vreg.scatter [tilespmem:s7], [sflag:$0xE], $0x80, v10, vm0, $0xb8;
	[tilespmem:$0x1C700] =	vst v63  }
0x3fe: {  	s11 =	simm.s32 $0x18800  }
0x3ff: {  	[hbm4b:s4+s3] =	stream.indirect_vreg.scatter [tilespmem:s11], [sflag:$0xE], $0x80, v10, vm0, $0xb8;
	[tilespmem:$0x1C700] =	vst v63  }
0x400: {  	s22 =	simm.s32 $0x19000  }
0x401: {  	[hbm4b:s2+s3] =	stream.indirect_vreg.scatter [tilespmem:s22], [sflag:$0xE], $0x80, v1, vm0, $0xb8;
	[tilespmem:$0x1C700] =	vst v63  }
0x402: {  	s24 =	simm.s32 $0x19800  }
0x403: {  	[hbm4b:s4+s3] =	stream.indirect_vreg.scatter [tilespmem:s24], [sflag:$0xE], $0x80, v1, vm0, $0xb8;
	[tilespmem:$0x1C700] =	vst v63  }
0x404: {  	v1 =	vld [tilespmem:$0x1C310];
	_ =	sdelay $0x4  }
0x405: {  	v10 =	vshll.u32 v1, $0x2  }
0x406: {  	v1 =	vand.u32 $0x7, v1;
	v10 =	vand.u32 $0xFFFFFFE0, v10  }
0x407: {  	v1 =	vor.u32 v1, v10  }
0x408: {  	v10 =	vperm.xlane v1, v4;
	_ =	sdelay $0x1  }
0x409: {  	v10 =	vadd.s32 v6, v10;
	_ =	sdelay $0x1  }
0x40a: {  	v1 =	vperm.xlane v1, v8;
	_ =	sdelay $0x1  }
0x40b: {  	v1 =	vadd.s32 v6, v1  }
0x40c: {  	[hbm4b:s2+s3] =	stream.indirect_vreg.scatter [tilespmem:s12], [sflag:$0xE], $0x80, v10, vm0, $0xb8;
	[tilespmem:$0x1C700] =	vst v63  }
0x40d: {  	_ = 	snop  }
0x40e: {  	[hbm4b:s4+s3] =	stream.indirect_vreg.scatter [tilespmem:s16], [sflag:$0xE], $0x80, v10, vm0, $0xb8;
	[tilespmem:$0x1C700] =	vst v63  }
0x40f: {  	s25 =	simm.s32 $0x1B000  }
0x410: {  	[hbm4b:s2+s3] =	stream.indirect_vreg.scatter [tilespmem:s25], [sflag:$0xE], $0x80, v1, vm0, $0xb8;
	[tilespmem:$0x1C700] =	vst v63  }
0x411: {  	s31 =	simm.s32 $0x1B800  }
0x412: {  	[hbm4b:s4+s3] =	stream.indirect_vreg.scatter [tilespmem:s31], [sflag:$0xE], $0x80, v1, vm0, $0xb8;
	[tilespmem:$0x1C700] =	vst v63  }
0x413: {  	v1 =	vld [tilespmem:$0x1C680];
	_ =	sdelay $0x4  }
0x414: {  	v10 =	vshll.u32 v1, $0x2  }
0x415: {  	v1 =	vand.u32 $0x7, v1;
	v10 =	vand.u32 $0xFFFFFFE0, v10  }
0x416: {  	v1 =	vor.u32 v1, v10  }
0x417: {  	v10 =	vperm.xlane v1, v4;
	_ =	sdelay $0x1  }
0x418: {  	v10 =	vadd.s32 v6, v10;
	_ =	sdelay $0x1  }
0x419: {  	v1 =	vperm.xlane v1, v8;
	_ =	sdelay $0x1  }
0x41a: {  	v1 =	vadd.s32 v6, v1  }
0x41b: {  	[hbm4b:s2+s3] =	stream.indirect_vreg.scatter [tilespmem:s7], [sflag:$0xE], $0x80, v10, vm0, $0xb8;
	[tilespmem:$0x1C700] =	vst v63  }
0x41c: {  	_ = 	snop  }
0x41d: {  	[hbm4b:s4+s3] =	stream.indirect_vreg.scatter [tilespmem:s11], [sflag:$0xE], $0x80, v10, vm0, $0xb8;
	[tilespmem:$0x1C700] =	vst v63  }
0x41e: {  	_ = 	snop  }
0x41f: {  	[hbm4b:s2+s3] =	stream.indirect_vreg.scatter [tilespmem:s22], [sflag:$0xE], $0x80, v1, vm0, $0xb8;
	[tilespmem:$0x1C700] =	vst v63  }
0x420: {  	_ = 	snop  }
0x421: {  	[hbm4b:s4+s3] =	stream.indirect_vreg.scatter [tilespmem:s24], [sflag:$0xE], $0x80, v1, vm0, $0xb8;
	[tilespmem:$0x1C700] =	vst v63  }
0x422: {  	v1 =	vld [tilespmem:$0x1C690];
	_ =	sdelay $0x4  }
0x423: {  	v10 =	vshll.u32 v1, $0x2  }
0x424: {  	v1 =	vand.u32 $0x7, v1;
	v10 =	vand.u32 $0xFFFFFFE0, v10  }
0x425: {  	v1 =	vor.u32 v1, v10  }
0x426: {  	v10 =	vperm.xlane v1, v4;
	_ =	sdelay $0x1  }
0x427: {  	v10 =	vadd.s32 v6, v10;
	_ =	sdelay $0x1  }
0x428: {  	v1 =	vperm.xlane v1, v8;
	_ =	sdelay $0x1  }
0x429: {  	v1 =	vadd.s32 v6, v1  }
0x42a: {  	[hbm4b:s2+s3] =	stream.indirect_vreg.scatter [tilespmem:s12], [sflag:$0xE], $0x80, v10, vm0, $0xb8;
	[tilespmem:$0x1C700] =	vst v63  }
0x42b: {  	_ = 	snop  }
0x42c: {  	[hbm4b:s4+s3] =	stream.indirect_vreg.scatter [tilespmem:s16], [sflag:$0xE], $0x80, v10, vm0, $0xb8;
	[tilespmem:$0x1C700] =	vst v63  }
0x42d: {  	_ = 	snop  }
0x42e: {  	[hbm4b:s2+s3] =	stream.indirect_vreg.scatter [tilespmem:s25], [sflag:$0xE], $0x80, v1, vm0, $0xb8;
	[tilespmem:$0x1C700] =	vst v63  }
0x42f: {  	s12 =	simm.s32 $0x1  }
0x430: {  	[hbm4b:s4+s3] =	stream.indirect_vreg.scatter [tilespmem:s31], [sflag:$0xE], $0x80, v1, vm0, $0xb8;
	[tilespmem:$0x1C700] =	vst v63  }
0x431: {  	_ =	swait.ge [sflag:s12], $0x4000  }
0x432: {  	[sflag:s12] =	ssyncset.done $0x0  }
0x433: {  	[sflag:s12] =	ssyncadd.s32 $0xFFFFC000  }
0x434: {  	v1 =	vld [tilespmem:$0x1C000];
	_ =	sdelay $0x4  }
0x435: {  	v10 =	vshll.u32 v1, $0x2  }
0x436: {  	v1 =	vand.u32 $0x7, v1;
	v10 =	vand.u32 $0xFFFFFFE0, v10  }
0x437: {  	v1 =	vor.u32 v1, v10  }
0x438: {  	v10 =	vperm.xlane v1, v4;
	_ =	sdelay $0x1  }
0x439: {  	v10 =	vadd.s32 v6, v10;
	_ =	sdelay $0x1  }
0x43a: {  	v1 =	vperm.xlane v1, v8;
	_ =	sdelay $0x1  }
0x43b: {  	v1 =	vadd.s32 v6, v1  }
0x43c: {  	[hbm4b:s2+s3] =	stream.indirect_vreg.scatter [tilespmem:s3], [sflag:$0x8], $0x80, v10, vm0, $0xb8;
	[tilespmem:$0x1C700] =	vst v63  }
0x43d: {  	s15 =	simm.s32 $0x800  }
0x43e: {  	[hbm4b:s4+s3] =	stream.indirect_vreg.scatter [tilespmem:s15], [sflag:$0x8], $0x80, v10, vm0, $0xb8;
	[tilespmem:$0x1C700] =	vst v63  }
0x43f: {  	s16 =	simm.s32 $0x1000  }
0x440: {  	[hbm4b:s2+s3] =	stream.indirect_vreg.scatter [tilespmem:s16], [sflag:$0x8], $0x80, v1, vm0, $0xb8;
	[tilespmem:$0x1C700] =	vst v63  }
0x441: {  	s22 =	simm.s32 $0x1800  }
0x442: {  	[hbm4b:s4+s3] =	stream.indirect_vreg.scatter [tilespmem:s22], [sflag:$0x8], $0x80, v1, vm0, $0xb8;
	[tilespmem:$0x1C700] =	vst v63  }
0x443: {  	v1 =	vld [tilespmem:$0x1C010];
	_ =	sdelay $0x4  }
0x444: {  	v10 =	vshll.u32 v1, $0x2  }
0x445: {  	v1 =	vand.u32 $0x7, v1;
	v10 =	vand.u32 $0xFFFFFFE0, v10  }
0x446: {  	v1 =	vor.u32 v1, v10  }
0x447: {  	v10 =	vperm.xlane v1, v4;
	_ =	sdelay $0x1  }
0x448: {  	v10 =	vadd.s32 v6, v10;
	_ =	sdelay $0x1  }
0x449: {  	v1 =	vperm.xlane v1, v8;
	_ =	sdelay $0x1  }
0x44a: {  	s24 =	simm.s32 $0x2000;
	v1 =	vadd.s32 v6, v1  }
0x44b: {  	[hbm4b:s2+s3] =	stream.indirect_vreg.scatter [tilespmem:s24], [sflag:$0x8], $0x80, v10, vm0, $0xb8;
	[tilespmem:$0x1C700] =	vst v63  }
0x44c: {  	s25 =	simm.s32 $0x2800  }
0x44d: {  	[hbm4b:s4+s3] =	stream.indirect_vreg.scatter [tilespmem:s25], [sflag:$0x8], $0x80, v10, vm0, $0xb8;
	[tilespmem:$0x1C700] =	vst v63  }
0x44e: {  	s28 =	simm.s32 $0x3000  }
0x44f: {  	[hbm4b:s2+s3] =	stream.indirect_vreg.scatter [tilespmem:s28], [sflag:$0x8], $0x80, v1, vm0, $0xb8;
	[tilespmem:$0x1C700] =	vst v63  }
0x450: {  	s30 =	simm.s32 $0x3800  }
0x451: {  	[hbm4b:s4+s3] =	stream.indirect_vreg.scatter [tilespmem:s30], [sflag:$0x8], $0x80, v1, vm0, $0xb8;
	[tilespmem:$0x1C700] =	vst v63  }
0x452: {  	v1 =	vld [tilespmem:$0x1C380];
	_ =	sdelay $0x4  }
0x453: {  	v10 =	vshll.u32 v1, $0x2  }
0x454: {  	v1 =	vand.u32 $0x7, v1;
	v10 =	vand.u32 $0xFFFFFFE0, v10  }
0x455: {  	v1 =	vor.u32 v1, v10  }
0x456: {  	v10 =	vperm.xlane v1, v4;
	_ =	sdelay $0x1  }
0x457: {  	v10 =	vadd.s32 v6, v10;
	_ =	sdelay $0x1  }
0x458: {  	v1 =	vperm.xlane v1, v8;
	_ =	sdelay $0x1  }
0x459: {  	v1 =	vadd.s32 v6, v1  }
0x45a: {  	[hbm4b:s2+s3] =	stream.indirect_vreg.scatter [tilespmem:s3], [sflag:$0x8], $0x80, v10, vm0, $0xb8;
	[tilespmem:$0x1C700] =	vst v63  }
0x45b: {  	_ = 	snop  }
0x45c: {  	[hbm4b:s4+s3] =	stream.indirect_vreg.scatter [tilespmem:s15], [sflag:$0x8], $0x80, v10, vm0, $0xb8;
	[tilespmem:$0x1C700] =	vst v63  }
0x45d: {  	_ = 	snop  }
0x45e: {  	[hbm4b:s2+s3] =	stream.indirect_vreg.scatter [tilespmem:s16], [sflag:$0x8], $0x80, v1, vm0, $0xb8;
	[tilespmem:$0x1C700] =	vst v63  }
0x45f: {  	_ = 	snop  }
0x460: {  	[hbm4b:s4+s3] =	stream.indirect_vreg.scatter [tilespmem:s22], [sflag:$0x8], $0x80, v1, vm0, $0xb8;
	[tilespmem:$0x1C700] =	vst v63  }
0x461: {  	v1 =	vld [tilespmem:$0x1C390];
	_ =	sdelay $0x4  }
0x462: {  	v10 =	vshll.u32 v1, $0x2  }
0x463: {  	v1 =	vand.u32 $0x7, v1;
	v10 =	vand.u32 $0xFFFFFFE0, v10  }
0x464: {  	v1 =	vor.u32 v1, v10  }
0x465: {  	v10 =	vperm.xlane v1, v4;
	_ =	sdelay $0x1  }
0x466: {  	v10 =	vadd.s32 v6, v10;
	_ =	sdelay $0x1  }
0x467: {  	v1 =	vperm.xlane v1, v8;
	_ =	sdelay $0x1  }
0x468: {  	v1 =	vadd.s32 v6, v1  }
0x469: {  	[hbm4b:s2+s3] =	stream.indirect_vreg.scatter [tilespmem:s24], [sflag:$0x8], $0x80, v10, vm0, $0xb8;
	[tilespmem:$0x1C700] =	vst v63  }
0x46a: {  	_ = 	snop  }
0x46b: {  	[hbm4b:s4+s3] =	stream.indirect_vreg.scatter [tilespmem:s25], [sflag:$0x8], $0x80, v10, vm0, $0xb8;
	[tilespmem:$0x1C700] =	vst v63  }
0x46c: {  	_ = 	snop  }
0x46d: {  	[hbm4b:s2+s3] =	stream.indirect_vreg.scatter [tilespmem:s28], [sflag:$0x8], $0x80, v1, vm0, $0xb8;
	[tilespmem:$0x1C700] =	vst v63  }
0x46e: {  	s26 =	simm.s32 $0x2  }
0x46f: {  	[hbm4b:s4+s3] =	stream.indirect_vreg.scatter [tilespmem:s30], [sflag:$0x8], $0x80, v1, vm0, $0xb8;
	[tilespmem:$0x1C700] =	vst v63  }
0x470: {  	_ =	swait.ge [sflag:s26], $0x4000  }
0x471: {  	[sflag:s26] =	ssyncset.done $0x0  }
0x472: {  	[sflag:s26] =	ssyncadd.s32 $0xFFFFC000  }
0x473: {  	v1 =	vld [tilespmem:$0x1C080];
	_ =	sdelay $0x4  }
0x474: {  	v10 =	vshll.u32 v1, $0x2  }
0x475: {  	v1 =	vand.u32 $0x7, v1;
	v10 =	vand.u32 $0xFFFFFFE0, v10  }
0x476: {  	v1 =	vor.u32 v1, v10  }
0x477: {  	v10 =	vperm.xlane v1, v4;
	_ =	sdelay $0x1  }
0x478: {  	v10 =	vadd.s32 v6, v10;
	_ =	sdelay $0x1  }
0x479: {  	v1 =	vperm.xlane v1, v8;
	_ =	sdelay $0x1  }
0x47a: {  	s28 =	simm.s32 $0x4000;
	v1 =	vadd.s32 v6, v1  }
0x47b: {  	[hbm4b:s2+s3] =	stream.indirect_vreg.scatter [tilespmem:s28], [sflag:$0x9], $0x80, v10, vm0, $0xb8;
	[tilespmem:$0x1C700] =	vst v63  }
0x47c: {  	s21 =	simm.s32 $0x4800  }
0x47d: {  	[hbm4b:s4+s3] =	stream.indirect_vreg.scatter [tilespmem:s21], [sflag:$0x9], $0x80, v10, vm0, $0xb8;
	[tilespmem:$0x1C700] =	vst v63  }
0x47e: {  	s19 =	simm.s32 $0x5000  }
0x47f: {  	[hbm4b:s2+s3] =	stream.indirect_vreg.scatter [tilespmem:s19], [sflag:$0x9], $0x80, v1, vm0, $0xb8;
	[tilespmem:$0x1C700] =	vst v63  }
0x480: {  	s30 =	simm.s32 $0x5800  }
0x481: {  	[hbm4b:s4+s3] =	stream.indirect_vreg.scatter [tilespmem:s30], [sflag:$0x9], $0x80, v1, vm0, $0xb8;
	[tilespmem:$0x1C700] =	vst v63  }
0x482: {  	v1 =	vld [tilespmem:$0x1C090];
	_ =	sdelay $0x4  }
0x483: {  	v10 =	vshll.u32 v1, $0x2  }
0x484: {  	v1 =	vand.u32 $0x7, v1;
	v10 =	vand.u32 $0xFFFFFFE0, v10  }
0x485: {  	v1 =	vor.u32 v1, v10  }
0x486: {  	v10 =	vperm.xlane v1, v4;
	_ =	sdelay $0x1  }
0x487: {  	v10 =	vadd.s32 v6, v10;
	_ =	sdelay $0x1  }
0x488: {  	v1 =	vperm.xlane v1, v8;
	_ =	sdelay $0x1  }
0x489: {  	s23 =	simm.s32 $0x6000;
	v1 =	vadd.s32 v6, v1  }
0x48a: {  	[hbm4b:s2+s3] =	stream.indirect_vreg.scatter [tilespmem:s23], [sflag:$0x9], $0x80, v10, vm0, $0xb8;
	[tilespmem:$0x1C700] =	vst v63  }
0x48b: {  	s18 =	simm.s32 $0x6800  }
0x48c: {  	[hbm4b:s4+s3] =	stream.indirect_vreg.scatter [tilespmem:s18], [sflag:$0x9], $0x80, v10, vm0, $0xb8;
	[tilespmem:$0x1C700] =	vst v63  }
0x48d: {  	s20 =	simm.s32 $0x7000  }
0x48e: {  	[hbm4b:s2+s3] =	stream.indirect_vreg.scatter [tilespmem:s20], [sflag:$0x9], $0x80, v1, vm0, $0xb8;
	[tilespmem:$0x1C700] =	vst v63  }
0x48f: {  	s29 =	simm.s32 $0x7800  }
0x490: {  	[hbm4b:s4+s3] =	stream.indirect_vreg.scatter [tilespmem:s29], [sflag:$0x9], $0x80, v1, vm0, $0xb8;
	[tilespmem:$0x1C700] =	vst v63  }
0x491: {  	v1 =	vld [tilespmem:$0x1C400];
	_ =	sdelay $0x4  }
0x492: {  	v10 =	vshll.u32 v1, $0x2  }
0x493: {  	v1 =	vand.u32 $0x7, v1;
	v10 =	vand.u32 $0xFFFFFFE0, v10  }
0x494: {  	v1 =	vor.u32 v1, v10  }
0x495: {  	v10 =	vperm.xlane v1, v4;
	_ =	sdelay $0x1  }
0x496: {  	v10 =	vadd.s32 v6, v10;
	_ =	sdelay $0x1  }
0x497: {  	v1 =	vperm.xlane v1, v8;
	_ =	sdelay $0x1  }
0x498: {  	v1 =	vadd.s32 v6, v1  }
0x499: {  	[hbm4b:s2+s3] =	stream.indirect_vreg.scatter [tilespmem:s28], [sflag:$0x9], $0x80, v10, vm0, $0xb8;
	[tilespmem:$0x1C700] =	vst v63  }
0x49a: {  	_ = 	snop  }
0x49b: {  	[hbm4b:s4+s3] =	stream.indirect_vreg.scatter [tilespmem:s21], [sflag:$0x9], $0x80, v10, vm0, $0xb8;
	[tilespmem:$0x1C700] =	vst v63  }
0x49c: {  	_ = 	snop  }
0x49d: {  	[hbm4b:s2+s3] =	stream.indirect_vreg.scatter [tilespmem:s19], [sflag:$0x9], $0x80, v1, vm0, $0xb8;
	[tilespmem:$0x1C700] =	vst v63  }
0x49e: {  	_ = 	snop  }
0x49f: {  	[hbm4b:s4+s3] =	stream.indirect_vreg.scatter [tilespmem:s30], [sflag:$0x9], $0x80, v1, vm0, $0xb8;
	[tilespmem:$0x1C700] =	vst v63  }
0x4a0: {  	v1 =	vld [tilespmem:$0x1C410];
	_ =	sdelay $0x4  }
0x4a1: {  	v10 =	vshll.u32 v1, $0x2  }
0x4a2: {  	v1 =	vand.u32 $0x7, v1;
	v10 =	vand.u32 $0xFFFFFFE0, v10  }
0x4a3: {  	v1 =	vor.u32 v1, v10  }
0x4a4: {  	v4 =	vperm.xlane v1, v4;
	_ =	sdelay $0x1  }
0x4a5: {  	v4 =	vadd.s32 v6, v4;
	_ =	sdelay $0x1  }
0x4a6: {  	v1 =	vperm.xlane v1, v8;
	_ =	sdelay $0x1  }
0x4a7: {  	v1 =	vadd.s32 v6, v1  }
0x4a8: {  	[hbm4b:s2+s3] =	stream.indirect_vreg.scatter [tilespmem:s23], [sflag:$0x9], $0x80, v4, vm0, $0xb8;
	[tilespmem:$0x1C700] =	vst v63  }
0x4a9: {  	_ = 	snop  }
0x4aa: {  	[hbm4b:s4+s3] =	stream.indirect_vreg.scatter [tilespmem:s18], [sflag:$0x9], $0x80, v4, vm0, $0xb8;
	[tilespmem:$0x1C700] =	vst v63  }
0x4ab: {  	_ = 	snop  }
0x4ac: {  	[hbm4b:s2+s3] =	stream.indirect_vreg.scatter [tilespmem:s20], [sflag:$0x9], $0x80, v1, vm0, $0xb8;
	[tilespmem:$0x1C700] =	vst v63  }
0x4ad: {  	_ = 	snop  }
0x4ae: {  	[hbm4b:s4+s3] =	stream.indirect_vreg.scatter [tilespmem:s29], [sflag:$0x9], $0x80, v1, vm0, $0xb8;
	[tilespmem:$0x1C700] =	vst v63  }
0x4af: {  	_ =	swait.ge [sflag:s8], $0x4000  }
0x4b0: {  	[sflag:s8] =	ssyncset.done $0x0  }
0x4b1: {  	[sflag:s8] =	ssyncadd.s32 $0xFFFFC000  }
0x4b2: {  	_ =	swait.ge [sflag:s8], $0x4000  }
0x4b3: {  	[sflag:s8] =	ssyncset.done $0x0  }
0x4b4: {  	[sflag:s8] =	ssyncadd.s32 $0xFFFFC000  }
0x4b5: {  	_ =	swait.ge [sflag:s10], $0x4000  }
0x4b6: {  	[sflag:s10] =	ssyncset.done $0x0  }
0x4b7: {  	[sflag:s10] =	ssyncadd.s32 $0xFFFFC000  }
0x4b8: {  	_ =	swait.ge [sflag:s10], $0x4000  }
0x4b9: {  	[sflag:s10] =	ssyncset.done $0x0  }
0x4ba: {  	[sflag:s10] =	ssyncadd.s32 $0xFFFFC000  }
0x4bb: {  	_ =	swait.ge [sflag:s13], $0x4000  }
0x4bc: {  	[sflag:s13] =	ssyncset.done $0x0  }
0x4bd: {  	[sflag:s13] =	ssyncadd.s32 $0xFFFFC000  }
0x4be: {  	_ =	swait.ge [sflag:s13], $0x4000  }
0x4bf: {  	[sflag:s13] =	ssyncset.done $0x0  }
0x4c0: {  	[sflag:s13] =	ssyncadd.s32 $0xFFFFC000  }
0x4c1: {  	_ =	swait.ge [sflag:s14], $0x4000  }
0x4c2: {  	[sflag:s14] =	ssyncset.done $0x0  }
0x4c3: {  	[sflag:s14] =	ssyncadd.s32 $0xFFFFC000  }
0x4c4: {  	_ =	swait.ge [sflag:s14], $0x4000  }
0x4c5: {  	[sflag:s14] =	ssyncset.done $0x0  }
0x4c6: {  	[sflag:s14] =	ssyncadd.s32 $0xFFFFC000  }
0x4c7: {  	_ =	swait.ge [sflag:s5], $0x4000  }
0x4c8: {  	[sflag:s5] =	ssyncset.done $0x0  }
0x4c9: {  	[sflag:s5] =	ssyncadd.s32 $0xFFFFC000  }
0x4ca: {  	_ =	swait.ge [sflag:s5], $0x4000  }
0x4cb: {  	[sflag:s5] =	ssyncset.done $0x0  }
0x4cc: {  	s9 =	simm.s32 $0x8;
	[sflag:s5] =	ssyncadd.s32 $0xFFFFC000  }
0x4cd: {  	s31 =	rddreg [dreg:$0x13];
	_ =	swait.ge [sflag:s9], $0x4000  }
0x4ce: {  	[sflag:s9] =	ssyncset.done $0x0  }
0x4cf: {  	[sflag:s9] =	ssyncadd.s32 $0xFFFFC000  }
0x4d0: {  	_ =	swait.ge [sflag:s9], $0x4000  }
0x4d1: {  	[sflag:s9] =	ssyncset.done $0x0  }
0x4d2: {  	[sflag:s9] =	ssyncadd.s32 $0xFFFFC000  }
0x4d3: {  	p0 =	sne.s32 s31, $0x1;
	_ =	swait.ge [sflag:s17], $0x4000  }
.Ltmp0:
0x4d4: {  	[sflag:s17] =	ssyncset.done $0x0;
	(pc) =	sbr.rel @p0 .LBB2_1-.Ltmp0, $4  }
0x4d5: {  	[sflag:s17] =	ssyncadd.s32 $0xFFFFC000  }
0x4d6: {  	_ =	swait.ge [sflag:s17], $0x4000  }
0x4d7: {  	[sflag:s17] =	ssyncset.done $0x0  }
0x4d8: {  	s5 =	sadd.s32 $0xFFFFFFFF, s31;
	[sflag:s17] =	ssyncadd.s32 $0xFFFFC000  }
0x4d9: {  	_ =	sfence.sel $0x180000  }
0x4da: {  	[bflag:$0x0] =	sbarrier.arrive $0xFFFF  }
0x4db: {  	_ =	strace $0x90000047  }
0x4dc: {  	s0 =	stileid.u32;
	[bflag:$0x2] =	sbarrier.arrive $0xFFFF  }
0x4dd: {  	p0 =	sne.s32 s0, $0x0;
	s0 =	rddreg [dreg:$0x2]  }
0x4de: {  	s0 =	sadd.s32 @!p0 $0x100000, s0  }
0x4df: {  	[sflag:s0] =	ssyncadd.tile.s32 @!p0 $0x1;
	_ =	shalt  }
.Lfunc_end2:
_tile_overlayer_lowered:
.L_overlay_start_2:
0x4e0: {  	(tag) =	ssettag $0x2  }
0x4e1: {  	s0 =	rddreg [dreg:$0x0];
	s2 =	stileid.u32  }
0x4e2: {  	s1 =	rddreg [dreg:$0x1];
	p0 =	sne.s32 s2, $0x0  }
0x4e3: {  	s3 =	rddreg [dreg:$0x2];
	[bflag:$0x3] =	sbarrier.arrive $0xFFFF;
	s2 =	simm.s32 @!p0 $0x1C0F  }
0x4e4: {  	[timem:s3], [sflag:s2] =	dma.local @!p0 [hbm:s0], s1  }
0x4e5: {  	s0 =	simm.s32 @!p0 $0xF  }
0x4e6: {  	_ =	swait.ge @!p0 [sflag:s0], s1  }
0x4e7: {  	s1 =	ssub.s32 @!p0 $0x0, s1;
	[sflag:s0] =	ssyncset.done @!p0 $0x0  }
0x4e8: {  	[sflag:s0] =	ssyncadd.s32 @!p0 s1  }
0x4e9: {  	[bflag:$0x3] =	sbarrier.arrive $0xFFFF  }
0x4ea: {  	_ =	shalt  }

</sc_bundles>
